<compile_context>
chip_gen: v7x
topology: tpu7x:2x2x1
jax: 0.10.2.dev20260603
libtpu: 0.0.44.dev20260713+nightly
codegen_flags: <defaults>
</compile_context>

<pallas_src>
import functools

import jax
import jax.numpy as jnp
from jax import lax
from jax.experimental import pallas as pl
from jax.experimental.pallas import tpu as pltpu
from jax.experimental.pallas import tpu_sc as plsc

N = 10000
E = 160000
D = 256
H = 256
HH = 128
B = 64
C = 10
NB = 10
R = N // NB

NSC = 2
NT = 16
EC = 125
EPT = E // NT
CPT = EPT // EC
RPT = N // NT


ZR = 624
ZREM = N - (NT - 1) * ZR - ZR


def _sc_agg_body(h_hbm, src_hbm, dst_hbm, zeros_hbm, out_hbm,
                 sidx_v, didx_v, rows_v, acc, sem, sem2):
    c = lax.axis_index("c")
    s = lax.axis_index("s")
    pltpu.sync_copy(zeros_hbm.at[pl.ds(s * ZR, ZR)], acc.at[pl.ds(s * ZR, ZR)])

    @pl.when(s == NT - 1)
    def _zrem():
        pltpu.sync_copy(zeros_hbm.at[pl.ds(NT * ZR, ZREM)],
                        acc.at[pl.ds(NT * ZR, ZREM)])

    pltpu.sync_copy(src_hbm.at[c * NT + s], sidx_v)
    pltpu.sync_copy(dst_hbm.at[s], didx_v)
    plsc.subcore_barrier()

    def chunk(ci, carry):
        pltpu.async_copy(h_hbm.at[sidx_v.at[ci]], rows_v.at[0], sem).wait()
        pltpu.sync_copy(rows_v.at[0], acc.at[didx_v.at[ci]], add=True)
        return carry

    lax.fori_loop(0, CPT, chunk, 0)
    plsc.subcore_barrier()
    pltpu.sync_copy(acc.at[pl.ds(s * ZR, ZR)],
                    out_hbm.at[pl.ds(c * N + s * ZR, ZR)])

    @pl.when(s == NT - 1)
    def _wrem():
        pltpu.sync_copy(acc.at[pl.ds(NT * ZR, ZREM)],
                        out_hbm.at[pl.ds(c * N + NT * ZR, ZREM)])


@functools.cache
def _sc_agg_call():
    return pl.kernel(
        _sc_agg_body,
        out_type=jax.ShapeDtypeStruct((2 * N, HH), jnp.float32),
        mesh=plsc.VectorSubcoreMesh(core_axis_name="c", subcore_axis_name="s",
                                    num_cores=NSC, num_subcores=NT),
        scratch_types=[
            pltpu.VMEM((CPT, EC), jnp.int32),
            pltpu.VMEM((CPT, EC), jnp.int32),
            pltpu.VMEM((1, EC, HH), jnp.float32),
            pltpu.VMEM_SHARED((N, HH), jnp.float32),
            pltpu.SemaphoreType.DMA,
            pltpu.SemaphoreType.DMA,
        ],
    )


def _gin_fused_body(eps_ref, h0, h1, a0, a1, w1, b1, w2, b2, gam, bet, bat,
                    hout_ref, g_ref, u_scr, st_scr):
    p = pl.program_id(0)
    i = pl.program_id(1)

    @pl.when(p == 0)
    def _compute():
        ep = 1.0 + eps_ref[0, 0]
        z0 = ep * h0[...] + a0[...]
        z1 = ep * h1[...] + a1[...]
        t = jnp.dot(z0, w1[0:HH, :], preferred_element_type=jnp.float32)
        t = t + jnp.dot(z1, w1[HH:D, :], preferred_element_type=jnp.float32)
        t = jnp.maximum(t + b1[...], 0.0)
        u = jnp.dot(t, w2[...], preferred_element_type=jnp.float32) + b2[...]
        u = jnp.maximum(u, 0.0)
        u_scr[pl.ds(i * R, R), :] = u
        stats = jnp.concatenate([jnp.sum(u, axis=0, keepdims=True),
                                 jnp.sum(u * u, axis=0, keepdims=True)], axis=0)

        @pl.when(i == 0)
        def _init():
            st_scr[...] = stats

        @pl.when(i > 0)
        def _acc():
            st_scr[...] += stats

    @pl.when(p == 1)
    def _norm():
        m = st_scr[0:1, :] * (1.0 / N)
        var = st_scr[1:2, :] * (1.0 / N) - m * m
        a = gam[...] * lax.rsqrt(var + 1e-5)
        b = bet[...] - m * a
        y = u_scr[pl.ds(i * R, R), :] * a + b
        hout_ref[0] = y[:, 0:HH]
        hout_ref[1] = y[:, HH:H]
        seg = lax.broadcasted_iota(jnp.int32, (B, R), 0)
        msk = jnp.where(bat[0] == seg, 1.0, 0.0)
        gp = jnp.dot(msk, y, preferred_element_type=jnp.float32)

        @pl.when(i == 0)
        def _init():
            g_ref[...] = gp

        @pl.when(i > 0)
        def _acc():
            g_ref[...] += gp


_gin_fused = pl.pallas_call(
    _gin_fused_body,
    grid=(2, NB),
    in_specs=[
        pl.BlockSpec(memory_space=pltpu.SMEM),
        pl.BlockSpec((R, HH), lambda p, i: (jnp.where(p == 0, i, 0), 0)),
        pl.BlockSpec((R, HH), lambda p, i: (jnp.where(p == 0, i + NB, 0), 0)),
        pl.BlockSpec((R, HH), lambda p, i: (jnp.where(p == 0, i, 0), 0)),
        pl.BlockSpec((R, HH), lambda p, i: (jnp.where(p == 0, i + NB, 0), 0)),
        pl.BlockSpec((D, H), lambda p, i: (0, 0)),
        pl.BlockSpec((1, H), lambda p, i: (0, 0)),
        pl.BlockSpec((H, H), lambda p, i: (0, 0)),
        pl.BlockSpec((1, H), lambda p, i: (0, 0)),
        pl.BlockSpec((1, H), lambda p, i: (0, 0)),
        pl.BlockSpec((1, H), lambda p, i: (0, 0)),
        pl.BlockSpec((1, 1, R), lambda p, i: (jnp.where(p == 0, 0, i), 0, 0)),
    ],
    out_specs=[
        pl.BlockSpec((2, R, HH), lambda p, i: (0, jnp.where(p == 0, 0, i), 0)),
        pl.BlockSpec((B, H), lambda p, i: (0, 0)),
    ],
    out_shape=[
        jax.ShapeDtypeStruct((2, N, HH), jnp.float32),
        jax.ShapeDtypeStruct((B, H), jnp.float32),
    ],
    scratch_shapes=[
        pltpu.VMEM((N, H), jnp.float32),
        pltpu.VMEM((2, H), jnp.float32),
    ],
)


def _cls_body(g1, g2, g3, g4, bat, w1, b1, w2, b2, w3, b3, w4, b4, out_ref):
    seg = lax.broadcasted_iota(jnp.int32, (B, R), 0)
    cnt = jnp.zeros((B, 1), jnp.float32)
    for r in range(NB):
        msk = jnp.where(bat[r:r + 1, :] == seg, 1.0, 0.0)
        cnt = cnt + jnp.sum(msk, axis=1, keepdims=True)
    inv = 1.0 / jnp.maximum(cnt, 1.0)
    z = jnp.dot(g1[...] * inv, w1[0:H, :], preferred_element_type=jnp.float32)
    z = z + jnp.dot(g2[...] * inv, w1[H:2 * H, :], preferred_element_type=jnp.float32)
    z = z + jnp.dot(g3[...] * inv, w1[2 * H:3 * H, :], preferred_element_type=jnp.float32)
    z = z + jnp.dot(g4[...] * inv, w1[3 * H:4 * H, :], preferred_element_type=jnp.float32)
    z = jnp.maximum(z + b1[...], 0.0)
    z = jnp.maximum(jnp.dot(z, w2[...], preferred_element_type=jnp.float32) + b2[...], 0.0)
    z = jnp.maximum(jnp.dot(z, w3[...], preferred_element_type=jnp.float32) + b3[...], 0.0)
    z = jnp.dot(z, w4[...], preferred_element_type=jnp.float32) + b4[...]
    mx = jnp.max(z, axis=1, keepdims=True)
    e = z - mx
    out_ref[...] = e - jnp.log(jnp.sum(jnp.exp(e), axis=1, keepdims=True))


_cls = pl.pallas_call(
    _cls_body,
    grid=(1,),
    in_specs=[
        pl.BlockSpec((B, H), lambda i: (0, 0)),
        pl.BlockSpec((B, H), lambda i: (0, 0)),
        pl.BlockSpec((B, H), lambda i: (0, 0)),
        pl.BlockSpec((B, H), lambda i: (0, 0)),
        pl.BlockSpec((NB, R), lambda i: (0, 0)),
        pl.BlockSpec((4 * H, 2 * H), lambda i: (0, 0)),
        pl.BlockSpec((1, 2 * H), lambda i: (0, 0)),
        pl.BlockSpec((2 * H, H), lambda i: (0, 0)),
        pl.BlockSpec((1, H), lambda i: (0, 0)),
        pl.BlockSpec((H, H), lambda i: (0, 0)),
        pl.BlockSpec((1, H), lambda i: (0, 0)),
        pl.BlockSpec((H, C), lambda i: (0, 0)),
        pl.BlockSpec((1, C), lambda i: (0, 0)),
    ],
    out_specs=pl.BlockSpec((B, C), lambda i: (0, 0)),
    out_shape=jax.ShapeDtypeStruct((B, C), jnp.float32),
)


def kernel(x, edge_index, batch, params):
    src = edge_index[0]
    dst = edge_index[1]
    srcoff = jnp.concatenate([src, src + N]).reshape(2 * NT, CPT, EC)
    dst3d = dst.reshape(NT, CPT, EC)
    zeros_h = jnp.zeros((N, HH), jnp.float32)
    bat2d = batch.reshape(NB, R)
    bat3d = batch.reshape(NB, 1, R)
    h_cat = jnp.concatenate([x[:, :HH], x[:, HH:]], axis=0)

    gs = []
    for p in params['convs']:
        agg = _sc_agg_call()(h_cat, srcoff, dst3d, zeros_h)
        eps = jnp.reshape(p['eps'], (1, 1))
        hout, g = _gin_fused(eps, h_cat, h_cat, agg, agg,
                             p['W1'], p['b1'].reshape(1, H),
                             p['W2'], p['b2'].reshape(1, H),
                             p['gamma'].reshape(1, H),
                             p['beta'].reshape(1, H), bat3d)
        h_cat = hout.reshape(2 * N, HH)
        gs.append(g)

    cl = params['cls']
    return _cls(gs[0], gs[1], gs[2], gs[3], bat2d,
                cl[0]['W'], cl[0]['b'].reshape(1, 2 * H),
                cl[1]['W'], cl[1]['b'].reshape(1, H),
                cl[2]['W'], cl[2]['b'].reshape(1, H),
                cl[3]['W'], cl[3]['b'].reshape(1, C))

# --- scband reference (transcript-rebuilt; emitter-appended) ---
"""Pipeline reference for scband-multi-task-fegin-4561255269078 (READ-ONLY COPY).

The authoritative reference and input builder live on the scoring server;
editing this copy changes nothing except your own understanding.
"""

import jax, jax.numpy as jnp
import numpy as np

N = 10000      # nodes
E = 160000     # edges
D = 256        # input features (dataset.num_features)
H = 256        # hidden
L = 4          # num_layers
C = 10         # dataset.num_classes
B = 64         # number of graphs in the batch


def _lin(k, fi, fo):
    return (jax.random.normal(k, (fi, fo), dtype=jnp.float32) / np.sqrt(fi)).astype(jnp.float32)


def setup_inputs(seed: int = 0) -> dict:
    key = jax.random.key(seed)
    ks = jax.random.split(key, 32)
    x = jax.random.normal(ks[0], (N, D), dtype=jnp.float32)
    edge_index = jax.random.randint(ks[1], (2, E), 0, N, dtype=jnp.int32)
    batch = jnp.sort(jax.random.randint(ks[2], (N,), 0, B, dtype=jnp.int32))

    ki = iter(ks[3:])
    convs = []
    fi = D
    for _ in range(L):
        convs.append({
            'eps': jnp.zeros((), dtype=jnp.float32),
            'W1': _lin(next(ki), fi, H), 'b1': jnp.zeros((H,), jnp.float32),
            'W2': _lin(next(ki), H, H), 'b2': jnp.zeros((H,), jnp.float32),
            'gamma': jnp.ones((H,), jnp.float32), 'beta': jnp.zeros((H,), jnp.float32),
        })
        fi = H
    cls_dims = [(L * H, 2 * H), (2 * H, H), (H, H), (H, C)]
    cls = [{'W': _lin(next(ki), a, b), 'b': jnp.zeros((b,), jnp.float32)} for (a, b) in cls_dims]
    params = {'convs': convs, 'cls': cls}
    return {'x': x, 'edge_index': edge_index, 'batch': batch, 'params': params}


def _gin_layer(h, src, dst, p):
    # GINConv with train_eps: nn((1+eps)*x + sum_{j in N(i)} x_j)
    agg = jnp.zeros_like(h).at[dst].add(h[src])
    z = (1.0 + p['eps']) * h + agg
    z = jax.nn.relu(z @ p['W1'] + p['b1'])
    z = jax.nn.relu(z @ p['W2'] + p['b2'])
    # BatchNorm1d (training-mode batch statistics)
    m = z.mean(axis=0)
    v = z.var(axis=0)
    return (z - m) / jnp.sqrt(v + 1e-5) * p['gamma'] + p['beta']


def reference(x, edge_index, batch, params):
    src, dst = edge_index[0], edge_index[1]
    h = x
    xs = []
    for p in params['convs']:
        h = _gin_layer(h, src, dst, p)
        xs.append(h)
    node_emb = jnp.concatenate(xs, axis=-1)            # [N, L*H]
    # global_mean_pool over per-graph segments
    sums = jax.ops.segment_sum(node_emb, batch, num_segments=B)
    cnt = jax.ops.segment_sum(jnp.ones((node_emb.shape[0],), jnp.float32), batch, num_segments=B)
    g = sums / jnp.clip(cnt, 1.0)[:, None]             # [B, L*H]
    # node_classifier (dropout = identity in eval)
    z = g
    for i, p in enumerate(params['cls']):
        z = z @ p['W'] + p['b']
        if i < len(params['cls']) - 1:
            z = jax.nn.relu(z)
    return jax.nn.log_softmax(z, axis=1)               # [B, C]

if __name__ == "__main__":
    import jax
    _d = setup_inputs()
    print(jax.jit(kernel)(*tuple(_d.values())))

</pallas_src>

<mosaic_0001>
#map = affine_map<(d0, d1) -> (0, 0)>
#map1 = affine_map<(d0, d1) -> (0, 0, 0)>
module attributes {stable_mosaic.version = 14 : i64} {
  func.func @_sc_agg_body(%arg0: i32, %arg1: i32, %arg2: memref<20000x128xf32, #tpu.memory_space<hbm>>, %arg3: memref<32x80x125xi32, #tpu.memory_space<hbm>>, %arg4: memref<16x80x125xi32, #tpu.memory_space<hbm>>, %arg5: memref<10000x128xf32, #tpu.memory_space<hbm>>, %arg6: memref<20000x128xf32, #tpu.memory_space<hbm>>, %arg7: memref<80x125xi32, #tpu.memory_space<vmem>>, %arg8: memref<80x125xi32, #tpu.memory_space<vmem>>, %arg9: memref<1x125x128xf32, #tpu.memory_space<vmem>>, %arg10: memref<10000x128xf32, #tpu.memory_space<vmem_shared>>, %arg11: memref<!tpu.dma_semaphore, #tpu.memory_space<semaphore_mem>>, %arg12: memref<!tpu.dma_semaphore, #tpu.memory_space<semaphore_mem>>) attributes {dimension_semantics = [#tpu.dimension_semantics<core_parallel>, #tpu.dimension_semantics<subcore_parallel>], iteration_bounds = array<i64: 2, 16>, scalar_prefetch = 0 : i64, scratch_operands = 6 : i64, tpu.core_type = #tpu.core_type<sc_vector_subcore>, window_params = [{transform_indices = #map}, {transform_indices = #map1}, {transform_indices = #map1}, {transform_indices = #map}, {transform_indices = #map}]} {
    %mul3A = arith.constant 624 : i32
    %mul3A_0 = arith.muli %arg1, %mul3A : i32
    %mul3A_1 = arith.constant 624 : i32
    %mul3A_2 = arith.muli %arg1, %mul3A_1 : i32
    "tpu.region"() ({
      %run_scoped3A = tpu.sem_alloc : memref<!tpu.dma_semaphore, #tpu.memory_space<semaphore_mem>>
      %dma_start3A = arith.constant 0 : i32
      %dma_start3A_25 = tpu.memref_slice %arg10[%mul3A_2, %dma_start3A] : memref<10000x128xf32, #tpu.memory_space<vmem_shared>> -> memref<624x128xf32, #tpu.memory_space<vmem_shared>>
      %dma_start3A_26 = arith.constant 0 : i32
      %dma_start3A_27 = tpu.memref_slice %arg5[%mul3A_0, %dma_start3A_26] : memref<10000x128xf32, #tpu.memory_space<hbm>> -> memref<624x128xf32, #tpu.memory_space<hbm>>
      tpu.enqueue_dma source(%dma_start3A_27 : memref<624x128xf32, #tpu.memory_space<hbm>>) target(%dma_start3A_25 : memref<624x128xf32, #tpu.memory_space<vmem_shared>>) target_semaphore(%run_scoped3A : memref<!tpu.dma_semaphore, #tpu.memory_space<semaphore_mem>>)
      %dma_wait3A = arith.constant 0 : i32
      %dma_wait3A_28 = tpu.memref_slice %arg10[%mul3A_2, %dma_wait3A] : memref<10000x128xf32, #tpu.memory_space<vmem_shared>> -> memref<624x128xf32, #tpu.memory_space<vmem_shared>>
      %dma_wait3A_29 = arith.constant 0 : i32
      %dma_wait3A_30 = tpu.memref_slice %arg5[%mul3A_0, %dma_wait3A_29] : memref<10000x128xf32, #tpu.memory_space<hbm>> -> memref<624x128xf32, #tpu.memory_space<hbm>>
      tpu.wait_dma2 semaphore(%run_scoped3A : memref<!tpu.dma_semaphore, #tpu.memory_space<semaphore_mem>>) src(%dma_wait3A_30 : memref<624x128xf32, #tpu.memory_space<hbm>>) dst(%dma_wait3A_28 : memref<624x128xf32, #tpu.memory_space<vmem_shared>>)
      tpu.yield
    }) : () -> ()
    %eq3A = arith.constant 15 : i32
    %eq3A_3 = arith.cmpi eq, %arg1, %eq3A : i32
    %convert_element_type3A = arith.extui %eq3A_3 : i1 to i32
    %cond3A = arith.constant 0 : i32
    %cond3A_4 = arith.cmpi ne, %convert_element_type3A, %cond3A : i32
    scf.if %cond3A_4 {
      "tpu.region"() ({
        %run_scoped3A = tpu.sem_alloc : memref<!tpu.dma_semaphore, #tpu.memory_space<semaphore_mem>>
        %dma_start3A = arith.constant 9984 : i32
        %dma_start3A_25 = arith.constant 0 : i32
        %dma_start3A_26 = tpu.memref_slice %arg10[%dma_start3A, %dma_start3A_25] : memref<10000x128xf32, #tpu.memory_space<vmem_shared>> -> memref<16x128xf32, #tpu.memory_space<vmem_shared>>
        %dma_start3A_27 = arith.constant 9984 : i32
        %dma_start3A_28 = arith.constant 0 : i32
        %dma_start3A_29 = tpu.memref_slice %arg5[%dma_start3A_27, %dma_start3A_28] : memref<10000x128xf32, #tpu.memory_space<hbm>> -> memref<16x128xf32, #tpu.memory_space<hbm>>
        tpu.enqueue_dma source(%dma_start3A_29 : memref<16x128xf32, #tpu.memory_space<hbm>>) target(%dma_start3A_26 : memref<16x128xf32, #tpu.memory_space<vmem_shared>>) target_semaphore(%run_scoped3A : memref<!tpu.dma_semaphore, #tpu.memory_space<semaphore_mem>>)
        %dma_wait3A = arith.constant 9984 : i32
        %dma_wait3A_30 = arith.constant 0 : i32
        %dma_wait3A_31 = tpu.memref_slice %arg10[%dma_wait3A, %dma_wait3A_30] : memref<10000x128xf32, #tpu.memory_space<vmem_shared>> -> memref<16x128xf32, #tpu.memory_space<vmem_shared>>
        %dma_wait3A_32 = arith.constant 9984 : i32
        %dma_wait3A_33 = arith.constant 0 : i32
        %dma_wait3A_34 = tpu.memref_slice %arg5[%dma_wait3A_32, %dma_wait3A_33] : memref<10000x128xf32, #tpu.memory_space<hbm>> -> memref<16x128xf32, #tpu.memory_space<hbm>>
        tpu.wait_dma2 semaphore(%run_scoped3A : memref<!tpu.dma_semaphore, #tpu.memory_space<semaphore_mem>>) src(%dma_wait3A_34 : memref<16x128xf32, #tpu.memory_space<hbm>>) dst(%dma_wait3A_31 : memref<16x128xf32, #tpu.memory_space<vmem_shared>>)
        tpu.yield
      }) : () -> ()
    } else {
    }
    %mul3A_5 = arith.constant 16 : i32
    %mul3A_6 = arith.muli %arg0, %mul3A_5 : i32
    %add3A = arith.addi %mul3A_6, %arg1 : i32
    "tpu.region"() ({
      %run_scoped3A = tpu.sem_alloc : memref<!tpu.dma_semaphore, #tpu.memory_space<semaphore_mem>>
      %dma_start3A = arith.constant 0 : i32
      %dma_start3A_25 = arith.constant 0 : i32
      %dma_start3A_26 = tpu.memref_slice %arg3[%add3A, %dma_start3A, %dma_start3A_25] : memref<32x80x125xi32, #tpu.memory_space<hbm>> -> memref<1x80x125xi32, #tpu.memory_space<hbm>>
      %dma_start3A_27 = tpu.memref_squeeze %dma_start3A_26 : memref<1x80x125xi32, #tpu.memory_space<hbm>> -> memref<80x125xi32, #tpu.memory_space<hbm>>
      %dma_start3A_28 = arith.constant 0 : i32
      %dma_start3A_29 = arith.constant 0 : i32
      %dma_start3A_30 = tpu.memref_slice %arg3[%add3A, %dma_start3A_28, %dma_start3A_29] : memref<32x80x125xi32, #tpu.memory_space<hbm>> -> memref<1x80x125xi32, #tpu.memory_space<hbm>>
      %dma_start3A_31 = tpu.memref_squeeze %dma_start3A_30 : memref<1x80x125xi32, #tpu.memory_space<hbm>> -> memref<80x125xi32, #tpu.memory_space<hbm>>
      tpu.enqueue_dma source(%dma_start3A_31 : memref<80x125xi32, #tpu.memory_space<hbm>>) target(%arg7 : memref<80x125xi32, #tpu.memory_space<vmem>>) target_semaphore(%run_scoped3A : memref<!tpu.dma_semaphore, #tpu.memory_space<semaphore_mem>>)
      %dma_wait3A = arith.constant 0 : i32
      %dma_wait3A_32 = arith.constant 0 : i32
      %dma_wait3A_33 = tpu.memref_slice %arg3[%add3A, %dma_wait3A, %dma_wait3A_32] : memref<32x80x125xi32, #tpu.memory_space<hbm>> -> memref<1x80x125xi32, #tpu.memory_space<hbm>>
      %dma_wait3A_34 = tpu.memref_squeeze %dma_wait3A_33 : memref<1x80x125xi32, #tpu.memory_space<hbm>> -> memref<80x125xi32, #tpu.memory_space<hbm>>
      %dma_wait3A_35 = arith.constant 0 : i32
      %dma_wait3A_36 = arith.constant 0 : i32
      %dma_wait3A_37 = tpu.memref_slice %arg3[%add3A, %dma_wait3A_35, %dma_wait3A_36] : memref<32x80x125xi32, #tpu.memory_space<hbm>> -> memref<1x80x125xi32, #tpu.memory_space<hbm>>
      %dma_wait3A_38 = tpu.memref_squeeze %dma_wait3A_37 : memref<1x80x125xi32, #tpu.memory_space<hbm>> -> memref<80x125xi32, #tpu.memory_space<hbm>>
      tpu.wait_dma2 semaphore(%run_scoped3A : memref<!tpu.dma_semaphore, #tpu.memory_space<semaphore_mem>>) src(%dma_wait3A_38 : memref<80x125xi32, #tpu.memory_space<hbm>>) dst(%arg7 : memref<80x125xi32, #tpu.memory_space<vmem>>)
      tpu.yield
    }) : () -> ()
    "tpu.region"() ({
      %run_scoped3A = tpu.sem_alloc : memref<!tpu.dma_semaphore, #tpu.memory_space<semaphore_mem>>
      %dma_start3A = arith.constant 0 : i32
      %dma_start3A_25 = arith.constant 0 : i32
      %dma_start3A_26 = tpu.memref_slice %arg4[%arg1, %dma_start3A, %dma_start3A_25] : memref<16x80x125xi32, #tpu.memory_space<hbm>> -> memref<1x80x125xi32, #tpu.memory_space<hbm>>
      %dma_start3A_27 = tpu.memref_squeeze %dma_start3A_26 : memref<1x80x125xi32, #tpu.memory_space<hbm>> -> memref<80x125xi32, #tpu.memory_space<hbm>>
      %dma_start3A_28 = arith.constant 0 : i32
      %dma_start3A_29 = arith.constant 0 : i32
      %dma_start3A_30 = tpu.memref_slice %arg4[%arg1, %dma_start3A_28, %dma_start3A_29] : memref<16x80x125xi32, #tpu.memory_space<hbm>> -> memref<1x80x125xi32, #tpu.memory_space<hbm>>
      %dma_start3A_31 = tpu.memref_squeeze %dma_start3A_30 : memref<1x80x125xi32, #tpu.memory_space<hbm>> -> memref<80x125xi32, #tpu.memory_space<hbm>>
      tpu.enqueue_dma source(%dma_start3A_31 : memref<80x125xi32, #tpu.memory_space<hbm>>) target(%arg8 : memref<80x125xi32, #tpu.memory_space<vmem>>) target_semaphore(%run_scoped3A : memref<!tpu.dma_semaphore, #tpu.memory_space<semaphore_mem>>)
      %dma_wait3A = arith.constant 0 : i32
      %dma_wait3A_32 = arith.constant 0 : i32
      %dma_wait3A_33 = tpu.memref_slice %arg4[%arg1, %dma_wait3A, %dma_wait3A_32] : memref<16x80x125xi32, #tpu.memory_space<hbm>> -> memref<1x80x125xi32, #tpu.memory_space<hbm>>
      %dma_wait3A_34 = tpu.memref_squeeze %dma_wait3A_33 : memref<1x80x125xi32, #tpu.memory_space<hbm>> -> memref<80x125xi32, #tpu.memory_space<hbm>>
      %dma_wait3A_35 = arith.constant 0 : i32
      %dma_wait3A_36 = arith.constant 0 : i32
      %dma_wait3A_37 = tpu.memref_slice %arg4[%arg1, %dma_wait3A_35, %dma_wait3A_36] : memref<16x80x125xi32, #tpu.memory_space<hbm>> -> memref<1x80x125xi32, #tpu.memory_space<hbm>>
      %dma_wait3A_38 = tpu.memref_squeeze %dma_wait3A_37 : memref<1x80x125xi32, #tpu.memory_space<hbm>> -> memref<80x125xi32, #tpu.memory_space<hbm>>
      tpu.wait_dma2 semaphore(%run_scoped3A : memref<!tpu.dma_semaphore, #tpu.memory_space<semaphore_mem>>) src(%dma_wait3A_38 : memref<80x125xi32, #tpu.memory_space<hbm>>) dst(%arg8 : memref<80x125xi32, #tpu.memory_space<vmem>>)
      tpu.yield
    }) : () -> ()
    %barrier3A = arith.constant 0 : index
    tpu.barrier barrier_id(%barrier3A)
    %scan3A = arith.constant 0 : i32
    %scan3A_7 = arith.constant 0 : i32
    %scan3A_8 = arith.constant 80 : i32
    %scan3A_9 = arith.addi %scan3A_7, %scan3A_8 : i32
    %scan3A_10 = arith.constant 1 : i32
    scf.for %scan3A_25 = %scan3A_7 to %scan3A_9 step %scan3A_10  : i32 {
      %dma_start3A = arith.constant 0 : i32
      %dma_start3A_26 = arith.constant 0 : i32
      %dma_start3A_27 = arith.constant 0 : i32
      %dma_start3A_28 = tpu.memref_slice %arg9[%dma_start3A, %dma_start3A_26, %dma_start3A_27] : memref<1x125x128xf32, #tpu.memory_space<vmem>> -> memref<1x125x128xf32, #tpu.memory_space<vmem>>
      %dma_start3A_29 = tpu.memref_squeeze %dma_start3A_28 : memref<1x125x128xf32, #tpu.memory_space<vmem>> -> memref<125x128xf32, #tpu.memory_space<vmem>>
      %dma_start3A_30 = arith.constant 0 : i32
      %dma_start3A_31 = tpu.memref_slice %arg7[%scan3A_25, %dma_start3A_30] : memref<80x125xi32, #tpu.memory_space<vmem>> -> memref<1x125xi32, #tpu.memory_space<vmem>>
      %dma_start3A_32 = tpu.memref_squeeze %dma_start3A_31 : memref<1x125xi32, #tpu.memory_space<vmem>> -> memref<125xi32, #tpu.memory_space<vmem>>
      %dma_start3A_33 = arith.constant 0 : i32
      %dma_start3A_34 = arith.constant 0 : i32
      %dma_start3A_35 = tpu.memref_slice %arg2[%dma_start3A_33, %dma_start3A_34] : memref<20000x128xf32, #tpu.memory_space<hbm>> -> memref<20000x128xf32, #tpu.memory_space<hbm>>
      tpu.enqueue_indirect_dma source(%dma_start3A_35 : memref<20000x128xf32, #tpu.memory_space<hbm>>) target(%dma_start3A_29 : memref<125x128xf32, #tpu.memory_space<vmem>>) offsets(%dma_start3A_32 : memref<125xi32, #tpu.memory_space<vmem>>) semaphore(%arg11 : memref<!tpu.dma_semaphore, #tpu.memory_space<semaphore_mem>>)
      %dma_wait3A = arith.constant 0 : i32
      %dma_wait3A_36 = arith.constant 0 : i32
      %dma_wait3A_37 = arith.constant 0 : i32
      %dma_wait3A_38 = tpu.memref_slice %arg9[%dma_wait3A, %dma_wait3A_36, %dma_wait3A_37] : memref<1x125x128xf32, #tpu.memory_space<vmem>> -> memref<1x125x128xf32, #tpu.memory_space<vmem>>
      %dma_wait3A_39 = tpu.memref_squeeze %dma_wait3A_38 : memref<1x125x128xf32, #tpu.memory_space<vmem>> -> memref<125x128xf32, #tpu.memory_space<vmem>>
      %dma_wait3A_40 = arith.constant 0 : i32
      %dma_wait3A_41 = tpu.memref_slice %arg7[%scan3A_25, %dma_wait3A_40] : memref<80x125xi32, #tpu.memory_space<vmem>> -> memref<1x125xi32, #tpu.memory_space<vmem>>
      %dma_wait3A_42 = tpu.memref_squeeze %dma_wait3A_41 : memref<1x125xi32, #tpu.memory_space<vmem>> -> memref<125xi32, #tpu.memory_space<vmem>>
      %dma_wait3A_43 = arith.constant 0 : i32
      %dma_wait3A_44 = arith.constant 0 : i32
      %dma_wait3A_45 = tpu.memref_slice %arg2[%dma_wait3A_43, %dma_wait3A_44] : memref<20000x128xf32, #tpu.memory_space<hbm>> -> memref<20000x128xf32, #tpu.memory_space<hbm>>
      tpu.wait_indirect_dma semaphore(%arg11 : memref<!tpu.dma_semaphore, #tpu.memory_space<semaphore_mem>>) src(%dma_wait3A_45 : memref<20000x128xf32, #tpu.memory_space<hbm>>) dst(%dma_wait3A_39 : memref<125x128xf32, #tpu.memory_space<vmem>>)
      %run_scoped3A = arith.constant 0 : i32
      "tpu.region"() ({
        %run_scoped3A_46 = tpu.sem_alloc : memref<!tpu.dma_semaphore, #tpu.memory_space<semaphore_mem>>
        %dma_start3A_47 = arith.constant 0 : i32
        %dma_start3A_48 = arith.constant 0 : i32
        %dma_start3A_49 = tpu.memref_slice %arg9[%run_scoped3A, %dma_start3A_47, %dma_start3A_48] : memref<1x125x128xf32, #tpu.memory_space<vmem>> -> memref<1x125x128xf32, #tpu.memory_space<vmem>>
        %dma_start3A_50 = tpu.memref_squeeze %dma_start3A_49 : memref<1x125x128xf32, #tpu.memory_space<vmem>> -> memref<125x128xf32, #tpu.memory_space<vmem>>
        %dma_start3A_51 = arith.constant 0 : i32
        %dma_start3A_52 = tpu.memref_slice %arg8[%scan3A_25, %dma_start3A_51] : memref<80x125xi32, #tpu.memory_space<vmem>> -> memref<1x125xi32, #tpu.memory_space<vmem>>
        %dma_start3A_53 = tpu.memref_squeeze %dma_start3A_52 : memref<1x125xi32, #tpu.memory_space<vmem>> -> memref<125xi32, #tpu.memory_space<vmem>>
        %dma_start3A_54 = arith.constant 0 : i32
        %dma_start3A_55 = arith.constant 0 : i32
        %dma_start3A_56 = tpu.memref_slice %arg10[%dma_start3A_54, %dma_start3A_55] : memref<10000x128xf32, #tpu.memory_space<vmem_shared>> -> memref<10000x128xf32, #tpu.memory_space<vmem_shared>>
        tpu.enqueue_indirect_dma source(%dma_start3A_50 : memref<125x128xf32, #tpu.memory_space<vmem>>) target(%dma_start3A_56 : memref<10000x128xf32, #tpu.memory_space<vmem_shared>>) offsets(%dma_start3A_53 : memref<125xi32, #tpu.memory_space<vmem>>) semaphore(%run_scoped3A_46 : memref<!tpu.dma_semaphore, #tpu.memory_space<semaphore_mem>>) {add = true}
        %dma_wait3A_57 = arith.constant 0 : i32
        %dma_wait3A_58 = arith.constant 0 : i32
        %dma_wait3A_59 = tpu.memref_slice %arg9[%run_scoped3A, %dma_wait3A_57, %dma_wait3A_58] : memref<1x125x128xf32, #tpu.memory_space<vmem>> -> memref<1x125x128xf32, #tpu.memory_space<vmem>>
        %dma_wait3A_60 = tpu.memref_squeeze %dma_wait3A_59 : memref<1x125x128xf32, #tpu.memory_space<vmem>> -> memref<125x128xf32, #tpu.memory_space<vmem>>
        %dma_wait3A_61 = arith.constant 0 : i32
        %dma_wait3A_62 = tpu.memref_slice %arg8[%scan3A_25, %dma_wait3A_61] : memref<80x125xi32, #tpu.memory_space<vmem>> -> memref<1x125xi32, #tpu.memory_space<vmem>>
        %dma_wait3A_63 = tpu.memref_squeeze %dma_wait3A_62 : memref<1x125xi32, #tpu.memory_space<vmem>> -> memref<125xi32, #tpu.memory_space<vmem>>
        %dma_wait3A_64 = arith.constant 0 : i32
        %dma_wait3A_65 = arith.constant 0 : i32
        %dma_wait3A_66 = tpu.memref_slice %arg10[%dma_wait3A_64, %dma_wait3A_65] : memref<10000x128xf32, #tpu.memory_space<vmem_shared>> -> memref<10000x128xf32, #tpu.memory_space<vmem_shared>>
        tpu.wait_indirect_dma semaphore(%run_scoped3A_46 : memref<!tpu.dma_semaphore, #tpu.memory_space<semaphore_mem>>) src(%dma_wait3A_60 : memref<125x128xf32, #tpu.memory_space<vmem>>) dst(%dma_wait3A_66 : memref<10000x128xf32, #tpu.memory_space<vmem_shared>>)
        tpu.yield
      }) : () -> ()
    }
    %scan3A_11 = arith.constant 80 : i32
    %barrier3A_12 = arith.constant 0 : index
    tpu.barrier barrier_id(%barrier3A_12)
    %mul3A_13 = arith.constant 624 : i32
    %mul3A_14 = arith.muli %arg1, %mul3A_13 : i32
    %mul3A_15 = arith.constant 10000 : i32
    %mul3A_16 = arith.muli %arg0, %mul3A_15 : i32
    %mul3A_17 = arith.constant 624 : i32
    %mul3A_18 = arith.muli %arg1, %mul3A_17 : i32
    %add3A_19 = arith.addi %mul3A_16, %mul3A_18 : i32
    "tpu.region"() ({
      %run_scoped3A = tpu.sem_alloc : memref<!tpu.dma_semaphore, #tpu.memory_space<semaphore_mem>>
      %dma_start3A = arith.constant 0 : i32
      %dma_start3A_25 = tpu.memref_slice %arg6[%add3A_19, %dma_start3A] : memref<20000x128xf32, #tpu.memory_space<hbm>> -> memref<624x128xf32, #tpu.memory_space<hbm>>
      %dma_start3A_26 = arith.constant 0 : i32
      %dma_start3A_27 = tpu.memref_slice %arg10[%mul3A_14, %dma_start3A_26] : memref<10000x128xf32, #tpu.memory_space<vmem_shared>> -> memref<624x128xf32, #tpu.memory_space<vmem_shared>>
      tpu.enqueue_dma source(%dma_start3A_27 : memref<624x128xf32, #tpu.memory_space<vmem_shared>>) target(%dma_start3A_25 : memref<624x128xf32, #tpu.memory_space<hbm>>) target_semaphore(%run_scoped3A : memref<!tpu.dma_semaphore, #tpu.memory_space<semaphore_mem>>)
      %dma_wait3A = arith.constant 0 : i32
      %dma_wait3A_28 = tpu.memref_slice %arg6[%add3A_19, %dma_wait3A] : memref<20000x128xf32, #tpu.memory_space<hbm>> -> memref<624x128xf32, #tpu.memory_space<hbm>>
      %dma_wait3A_29 = arith.constant 0 : i32
      %dma_wait3A_30 = tpu.memref_slice %arg10[%mul3A_14, %dma_wait3A_29] : memref<10000x128xf32, #tpu.memory_space<vmem_shared>> -> memref<624x128xf32, #tpu.memory_space<vmem_shared>>
      tpu.wait_dma2 semaphore(%run_scoped3A : memref<!tpu.dma_semaphore, #tpu.memory_space<semaphore_mem>>) src(%dma_wait3A_30 : memref<624x128xf32, #tpu.memory_space<vmem_shared>>) dst(%dma_wait3A_28 : memref<624x128xf32, #tpu.memory_space<hbm>>)
      tpu.yield
    }) : () -> ()
    %eq3A_20 = arith.constant 15 : i32
    %eq3A_21 = arith.cmpi eq, %arg1, %eq3A_20 : i32
    %convert_element_type3A_22 = arith.extui %eq3A_21 : i1 to i32
    %cond3A_23 = arith.constant 0 : i32
    %cond3A_24 = arith.cmpi ne, %convert_element_type3A_22, %cond3A_23 : i32
    scf.if %cond3A_24 {
      %mul3A_25 = arith.constant 10000 : i32
      %mul3A_26 = arith.muli %arg0, %mul3A_25 : i32
      %add3A_27 = arith.constant 9984 : i32
      %add3A_28 = arith.addi %mul3A_26, %add3A_27 : i32
      "tpu.region"() ({
        %run_scoped3A = tpu.sem_alloc : memref<!tpu.dma_semaphore, #tpu.memory_space<semaphore_mem>>
        %dma_start3A = arith.constant 0 : i32
        %dma_start3A_29 = tpu.memref_slice %arg6[%add3A_28, %dma_start3A] : memref<20000x128xf32, #tpu.memory_space<hbm>> -> memref<16x128xf32, #tpu.memory_space<hbm>>
        %dma_start3A_30 = arith.constant 9984 : i32
        %dma_start3A_31 = arith.constant 0 : i32
        %dma_start3A_32 = tpu.memref_slice %arg10[%dma_start3A_30, %dma_start3A_31] : memref<10000x128xf32, #tpu.memory_space<vmem_shared>> -> memref<16x128xf32, #tpu.memory_space<vmem_shared>>
        tpu.enqueue_dma source(%dma_start3A_32 : memref<16x128xf32, #tpu.memory_space<vmem_shared>>) target(%dma_start3A_29 : memref<16x128xf32, #tpu.memory_space<hbm>>) target_semaphore(%run_scoped3A : memref<!tpu.dma_semaphore, #tpu.memory_space<semaphore_mem>>)
        %dma_wait3A = arith.constant 0 : i32
        %dma_wait3A_33 = tpu.memref_slice %arg6[%add3A_28, %dma_wait3A] : memref<20000x128xf32, #tpu.memory_space<hbm>> -> memref<16x128xf32, #tpu.memory_space<hbm>>
        %dma_wait3A_34 = arith.constant 9984 : i32
        %dma_wait3A_35 = arith.constant 0 : i32
        %dma_wait3A_36 = tpu.memref_slice %arg10[%dma_wait3A_34, %dma_wait3A_35] : memref<10000x128xf32, #tpu.memory_space<vmem_shared>> -> memref<16x128xf32, #tpu.memory_space<vmem_shared>>
        tpu.wait_dma2 semaphore(%run_scoped3A : memref<!tpu.dma_semaphore, #tpu.memory_space<semaphore_mem>>) src(%dma_wait3A_36 : memref<16x128xf32, #tpu.memory_space<vmem_shared>>) dst(%dma_wait3A_33 : memref<16x128xf32, #tpu.memory_space<hbm>>)
        tpu.yield
      }) : () -> ()
    } else {
    }
    return
  }
}

#map = affine_map<(d0, d1) -> (0, 0)>
#map1 = affine_map<(d0, d1) -> (0, 0, 0)>
module attributes {stable_mosaic.version = 14 : i64} {
  func.func @_sc_agg_body(%arg0: i32, %arg1: i32, %arg2: memref<20000x128xf32, #tpu.memory_space<hbm>>, %arg3: memref<32x80x125xi32, #tpu.memory_space<hbm>>, %arg4: memref<16x80x125xi32, #tpu.memory_space<hbm>>, %arg5: memref<10000x128xf32, #tpu.memory_space<hbm>>, %arg6: memref<20000x128xf32, #tpu.memory_space<hbm>>, %arg7: memref<80x125xi32, #tpu.memory_space<vmem>>, %arg8: memref<80x125xi32, #tpu.memory_space<vmem>>, %arg9: memref<1x125x128xf32, #tpu.memory_space<vmem>>, %arg10: memref<10000x128xf32, #tpu.memory_space<vmem_shared>>, %arg11: memref<!tpu.dma_semaphore, #tpu.memory_space<semaphore_mem>>, %arg12: memref<!tpu.dma_semaphore, #tpu.memory_space<semaphore_mem>>) attributes {dimension_semantics = [#tpu.dimension_semantics<core_parallel>, #tpu.dimension_semantics<subcore_parallel>], iteration_bounds = array<i64: 2, 16>, scalar_prefetch = 0 : i64, scratch_operands = 6 : i64, tpu.core_type = #tpu.core_type<sc_vector_subcore>, window_params = [{transform_indices = #map}, {transform_indices = #map1}, {transform_indices = #map1}, {transform_indices = #map}, {transform_indices = #map}]} {
    %mul3A = arith.constant 624 : i32
    %mul3A_0 = arith.muli %arg1, %mul3A : i32
    %mul3A_1 = arith.constant 624 : i32
    %mul3A_2 = arith.muli %arg1, %mul3A_1 : i32
    "tpu.region"() ({
      %run_scoped3A = tpu.sem_alloc : memref<!tpu.dma_semaphore, #tpu.memory_space<semaphore_mem>>
      %dma_start3A = arith.constant 0 : i32
      %dma_start3A_25 = tpu.memref_slice %arg10[%mul3A_2, %dma_start3A] : memref<10000x128xf32, #tpu.memory_space<vmem_shared>> -> memref<624x128xf32, #tpu.memory_space<vmem_shared>>
      %dma_start3A_26 = arith.constant 0 : i32
      %dma_start3A_27 = tpu.memref_slice %arg5[%mul3A_0, %dma_start3A_26] : memref<10000x128xf32, #tpu.memory_space<hbm>> -> memref<624x128xf32, #tpu.memory_space<hbm>>
      tpu.enqueue_dma source(%dma_start3A_27 : memref<624x128xf32, #tpu.memory_space<hbm>>) target(%dma_start3A_25 : memref<624x128xf32, #tpu.memory_space<vmem_shared>>) target_semaphore(%run_scoped3A : memref<!tpu.dma_semaphore, #tpu.memory_space<semaphore_mem>>)
      %dma_wait3A = arith.constant 0 : i32
      %dma_wait3A_28 = tpu.memref_slice %arg10[%mul3A_2, %dma_wait3A] : memref<10000x128xf32, #tpu.memory_space<vmem_shared>> -> memref<624x128xf32, #tpu.memory_space<vmem_shared>>
      %dma_wait3A_29 = arith.constant 0 : i32
      %dma_wait3A_30 = tpu.memref_slice %arg5[%mul3A_0, %dma_wait3A_29] : memref<10000x128xf32, #tpu.memory_space<hbm>> -> memref<624x128xf32, #tpu.memory_space<hbm>>
      tpu.wait_dma2 semaphore(%run_scoped3A : memref<!tpu.dma_semaphore, #tpu.memory_space<semaphore_mem>>) src(%dma_wait3A_30 : memref<624x128xf32, #tpu.memory_space<hbm>>) dst(%dma_wait3A_28 : memref<624x128xf32, #tpu.memory_space<vmem_shared>>)
      tpu.yield
    }) : () -> ()
    %eq3A = arith.constant 15 : i32
    %eq3A_3 = arith.cmpi eq, %arg1, %eq3A : i32
    %convert_element_type3A = arith.extui %eq3A_3 : i1 to i32
    %cond3A = arith.constant 0 : i32
    %cond3A_4 = arith.cmpi ne, %convert_element_type3A, %cond3A : i32
    scf.if %cond3A_4 {
      "tpu.region"() ({
        %run_scoped3A = tpu.sem_alloc : memref<!tpu.dma_semaphore, #tpu.memory_space<semaphore_mem>>
        %dma_start3A = arith.constant 9984 : i32
        %dma_start3A_25 = arith.constant 0 : i32
        %dma_start3A_26 = tpu.memref_slice %arg10[%dma_start3A, %dma_start3A_25] : memref<10000x128xf32, #tpu.memory_space<vmem_shared>> -> memref<16x128xf32, #tpu.memory_space<vmem_shared>>
        %dma_start3A_27 = arith.constant 9984 : i32
        %dma_start3A_28 = arith.constant 0 : i32
        %dma_start3A_29 = tpu.memref_slice %arg5[%dma_start3A_27, %dma_start3A_28] : memref<10000x128xf32, #tpu.memory_space<hbm>> -> memref<16x128xf32, #tpu.memory_space<hbm>>
        tpu.enqueue_dma source(%dma_start3A_29 : memref<16x128xf32, #tpu.memory_space<hbm>>) target(%dma_start3A_26 : memref<16x128xf32, #tpu.memory_space<vmem_shared>>) target_semaphore(%run_scoped3A : memref<!tpu.dma_semaphore, #tpu.memory_space<semaphore_mem>>)
        %dma_wait3A = arith.constant 9984 : i32
        %dma_wait3A_30 = arith.constant 0 : i32
        %dma_wait3A_31 = tpu.memref_slice %arg10[%dma_wait3A, %dma_wait3A_30] : memref<10000x128xf32, #tpu.memory_space<vmem_shared>> -> memref<16x128xf32, #tpu.memory_space<vmem_shared>>
        %dma_wait3A_32 = arith.constant 9984 : i32
        %dma_wait3A_33 = arith.constant 0 : i32
        %dma_wait3A_34 = tpu.memref_slice %arg5[%dma_wait3A_32, %dma_wait3A_33] : memref<10000x128xf32, #tpu.memory_space<hbm>> -> memref<16x128xf32, #tpu.memory_space<hbm>>
        tpu.wait_dma2 semaphore(%run_scoped3A : memref<!tpu.dma_semaphore, #tpu.memory_space<semaphore_mem>>) src(%dma_wait3A_34 : memref<16x128xf32, #tpu.memory_space<hbm>>) dst(%dma_wait3A_31 : memref<16x128xf32, #tpu.memory_space<vmem_shared>>)
        tpu.yield
      }) : () -> ()
    } else {
    }
    %mul3A_5 = arith.constant 16 : i32
    %mul3A_6 = arith.muli %arg0, %mul3A_5 : i32
    %add3A = arith.addi %mul3A_6, %arg1 : i32
    "tpu.region"() ({
      %run_scoped3A = tpu.sem_alloc : memref<!tpu.dma_semaphore, #tpu.memory_space<semaphore_mem>>
      %dma_start3A = arith.constant 0 : i32
      %dma_start3A_25 = arith.constant 0 : i32
      %dma_start3A_26 = tpu.memref_slice %arg3[%add3A, %dma_start3A, %dma_start3A_25] : memref<32x80x125xi32, #tpu.memory_space<hbm>> -> memref<1x80x125xi32, #tpu.memory_space<hbm>>
      %dma_start3A_27 = tpu.memref_squeeze %dma_start3A_26 : memref<1x80x125xi32, #tpu.memory_space<hbm>> -> memref<80x125xi32, #tpu.memory_space<hbm>>
      %dma_start3A_28 = arith.constant 0 : i32
      %dma_start3A_29 = arith.constant 0 : i32
      %dma_start3A_30 = tpu.memref_slice %arg3[%add3A, %dma_start3A_28, %dma_start3A_29] : memref<32x80x125xi32, #tpu.memory_space<hbm>> -> memref<1x80x125xi32, #tpu.memory_space<hbm>>
      %dma_start3A_31 = tpu.memref_squeeze %dma_start3A_30 : memref<1x80x125xi32, #tpu.memory_space<hbm>> -> memref<80x125xi32, #tpu.memory_space<hbm>>
      tpu.enqueue_dma source(%dma_start3A_31 : memref<80x125xi32, #tpu.memory_space<hbm>>) target(%arg7 : memref<80x125xi32, #tpu.memory_space<vmem>>) target_semaphore(%run_scoped3A : memref<!tpu.dma_semaphore, #tpu.memory_space<semaphore_mem>>)
      %dma_wait3A = arith.constant 0 : i32
      %dma_wait3A_32 = arith.constant 0 : i32
      %dma_wait3A_33 = tpu.memref_slice %arg3[%add3A, %dma_wait3A, %dma_wait3A_32] : memref<32x80x125xi32, #tpu.memory_space<hbm>> -> memref<1x80x125xi32, #tpu.memory_space<hbm>>
      %dma_wait3A_34 = tpu.memref_squeeze %dma_wait3A_33 : memref<1x80x125xi32, #tpu.memory_space<hbm>> -> memref<80x125xi32, #tpu.memory_space<hbm>>
      %dma_wait3A_35 = arith.constant 0 : i32
      %dma_wait3A_36 = arith.constant 0 : i32
      %dma_wait3A_37 = tpu.memref_slice %arg3[%add3A, %dma_wait3A_35, %dma_wait3A_36] : memref<32x80x125xi32, #tpu.memory_space<hbm>> -> memref<1x80x125xi32, #tpu.memory_space<hbm>>
      %dma_wait3A_38 = tpu.memref_squeeze %dma_wait3A_37 : memref<1x80x125xi32, #tpu.memory_space<hbm>> -> memref<80x125xi32, #tpu.memory_space<hbm>>
      tpu.wait_dma2 semaphore(%run_scoped3A : memref<!tpu.dma_semaphore, #tpu.memory_space<semaphore_mem>>) src(%dma_wait3A_38 : memref<80x125xi32, #tpu.memory_space<hbm>>) dst(%arg7 : memref<80x125xi32, #tpu.memory_space<vmem>>)
      tpu.yield
    }) : () -> ()
    "tpu.region"() ({
      %run_scoped3A = tpu.sem_alloc : memref<!tpu.dma_semaphore, #tpu.memory_space<semaphore_mem>>
      %dma_start3A = arith.constant 0 : i32
      %dma_start3A_25 = arith.constant 0 : i32
      %dma_start3A_26 = tpu.memref_slice %arg4[%arg1, %dma_start3A, %dma_start3A_25] : memref<16x80x125xi32, #tpu.memory_space<hbm>> -> memref<1x80x125xi32, #tpu.memory_space<hbm>>
      %dma_start3A_27 = tpu.memref_squeeze %dma_start3A_26 : memref<1x80x125xi32, #tpu.memory_space<hbm>> -> memref<80x125xi32, #tpu.memory_space<hbm>>
      %dma_start3A_28 = arith.constant 0 : i32
      %dma_start3A_29 = arith.constant 0 : i32
      %dma_start3A_30 = tpu.memref_slice %arg4[%arg1, %dma_start3A_28, %dma_start3A_29] : memref<16x80x125xi32, #tpu.memory_space<hbm>> -> memref<1x80x125xi32, #tpu.memory_space<hbm>>
      %dma_start3A_31 = tpu.memref_squeeze %dma_start3A_30 : memref<1x80x125xi32, #tpu.memory_space<hbm>> -> memref<80x125xi32, #tpu.memory_space<hbm>>
      tpu.enqueue_dma source(%dma_start3A_31 : memref<80x125xi32, #tpu.memory_space<hbm>>) target(%arg8 : memref<80x125xi32, #tpu.memory_space<vmem>>) target_semaphore(%run_scoped3A : memref<!tpu.dma_semaphore, #tpu.memory_space<semaphore_mem>>)
      %dma_wait3A = arith.constant 0 : i32
      %dma_wait3A_32 = arith.constant 0 : i32
      %dma_wait3A_33 = tpu.memref_slice %arg4[%arg1, %dma_wait3A, %dma_wait3A_32] : memref<16x80x125xi32, #tpu.memory_space<hbm>> -> memref<1x80x125xi32, #tpu.memory_space<hbm>>
      %dma_wait3A_34 = tpu.memref_squeeze %dma_wait3A_33 : memref<1x80x125xi32, #tpu.memory_space<hbm>> -> memref<80x125xi32, #tpu.memory_space<hbm>>
      %dma_wait3A_35 = arith.constant 0 : i32
      %dma_wait3A_36 = arith.constant 0 : i32
      %dma_wait3A_37 = tpu.memref_slice %arg4[%arg1, %dma_wait3A_35, %dma_wait3A_36] : memref<16x80x125xi32, #tpu.memory_space<hbm>> -> memref<1x80x125xi32, #tpu.memory_space<hbm>>
      %dma_wait3A_38 = tpu.memref_squeeze %dma_wait3A_37 : memref<1x80x125xi32, #tpu.memory_space<hbm>> -> memref<80x125xi32, #tpu.memory_space<hbm>>
      tpu.wait_dma2 semaphore(%run_scoped3A : memref<!tpu.dma_semaphore, #tpu.memory_space<semaphore_mem>>) src(%dma_wait3A_38 : memref<80x125xi32, #tpu.memory_space<hbm>>) dst(%arg8 : memref<80x125xi32, #tpu.memory_space<vmem>>)
      tpu.yield
    }) : () -> ()
    %barrier3A = arith.constant 0 : index
    tpu.barrier barrier_id(%barrier3A)
    %scan3A = arith.constant 0 : i32
    %scan3A_7 = arith.constant 0 : i32
    %scan3A_8 = arith.constant 80 : i32
    %scan3A_9 = arith.addi %scan3A_7, %scan3A_8 : i32
    %scan3A_10 = arith.constant 1 : i32
    scf.for %scan3A_25 = %scan3A_7 to %scan3A_9 step %scan3A_10  : i32 {
      %dma_start3A = arith.constant 0 : i32
      %dma_start3A_26 = arith.constant 0 : i32
      %dma_start3A_27 = arith.constant 0 : i32
      %dma_start3A_28 = tpu.memref_slice %arg9[%dma_start3A, %dma_start3A_26, %dma_start3A_27] : memref<1x125x128xf32, #tpu.memory_space<vmem>> -> memref<1x125x128xf32, #tpu.memory_space<vmem>>
      %dma_start3A_29 = tpu.memref_squeeze %dma_start3A_28 : memref<1x125x128xf32, #tpu.memory_space<vmem>> -> memref<125x128xf32, #tpu.memory_space<vmem>>
      %dma_start3A_30 = arith.constant 0 : i32
      %dma_start3A_31 = tpu.memref_slice %arg7[%scan3A_25, %dma_start3A_30] : memref<80x125xi32, #tpu.memory_space<vmem>> -> memref<1x125xi32, #tpu.memory_space<vmem>>
      %dma_start3A_32 = tpu.memref_squeeze %dma_start3A_31 : memref<1x125xi32, #tpu.memory_space<vmem>> -> memref<125xi32, #tpu.memory_space<vmem>>
      %dma_start3A_33 = arith.constant 0 : i32
      %dma_start3A_34 = arith.constant 0 : i32
      %dma_start3A_35 = tpu.memref_slice %arg2[%dma_start3A_33, %dma_start3A_34] : memref<20000x128xf32, #tpu.memory_space<hbm>> -> memref<20000x128xf32, #tpu.memory_space<hbm>>
      tpu.enqueue_indirect_dma source(%dma_start3A_35 : memref<20000x128xf32, #tpu.memory_space<hbm>>) target(%dma_start3A_29 : memref<125x128xf32, #tpu.memory_space<vmem>>) offsets(%dma_start3A_32 : memref<125xi32, #tpu.memory_space<vmem>>) semaphore(%arg11 : memref<!tpu.dma_semaphore, #tpu.memory_space<semaphore_mem>>)
      %dma_wait3A = arith.constant 0 : i32
      %dma_wait3A_36 = arith.constant 0 : i32
      %dma_wait3A_37 = arith.constant 0 : i32
      %dma_wait3A_38 = tpu.memref_slice %arg9[%dma_wait3A, %dma_wait3A_36, %dma_wait3A_37] : memref<1x125x128xf32, #tpu.memory_space<vmem>> -> memref<1x125x128xf32, #tpu.memory_space<vmem>>
      %dma_wait3A_39 = tpu.memref_squeeze %dma_wait3A_38 : memref<1x125x128xf32, #tpu.memory_space<vmem>> -> memref<125x128xf32, #tpu.memory_space<vmem>>
      %dma_wait3A_40 = arith.constant 0 : i32
      %dma_wait3A_41 = tpu.memref_slice %arg7[%scan3A_25, %dma_wait3A_40] : memref<80x125xi32, #tpu.memory_space<vmem>> -> memref<1x125xi32, #tpu.memory_space<vmem>>
      %dma_wait3A_42 = tpu.memref_squeeze %dma_wait3A_41 : memref<1x125xi32, #tpu.memory_space<vmem>> -> memref<125xi32, #tpu.memory_space<vmem>>
      %dma_wait3A_43 = arith.constant 0 : i32
      %dma_wait3A_44 = arith.constant 0 : i32
      %dma_wait3A_45 = tpu.memref_slice %arg2[%dma_wait3A_43, %dma_wait3A_44] : memref<20000x128xf32, #tpu.memory_space<hbm>> -> memref<20000x128xf32, #tpu.memory_space<hbm>>
      tpu.wait_indirect_dma semaphore(%arg11 : memref<!tpu.dma_semaphore, #tpu.memory_space<semaphore_mem>>) src(%dma_wait3A_45 : memref<20000x128xf32, #tpu.memory_space<hbm>>) dst(%dma_wait3A_39 : memref<125x128xf32, #tpu.memory_space<vmem>>)
      %run_scoped3A = arith.constant 0 : i32
      "tpu.region"() ({
        %run_scoped3A_46 = tpu.sem_alloc : memref<!tpu.dma_semaphore, #tpu.memory_space<semaphore_mem>>
        %dma_start3A_47 = arith.constant 0 : i32
        %dma_start3A_48 = arith.constant 0 : i32
        %dma_start3A_49 = tpu.memref_slice %arg9[%run_scoped3A, %dma_start3A_47, %dma_start3A_48] : memref<1x125x128xf32, #tpu.memory_space<vmem>> -> memref<1x125x128xf32, #tpu.memory_space<vmem>>
        %dma_start3A_50 = tpu.memref_squeeze %dma_start3A_49 : memref<1x125x128xf32, #tpu.memory_space<vmem>> -> memref<125x128xf32, #tpu.memory_space<vmem>>
        %dma_start3A_51 = arith.constant 0 : i32
        %dma_start3A_52 = tpu.memref_slice %arg8[%scan3A_25, %dma_start3A_51] : memref<80x125xi32, #tpu.memory_space<vmem>> -> memref<1x125xi32, #tpu.memory_space<vmem>>
        %dma_start3A_53 = tpu.memref_squeeze %dma_start3A_52 : memref<1x125xi32, #tpu.memory_space<vmem>> -> memref<125xi32, #tpu.memory_space<vmem>>
        %dma_start3A_54 = arith.constant 0 : i32
        %dma_start3A_55 = arith.constant 0 : i32
        %dma_start3A_56 = tpu.memref_slice %arg10[%dma_start3A_54, %dma_start3A_55] : memref<10000x128xf32, #tpu.memory_space<vmem_shared>> -> memref<10000x128xf32, #tpu.memory_space<vmem_shared>>
        tpu.enqueue_indirect_dma source(%dma_start3A_50 : memref<125x128xf32, #tpu.memory_space<vmem>>) target(%dma_start3A_56 : memref<10000x128xf32, #tpu.memory_space<vmem_shared>>) offsets(%dma_start3A_53 : memref<125xi32, #tpu.memory_space<vmem>>) semaphore(%run_scoped3A_46 : memref<!tpu.dma_semaphore, #tpu.memory_space<semaphore_mem>>) {add = true}
        %dma_wait3A_57 = arith.constant 0 : i32
        %dma_wait3A_58 = arith.constant 0 : i32
        %dma_wait3A_59 = tpu.memref_slice %arg9[%run_scoped3A, %dma_wait3A_57, %dma_wait3A_58] : memref<1x125x128xf32, #tpu.memory_space<vmem>> -> memref<1x125x128xf32, #tpu.memory_space<vmem>>
        %dma_wait3A_60 = tpu.memref_squeeze %dma_wait3A_59 : memref<1x125x128xf32, #tpu.memory_space<vmem>> -> memref<125x128xf32, #tpu.memory_space<vmem>>
        %dma_wait3A_61 = arith.constant 0 : i32
        %dma_wait3A_62 = tpu.memref_slice %arg8[%scan3A_25, %dma_wait3A_61] : memref<80x125xi32, #tpu.memory_space<vmem>> -> memref<1x125xi32, #tpu.memory_space<vmem>>
        %dma_wait3A_63 = tpu.memref_squeeze %dma_wait3A_62 : memref<1x125xi32, #tpu.memory_space<vmem>> -> memref<125xi32, #tpu.memory_space<vmem>>
        %dma_wait3A_64 = arith.constant 0 : i32
        %dma_wait3A_65 = arith.constant 0 : i32
        %dma_wait3A_66 = tpu.memref_slice %arg10[%dma_wait3A_64, %dma_wait3A_65] : memref<10000x128xf32, #tpu.memory_space<vmem_shared>> -> memref<10000x128xf32, #tpu.memory_space<vmem_shared>>
        tpu.wait_indirect_dma semaphore(%run_scoped3A_46 : memref<!tpu.dma_semaphore, #tpu.memory_space<semaphore_mem>>) src(%dma_wait3A_60 : memref<125x128xf32, #tpu.memory_space<vmem>>) dst(%dma_wait3A_66 : memref<10000x128xf32, #tpu.memory_space<vmem_shared>>)
        tpu.yield
      }) : () -> ()
    }
    %scan3A_11 = arith.constant 80 : i32
    %barrier3A_12 = arith.constant 0 : index
    tpu.barrier barrier_id(%barrier3A_12)
    %mul3A_13 = arith.constant 624 : i32
    %mul3A_14 = arith.muli %arg1, %mul3A_13 : i32
    %mul3A_15 = arith.constant 10000 : i32
    %mul3A_16 = arith.muli %arg0, %mul3A_15 : i32
    %mul3A_17 = arith.constant 624 : i32
    %mul3A_18 = arith.muli %arg1, %mul3A_17 : i32
    %add3A_19 = arith.addi %mul3A_16, %mul3A_18 : i32
    "tpu.region"() ({
      %run_scoped3A = tpu.sem_alloc : memref<!tpu.dma_semaphore, #tpu.memory_space<semaphore_mem>>
      %dma_start3A = arith.constant 0 : i32
      %dma_start3A_25 = tpu.memref_slice %arg6[%add3A_19, %dma_start3A] : memref<20000x128xf32, #tpu.memory_space<hbm>> -> memref<624x128xf32, #tpu.memory_space<hbm>>
      %dma_start3A_26 = arith.constant 0 : i32
      %dma_start3A_27 = tpu.memref_slice %arg10[%mul3A_14, %dma_start3A_26] : memref<10000x128xf32, #tpu.memory_space<vmem_shared>> -> memref<624x128xf32, #tpu.memory_space<vmem_shared>>
      tpu.enqueue_dma source(%dma_start3A_27 : memref<624x128xf32, #tpu.memory_space<vmem_shared>>) target(%dma_start3A_25 : memref<624x128xf32, #tpu.memory_space<hbm>>) target_semaphore(%run_scoped3A : memref<!tpu.dma_semaphore, #tpu.memory_space<semaphore_mem>>)
      %dma_wait3A = arith.constant 0 : i32
      %dma_wait3A_28 = tpu.memref_slice %arg6[%add3A_19, %dma_wait3A] : memref<20000x128xf32, #tpu.memory_space<hbm>> -> memref<624x128xf32, #tpu.memory_space<hbm>>
      %dma_wait3A_29 = arith.constant 0 : i32
      %dma_wait3A_30 = tpu.memref_slice %arg10[%mul3A_14, %dma_wait3A_29] : memref<10000x128xf32, #tpu.memory_space<vmem_shared>> -> memref<624x128xf32, #tpu.memory_space<vmem_shared>>
      tpu.wait_dma2 semaphore(%run_scoped3A : memref<!tpu.dma_semaphore, #tpu.memory_space<semaphore_mem>>) src(%dma_wait3A_30 : memref<624x128xf32, #tpu.memory_space<vmem_shared>>) dst(%dma_wait3A_28 : memref<624x128xf32, #tpu.memory_space<hbm>>)
      tpu.yield
    }) : () -> ()
    %eq3A_20 = arith.constant 15 : i32
    %eq3A_21 = arith.cmpi eq, %arg1, %eq3A_20 : i32
    %convert_element_type3A_22 = arith.extui %eq3A_21 : i1 to i32
    %cond3A_23 = arith.constant 0 : i32
    %cond3A_24 = arith.cmpi ne, %convert_element_type3A_22, %cond3A_23 : i32
    scf.if %cond3A_24 {
      %mul3A_25 = arith.constant 10000 : i32
      %mul3A_26 = arith.muli %arg0, %mul3A_25 : i32
      %add3A_27 = arith.constant 9984 : i32
      %add3A_28 = arith.addi %mul3A_26, %add3A_27 : i32
      "tpu.region"() ({
        %run_scoped3A = tpu.sem_alloc : memref<!tpu.dma_semaphore, #tpu.memory_space<semaphore_mem>>
        %dma_start3A = arith.constant 0 : i32
        %dma_start3A_29 = tpu.memref_slice %arg6[%add3A_28, %dma_start3A] : memref<20000x128xf32, #tpu.memory_space<hbm>> -> memref<16x128xf32, #tpu.memory_space<hbm>>
        %dma_start3A_30 = arith.constant 9984 : i32
        %dma_start3A_31 = arith.constant 0 : i32
        %dma_start3A_32 = tpu.memref_slice %arg10[%dma_start3A_30, %dma_start3A_31] : memref<10000x128xf32, #tpu.memory_space<vmem_shared>> -> memref<16x128xf32, #tpu.memory_space<vmem_shared>>
        tpu.enqueue_dma source(%dma_start3A_32 : memref<16x128xf32, #tpu.memory_space<vmem_shared>>) target(%dma_start3A_29 : memref<16x128xf32, #tpu.memory_space<hbm>>) target_semaphore(%run_scoped3A : memref<!tpu.dma_semaphore, #tpu.memory_space<semaphore_mem>>)
        %dma_wait3A = arith.constant 0 : i32
        %dma_wait3A_33 = tpu.memref_slice %arg6[%add3A_28, %dma_wait3A] : memref<20000x128xf32, #tpu.memory_space<hbm>> -> memref<16x128xf32, #tpu.memory_space<hbm>>
        %dma_wait3A_34 = arith.constant 9984 : i32
        %dma_wait3A_35 = arith.constant 0 : i32
        %dma_wait3A_36 = tpu.memref_slice %arg10[%dma_wait3A_34, %dma_wait3A_35] : memref<10000x128xf32, #tpu.memory_space<vmem_shared>> -> memref<16x128xf32, #tpu.memory_space<vmem_shared>>
        tpu.wait_dma2 semaphore(%run_scoped3A : memref<!tpu.dma_semaphore, #tpu.memory_space<semaphore_mem>>) src(%dma_wait3A_36 : memref<16x128xf32, #tpu.memory_space<vmem_shared>>) dst(%dma_wait3A_33 : memref<16x128xf32, #tpu.memory_space<hbm>>)
        tpu.yield
      }) : () -> ()
    } else {
    }
    return
  }
}

#map = affine_map<(d0, d1) -> (0, 0)>
#map1 = affine_map<(d0, d1) -> (0, 0, 0)>
module attributes {stable_mosaic.version = 14 : i64} {
  func.func @_sc_agg_body(%arg0: i32, %arg1: i32, %arg2: memref<20000x128xf32, #tpu.memory_space<hbm>>, %arg3: memref<32x80x125xi32, #tpu.memory_space<hbm>>, %arg4: memref<16x80x125xi32, #tpu.memory_space<hbm>>, %arg5: memref<10000x128xf32, #tpu.memory_space<hbm>>, %arg6: memref<20000x128xf32, #tpu.memory_space<hbm>>, %arg7: memref<80x125xi32, #tpu.memory_space<vmem>>, %arg8: memref<80x125xi32, #tpu.memory_space<vmem>>, %arg9: memref<1x125x128xf32, #tpu.memory_space<vmem>>, %arg10: memref<10000x128xf32, #tpu.memory_space<vmem_shared>>, %arg11: memref<!tpu.dma_semaphore, #tpu.memory_space<semaphore_mem>>, %arg12: memref<!tpu.dma_semaphore, #tpu.memory_space<semaphore_mem>>) attributes {dimension_semantics = [#tpu.dimension_semantics<core_parallel>, #tpu.dimension_semantics<subcore_parallel>], iteration_bounds = array<i64: 2, 16>, scalar_prefetch = 0 : i64, scratch_operands = 6 : i64, tpu.core_type = #tpu.core_type<sc_vector_subcore>, window_params = [{transform_indices = #map}, {transform_indices = #map1}, {transform_indices = #map1}, {transform_indices = #map}, {transform_indices = #map}]} {
    %mul3A = arith.constant 624 : i32
    %mul3A_0 = arith.muli %arg1, %mul3A : i32
    %mul3A_1 = arith.constant 624 : i32
    %mul3A_2 = arith.muli %arg1, %mul3A_1 : i32
    "tpu.region"() ({
      %run_scoped3A = tpu.sem_alloc : memref<!tpu.dma_semaphore, #tpu.memory_space<semaphore_mem>>
      %dma_start3A = arith.constant 0 : i32
      %dma_start3A_25 = tpu.memref_slice %arg10[%mul3A_2, %dma_start3A] : memref<10000x128xf32, #tpu.memory_space<vmem_shared>> -> memref<624x128xf32, #tpu.memory_space<vmem_shared>>
      %dma_start3A_26 = arith.constant 0 : i32
      %dma_start3A_27 = tpu.memref_slice %arg5[%mul3A_0, %dma_start3A_26] : memref<10000x128xf32, #tpu.memory_space<hbm>> -> memref<624x128xf32, #tpu.memory_space<hbm>>
      tpu.enqueue_dma source(%dma_start3A_27 : memref<624x128xf32, #tpu.memory_space<hbm>>) target(%dma_start3A_25 : memref<624x128xf32, #tpu.memory_space<vmem_shared>>) target_semaphore(%run_scoped3A : memref<!tpu.dma_semaphore, #tpu.memory_space<semaphore_mem>>)
      %dma_wait3A = arith.constant 0 : i32
      %dma_wait3A_28 = tpu.memref_slice %arg10[%mul3A_2, %dma_wait3A] : memref<10000x128xf32, #tpu.memory_space<vmem_shared>> -> memref<624x128xf32, #tpu.memory_space<vmem_shared>>
      %dma_wait3A_29 = arith.constant 0 : i32
      %dma_wait3A_30 = tpu.memref_slice %arg5[%mul3A_0, %dma_wait3A_29] : memref<10000x128xf32, #tpu.memory_space<hbm>> -> memref<624x128xf32, #tpu.memory_space<hbm>>
      tpu.wait_dma2 semaphore(%run_scoped3A : memref<!tpu.dma_semaphore, #tpu.memory_space<semaphore_mem>>) src(%dma_wait3A_30 : memref<624x128xf32, #tpu.memory_space<hbm>>) dst(%dma_wait3A_28 : memref<624x128xf32, #tpu.memory_space<vmem_shared>>)
      tpu.yield
    }) : () -> ()
    %eq3A = arith.constant 15 : i32
    %eq3A_3 = arith.cmpi eq, %arg1, %eq3A : i32
    %convert_element_type3A = arith.extui %eq3A_3 : i1 to i32
    %cond3A = arith.constant 0 : i32
    %cond3A_4 = arith.cmpi ne, %convert_element_type3A, %cond3A : i32
    scf.if %cond3A_4 {
      "tpu.region"() ({
        %run_scoped3A = tpu.sem_alloc : memref<!tpu.dma_semaphore, #tpu.memory_space<semaphore_mem>>
        %dma_start3A = arith.constant 9984 : i32
        %dma_start3A_25 = arith.constant 0 : i32
        %dma_start3A_26 = tpu.memref_slice %arg10[%dma_start3A, %dma_start3A_25] : memref<10000x128xf32, #tpu.memory_space<vmem_shared>> -> memref<16x128xf32, #tpu.memory_space<vmem_shared>>
        %dma_start3A_27 = arith.constant 9984 : i32
        %dma_start3A_28 = arith.constant 0 : i32
        %dma_start3A_29 = tpu.memref_slice %arg5[%dma_start3A_27, %dma_start3A_28] : memref<10000x128xf32, #tpu.memory_space<hbm>> -> memref<16x128xf32, #tpu.memory_space<hbm>>
        tpu.enqueue_dma source(%dma_start3A_29 : memref<16x128xf32, #tpu.memory_space<hbm>>) target(%dma_start3A_26 : memref<16x128xf32, #tpu.memory_space<vmem_shared>>) target_semaphore(%run_scoped3A : memref<!tpu.dma_semaphore, #tpu.memory_space<semaphore_mem>>)
        %dma_wait3A = arith.constant 9984 : i32
        %dma_wait3A_30 = arith.constant 0 : i32
        %dma_wait3A_31 = tpu.memref_slice %arg10[%dma_wait3A, %dma_wait3A_30] : memref<10000x128xf32, #tpu.memory_space<vmem_shared>> -> memref<16x128xf32, #tpu.memory_space<vmem_shared>>
        %dma_wait3A_32 = arith.constant 9984 : i32
        %dma_wait3A_33 = arith.constant 0 : i32
        %dma_wait3A_34 = tpu.memref_slice %arg5[%dma_wait3A_32, %dma_wait3A_33] : memref<10000x128xf32, #tpu.memory_space<hbm>> -> memref<16x128xf32, #tpu.memory_space<hbm>>
        tpu.wait_dma2 semaphore(%run_scoped3A : memref<!tpu.dma_semaphore, #tpu.memory_space<semaphore_mem>>) src(%dma_wait3A_34 : memref<16x128xf32, #tpu.memory_space<hbm>>) dst(%dma_wait3A_31 : memref<16x128xf32, #tpu.memory_space<vmem_shared>>)
        tpu.yield
      }) : () -> ()
    } else {
    }
    %mul3A_5 = arith.constant 16 : i32
    %mul3A_6 = arith.muli %arg0, %mul3A_5 : i32
    %add3A = arith.addi %mul3A_6, %arg1 : i32
    "tpu.region"() ({
      %run_scoped3A = tpu.sem_alloc : memref<!tpu.dma_semaphore, #tpu.memory_space<semaphore_mem>>
      %dma_start3A = arith.constant 0 : i32
      %dma_start3A_25 = arith.constant 0 : i32
      %dma_start3A_26 = tpu.memref_slice %arg3[%add3A, %dma_start3A, %dma_start3A_25] : memref<32x80x125xi32, #tpu.memory_space<hbm>> -> memref<1x80x125xi32, #tpu.memory_space<hbm>>
      %dma_start3A_27 = tpu.memref_squeeze %dma_start3A_26 : memref<1x80x125xi32, #tpu.memory_space<hbm>> -> memref<80x125xi32, #tpu.memory_space<hbm>>
      %dma_start3A_28 = arith.constant 0 : i32
      %dma_start3A_29 = arith.constant 0 : i32
      %dma_start3A_30 = tpu.memref_slice %arg3[%add3A, %dma_start3A_28, %dma_start3A_29] : memref<32x80x125xi32, #tpu.memory_space<hbm>> -> memref<1x80x125xi32, #tpu.memory_space<hbm>>
      %dma_start3A_31 = tpu.memref_squeeze %dma_start3A_30 : memref<1x80x125xi32, #tpu.memory_space<hbm>> -> memref<80x125xi32, #tpu.memory_space<hbm>>
      tpu.enqueue_dma source(%dma_start3A_31 : memref<80x125xi32, #tpu.memory_space<hbm>>) target(%arg7 : memref<80x125xi32, #tpu.memory_space<vmem>>) target_semaphore(%run_scoped3A : memref<!tpu.dma_semaphore, #tpu.memory_space<semaphore_mem>>)
      %dma_wait3A = arith.constant 0 : i32
      %dma_wait3A_32 = arith.constant 0 : i32
      %dma_wait3A_33 = tpu.memref_slice %arg3[%add3A, %dma_wait3A, %dma_wait3A_32] : memref<32x80x125xi32, #tpu.memory_space<hbm>> -> memref<1x80x125xi32, #tpu.memory_space<hbm>>
      %dma_wait3A_34 = tpu.memref_squeeze %dma_wait3A_33 : memref<1x80x125xi32, #tpu.memory_space<hbm>> -> memref<80x125xi32, #tpu.memory_space<hbm>>
      %dma_wait3A_35 = arith.constant 0 : i32
      %dma_wait3A_36 = arith.constant 0 : i32
      %dma_wait3A_37 = tpu.memref_slice %arg3[%add3A, %dma_wait3A_35, %dma_wait3A_36] : memref<32x80x125xi32, #tpu.memory_space<hbm>> -> memref<1x80x125xi32, #tpu.memory_space<hbm>>
      %dma_wait3A_38 = tpu.memref_squeeze %dma_wait3A_37 : memref<1x80x125xi32, #tpu.memory_space<hbm>> -> memref<80x125xi32, #tpu.memory_space<hbm>>
      tpu.wait_dma2 semaphore(%run_scoped3A : memref<!tpu.dma_semaphore, #tpu.memory_space<semaphore_mem>>) src(%dma_wait3A_38 : memref<80x125xi32, #tpu.memory_space<hbm>>) dst(%arg7 : memref<80x125xi32, #tpu.memory_space<vmem>>)
      tpu.yield
    }) : () -> ()
    "tpu.region"() ({
      %run_scoped3A = tpu.sem_alloc : memref<!tpu.dma_semaphore, #tpu.memory_space<semaphore_mem>>
      %dma_start3A = arith.constant 0 : i32
      %dma_start3A_25 = arith.constant 0 : i32
      %dma_start3A_26 = tpu.memref_slice %arg4[%arg1, %dma_start3A, %dma_start3A_25] : memref<16x80x125xi32, #tpu.memory_space<hbm>> -> memref<1x80x125xi32, #tpu.memory_space<hbm>>
      %dma_start3A_27 = tpu.memref_squeeze %dma_start3A_26 : memref<1x80x125xi32, #tpu.memory_space<hbm>> -> memref<80x125xi32, #tpu.memory_space<hbm>>
      %dma_start3A_28 = arith.constant 0 : i32
      %dma_start3A_29 = arith.constant 0 : i32
      %dma_start3A_30 = tpu.memref_slice %arg4[%arg1, %dma_start3A_28, %dma_start3A_29] : memref<16x80x125xi32, #tpu.memory_space<hbm>> -> memref<1x80x125xi32, #tpu.memory_space<hbm>>
      %dma_start3A_31 = tpu.memref_squeeze %dma_start3A_30 : memref<1x80x125xi32, #tpu.memory_space<hbm>> -> memref<80x125xi32, #tpu.memory_space<hbm>>
      tpu.enqueue_dma source(%dma_start3A_31 : memref<80x125xi32, #tpu.memory_space<hbm>>) target(%arg8 : memref<80x125xi32, #tpu.memory_space<vmem>>) target_semaphore(%run_scoped3A : memref<!tpu.dma_semaphore, #tpu.memory_space<semaphore_mem>>)
      %dma_wait3A = arith.constant 0 : i32
      %dma_wait3A_32 = arith.constant 0 : i32
      %dma_wait3A_33 = tpu.memref_slice %arg4[%arg1, %dma_wait3A, %dma_wait3A_32] : memref<16x80x125xi32, #tpu.memory_space<hbm>> -> memref<1x80x125xi32, #tpu.memory_space<hbm>>
      %dma_wait3A_34 = tpu.memref_squeeze %dma_wait3A_33 : memref<1x80x125xi32, #tpu.memory_space<hbm>> -> memref<80x125xi32, #tpu.memory_space<hbm>>
      %dma_wait3A_35 = arith.constant 0 : i32
      %dma_wait3A_36 = arith.constant 0 : i32
      %dma_wait3A_37 = tpu.memref_slice %arg4[%arg1, %dma_wait3A_35, %dma_wait3A_36] : memref<16x80x125xi32, #tpu.memory_space<hbm>> -> memref<1x80x125xi32, #tpu.memory_space<hbm>>
      %dma_wait3A_38 = tpu.memref_squeeze %dma_wait3A_37 : memref<1x80x125xi32, #tpu.memory_space<hbm>> -> memref<80x125xi32, #tpu.memory_space<hbm>>
      tpu.wait_dma2 semaphore(%run_scoped3A : memref<!tpu.dma_semaphore, #tpu.memory_space<semaphore_mem>>) src(%dma_wait3A_38 : memref<80x125xi32, #tpu.memory_space<hbm>>) dst(%arg8 : memref<80x125xi32, #tpu.memory_space<vmem>>)
      tpu.yield
    }) : () -> ()
    %barrier3A = arith.constant 0 : index
    tpu.barrier barrier_id(%barrier3A)
    %scan3A = arith.constant 0 : i32
    %scan3A_7 = arith.constant 0 : i32
    %scan3A_8 = arith.constant 80 : i32
    %scan3A_9 = arith.addi %scan3A_7, %scan3A_8 : i32
    %scan3A_10 = arith.constant 1 : i32
    scf.for %scan3A_25 = %scan3A_7 to %scan3A_9 step %scan3A_10  : i32 {
      %dma_start3A = arith.constant 0 : i32
      %dma_start3A_26 = arith.constant 0 : i32
      %dma_start3A_27 = arith.constant 0 : i32
      %dma_start3A_28 = tpu.memref_slice %arg9[%dma_start3A, %dma_start3A_26, %dma_start3A_27] : memref<1x125x128xf32, #tpu.memory_space<vmem>> -> memref<1x125x128xf32, #tpu.memory_space<vmem>>
      %dma_start3A_29 = tpu.memref_squeeze %dma_start3A_28 : memref<1x125x128xf32, #tpu.memory_space<vmem>> -> memref<125x128xf32, #tpu.memory_space<vmem>>
      %dma_start3A_30 = arith.constant 0 : i32
      %dma_start3A_31 = tpu.memref_slice %arg7[%scan3A_25, %dma_start3A_30] : memref<80x125xi32, #tpu.memory_space<vmem>> -> memref<1x125xi32, #tpu.memory_space<vmem>>
      %dma_start3A_32 = tpu.memref_squeeze %dma_start3A_31 : memref<1x125xi32, #tpu.memory_space<vmem>> -> memref<125xi32, #tpu.memory_space<vmem>>
      %dma_start3A_33 = arith.constant 0 : i32
      %dma_start3A_34 = arith.constant 0 : i32
      %dma_start3A_35 = tpu.memref_slice %arg2[%dma_start3A_33, %dma_start3A_34] : memref<20000x128xf32, #tpu.memory_space<hbm>> -> memref<20000x128xf32, #tpu.memory_space<hbm>>
      tpu.enqueue_indirect_dma source(%dma_start3A_35 : memref<20000x128xf32, #tpu.memory_space<hbm>>) target(%dma_start3A_29 : memref<125x128xf32, #tpu.memory_space<vmem>>) offsets(%dma_start3A_32 : memref<125xi32, #tpu.memory_space<vmem>>) semaphore(%arg11 : memref<!tpu.dma_semaphore, #tpu.memory_space<semaphore_mem>>)
      %dma_wait3A = arith.constant 0 : i32
      %dma_wait3A_36 = arith.constant 0 : i32
      %dma_wait3A_37 = arith.constant 0 : i32
      %dma_wait3A_38 = tpu.memref_slice %arg9[%dma_wait3A, %dma_wait3A_36, %dma_wait3A_37] : memref<1x125x128xf32, #tpu.memory_space<vmem>> -> memref<1x125x128xf32, #tpu.memory_space<vmem>>
      %dma_wait3A_39 = tpu.memref_squeeze %dma_wait3A_38 : memref<1x125x128xf32, #tpu.memory_space<vmem>> -> memref<125x128xf32, #tpu.memory_space<vmem>>
      %dma_wait3A_40 = arith.constant 0 : i32
      %dma_wait3A_41 = tpu.memref_slice %arg7[%scan3A_25, %dma_wait3A_40] : memref<80x125xi32, #tpu.memory_space<vmem>> -> memref<1x125xi32, #tpu.memory_space<vmem>>
      %dma_wait3A_42 = tpu.memref_squeeze %dma_wait3A_41 : memref<1x125xi32, #tpu.memory_space<vmem>> -> memref<125xi32, #tpu.memory_space<vmem>>
      %dma_wait3A_43 = arith.constant 0 : i32
      %dma_wait3A_44 = arith.constant 0 : i32
      %dma_wait3A_45 = tpu.memref_slice %arg2[%dma_wait3A_43, %dma_wait3A_44] : memref<20000x128xf32, #tpu.memory_space<hbm>> -> memref<20000x128xf32, #tpu.memory_space<hbm>>
      tpu.wait_indirect_dma semaphore(%arg11 : memref<!tpu.dma_semaphore, #tpu.memory_space<semaphore_mem>>) src(%dma_wait3A_45 : memref<20000x128xf32, #tpu.memory_space<hbm>>) dst(%dma_wait3A_39 : memref<125x128xf32, #tpu.memory_space<vmem>>)
      %run_scoped3A = arith.constant 0 : i32
      "tpu.region"() ({
        %run_scoped3A_46 = tpu.sem_alloc : memref<!tpu.dma_semaphore, #tpu.memory_space<semaphore_mem>>
        %dma_start3A_47 = arith.constant 0 : i32
        %dma_start3A_48 = arith.constant 0 : i32
        %dma_start3A_49 = tpu.memref_slice %arg9[%run_scoped3A, %dma_start3A_47, %dma_start3A_48] : memref<1x125x128xf32, #tpu.memory_space<vmem>> -> memref<1x125x128xf32, #tpu.memory_space<vmem>>
        %dma_start3A_50 = tpu.memref_squeeze %dma_start3A_49 : memref<1x125x128xf32, #tpu.memory_space<vmem>> -> memref<125x128xf32, #tpu.memory_space<vmem>>
        %dma_start3A_51 = arith.constant 0 : i32
        %dma_start3A_52 = tpu.memref_slice %arg8[%scan3A_25, %dma_start3A_51] : memref<80x125xi32, #tpu.memory_space<vmem>> -> memref<1x125xi32, #tpu.memory_space<vmem>>
        %dma_start3A_53 = tpu.memref_squeeze %dma_start3A_52 : memref<1x125xi32, #tpu.memory_space<vmem>> -> memref<125xi32, #tpu.memory_space<vmem>>
        %dma_start3A_54 = arith.constant 0 : i32
        %dma_start3A_55 = arith.constant 0 : i32
        %dma_start3A_56 = tpu.memref_slice %arg10[%dma_start3A_54, %dma_start3A_55] : memref<10000x128xf32, #tpu.memory_space<vmem_shared>> -> memref<10000x128xf32, #tpu.memory_space<vmem_shared>>
        tpu.enqueue_indirect_dma source(%dma_start3A_50 : memref<125x128xf32, #tpu.memory_space<vmem>>) target(%dma_start3A_56 : memref<10000x128xf32, #tpu.memory_space<vmem_shared>>) offsets(%dma_start3A_53 : memref<125xi32, #tpu.memory_space<vmem>>) semaphore(%run_scoped3A_46 : memref<!tpu.dma_semaphore, #tpu.memory_space<semaphore_mem>>) {add = true}
        %dma_wait3A_57 = arith.constant 0 : i32
        %dma_wait3A_58 = arith.constant 0 : i32
        %dma_wait3A_59 = tpu.memref_slice %arg9[%run_scoped3A, %dma_wait3A_57, %dma_wait3A_58] : memref<1x125x128xf32, #tpu.memory_space<vmem>> -> memref<1x125x128xf32, #tpu.memory_space<vmem>>
        %dma_wait3A_60 = tpu.memref_squeeze %dma_wait3A_59 : memref<1x125x128xf32, #tpu.memory_space<vmem>> -> memref<125x128xf32, #tpu.memory_space<vmem>>
        %dma_wait3A_61 = arith.constant 0 : i32
        %dma_wait3A_62 = tpu.memref_slice %arg8[%scan3A_25, %dma_wait3A_61] : memref<80x125xi32, #tpu.memory_space<vmem>> -> memref<1x125xi32, #tpu.memory_space<vmem>>
        %dma_wait3A_63 = tpu.memref_squeeze %dma_wait3A_62 : memref<1x125xi32, #tpu.memory_space<vmem>> -> memref<125xi32, #tpu.memory_space<vmem>>
        %dma_wait3A_64 = arith.constant 0 : i32
        %dma_wait3A_65 = arith.constant 0 : i32
        %dma_wait3A_66 = tpu.memref_slice %arg10[%dma_wait3A_64, %dma_wait3A_65] : memref<10000x128xf32, #tpu.memory_space<vmem_shared>> -> memref<10000x128xf32, #tpu.memory_space<vmem_shared>>
        tpu.wait_indirect_dma semaphore(%run_scoped3A_46 : memref<!tpu.dma_semaphore, #tpu.memory_space<semaphore_mem>>) src(%dma_wait3A_60 : memref<125x128xf32, #tpu.memory_space<vmem>>) dst(%dma_wait3A_66 : memref<10000x128xf32, #tpu.memory_space<vmem_shared>>)
        tpu.yield
      }) : () -> ()
    }
    %scan3A_11 = arith.constant 80 : i32
    %barrier3A_12 = arith.constant 0 : index
    tpu.barrier barrier_id(%barrier3A_12)
    %mul3A_13 = arith.constant 624 : i32
    %mul3A_14 = arith.muli %arg1, %mul3A_13 : i32
    %mul3A_15 = arith.constant 10000 : i32
    %mul3A_16 = arith.muli %arg0, %mul3A_15 : i32
    %mul3A_17 = arith.constant 624 : i32
    %mul3A_18 = arith.muli %arg1, %mul3A_17 : i32
    %add3A_19 = arith.addi %mul3A_16, %mul3A_18 : i32
    "tpu.region"() ({
      %run_scoped3A = tpu.sem_alloc : memref<!tpu.dma_semaphore, #tpu.memory_space<semaphore_mem>>
      %dma_start3A = arith.constant 0 : i32
      %dma_start3A_25 = tpu.memref_slice %arg6[%add3A_19, %dma_start3A] : memref<20000x128xf32, #tpu.memory_space<hbm>> -> memref<624x128xf32, #tpu.memory_space<hbm>>
      %dma_start3A_26 = arith.constant 0 : i32
      %dma_start3A_27 = tpu.memref_slice %arg10[%mul3A_14, %dma_start3A_26] : memref<10000x128xf32, #tpu.memory_space<vmem_shared>> -> memref<624x128xf32, #tpu.memory_space<vmem_shared>>
      tpu.enqueue_dma source(%dma_start3A_27 : memref<624x128xf32, #tpu.memory_space<vmem_shared>>) target(%dma_start3A_25 : memref<624x128xf32, #tpu.memory_space<hbm>>) target_semaphore(%run_scoped3A : memref<!tpu.dma_semaphore, #tpu.memory_space<semaphore_mem>>)
      %dma_wait3A = arith.constant 0 : i32
      %dma_wait3A_28 = tpu.memref_slice %arg6[%add3A_19, %dma_wait3A] : memref<20000x128xf32, #tpu.memory_space<hbm>> -> memref<624x128xf32, #tpu.memory_space<hbm>>
      %dma_wait3A_29 = arith.constant 0 : i32
      %dma_wait3A_30 = tpu.memref_slice %arg10[%mul3A_14, %dma_wait3A_29] : memref<10000x128xf32, #tpu.memory_space<vmem_shared>> -> memref<624x128xf32, #tpu.memory_space<vmem_shared>>
      tpu.wait_dma2 semaphore(%run_scoped3A : memref<!tpu.dma_semaphore, #tpu.memory_space<semaphore_mem>>) src(%dma_wait3A_30 : memref<624x128xf32, #tpu.memory_space<vmem_shared>>) dst(%dma_wait3A_28 : memref<624x128xf32, #tpu.memory_space<hbm>>)
      tpu.yield
    }) : () -> ()
    %eq3A_20 = arith.constant 15 : i32
    %eq3A_21 = arith.cmpi eq, %arg1, %eq3A_20 : i32
    %convert_element_type3A_22 = arith.extui %eq3A_21 : i1 to i32
    %cond3A_23 = arith.constant 0 : i32
    %cond3A_24 = arith.cmpi ne, %convert_element_type3A_22, %cond3A_23 : i32
    scf.if %cond3A_24 {
      %mul3A_25 = arith.constant 10000 : i32
      %mul3A_26 = arith.muli %arg0, %mul3A_25 : i32
      %add3A_27 = arith.constant 9984 : i32
      %add3A_28 = arith.addi %mul3A_26, %add3A_27 : i32
      "tpu.region"() ({
        %run_scoped3A = tpu.sem_alloc : memref<!tpu.dma_semaphore, #tpu.memory_space<semaphore_mem>>
        %dma_start3A = arith.constant 0 : i32
        %dma_start3A_29 = tpu.memref_slice %arg6[%add3A_28, %dma_start3A] : memref<20000x128xf32, #tpu.memory_space<hbm>> -> memref<16x128xf32, #tpu.memory_space<hbm>>
        %dma_start3A_30 = arith.constant 9984 : i32
        %dma_start3A_31 = arith.constant 0 : i32
        %dma_start3A_32 = tpu.memref_slice %arg10[%dma_start3A_30, %dma_start3A_31] : memref<10000x128xf32, #tpu.memory_space<vmem_shared>> -> memref<16x128xf32, #tpu.memory_space<vmem_shared>>
        tpu.enqueue_dma source(%dma_start3A_32 : memref<16x128xf32, #tpu.memory_space<vmem_shared>>) target(%dma_start3A_29 : memref<16x128xf32, #tpu.memory_space<hbm>>) target_semaphore(%run_scoped3A : memref<!tpu.dma_semaphore, #tpu.memory_space<semaphore_mem>>)
        %dma_wait3A = arith.constant 0 : i32
        %dma_wait3A_33 = tpu.memref_slice %arg6[%add3A_28, %dma_wait3A] : memref<20000x128xf32, #tpu.memory_space<hbm>> -> memref<16x128xf32, #tpu.memory_space<hbm>>
        %dma_wait3A_34 = arith.constant 9984 : i32
        %dma_wait3A_35 = arith.constant 0 : i32
        %dma_wait3A_36 = tpu.memref_slice %arg10[%dma_wait3A_34, %dma_wait3A_35] : memref<10000x128xf32, #tpu.memory_space<vmem_shared>> -> memref<16x128xf32, #tpu.memory_space<vmem_shared>>
        tpu.wait_dma2 semaphore(%run_scoped3A : memref<!tpu.dma_semaphore, #tpu.memory_space<semaphore_mem>>) src(%dma_wait3A_36 : memref<16x128xf32, #tpu.memory_space<vmem_shared>>) dst(%dma_wait3A_33 : memref<16x128xf32, #tpu.memory_space<hbm>>)
        tpu.yield
      }) : () -> ()
    } else {
    }
    return
  }
}

#map = affine_map<(d0, d1) -> (0, 0)>
#map1 = affine_map<(d0, d1) -> (0, 0, 0)>
module attributes {stable_mosaic.version = 14 : i64} {
  func.func @_sc_agg_body(%arg0: i32, %arg1: i32, %arg2: memref<20000x128xf32, #tpu.memory_space<hbm>>, %arg3: memref<32x80x125xi32, #tpu.memory_space<hbm>>, %arg4: memref<16x80x125xi32, #tpu.memory_space<hbm>>, %arg5: memref<10000x128xf32, #tpu.memory_space<hbm>>, %arg6: memref<20000x128xf32, #tpu.memory_space<hbm>>, %arg7: memref<80x125xi32, #tpu.memory_space<vmem>>, %arg8: memref<80x125xi32, #tpu.memory_space<vmem>>, %arg9: memref<1x125x128xf32, #tpu.memory_space<vmem>>, %arg10: memref<10000x128xf32, #tpu.memory_space<vmem_shared>>, %arg11: memref<!tpu.dma_semaphore, #tpu.memory_space<semaphore_mem>>, %arg12: memref<!tpu.dma_semaphore, #tpu.memory_space<semaphore_mem>>) attributes {dimension_semantics = [#tpu.dimension_semantics<core_parallel>, #tpu.dimension_semantics<subcore_parallel>], iteration_bounds = array<i64: 2, 16>, scalar_prefetch = 0 : i64, scratch_operands = 6 : i64, tpu.core_type = #tpu.core_type<sc_vector_subcore>, window_params = [{transform_indices = #map}, {transform_indices = #map1}, {transform_indices = #map1}, {transform_indices = #map}, {transform_indices = #map}]} {
    %mul3A = arith.constant 624 : i32
    %mul3A_0 = arith.muli %arg1, %mul3A : i32
    %mul3A_1 = arith.constant 624 : i32
    %mul3A_2 = arith.muli %arg1, %mul3A_1 : i32
    "tpu.region"() ({
      %run_scoped3A = tpu.sem_alloc : memref<!tpu.dma_semaphore, #tpu.memory_space<semaphore_mem>>
      %dma_start3A = arith.constant 0 : i32
      %dma_start3A_25 = tpu.memref_slice %arg10[%mul3A_2, %dma_start3A] : memref<10000x128xf32, #tpu.memory_space<vmem_shared>> -> memref<624x128xf32, #tpu.memory_space<vmem_shared>>
      %dma_start3A_26 = arith.constant 0 : i32
      %dma_start3A_27 = tpu.memref_slice %arg5[%mul3A_0, %dma_start3A_26] : memref<10000x128xf32, #tpu.memory_space<hbm>> -> memref<624x128xf32, #tpu.memory_space<hbm>>
      tpu.enqueue_dma source(%dma_start3A_27 : memref<624x128xf32, #tpu.memory_space<hbm>>) target(%dma_start3A_25 : memref<624x128xf32, #tpu.memory_space<vmem_shared>>) target_semaphore(%run_scoped3A : memref<!tpu.dma_semaphore, #tpu.memory_space<semaphore_mem>>)
      %dma_wait3A = arith.constant 0 : i32
      %dma_wait3A_28 = tpu.memref_slice %arg10[%mul3A_2, %dma_wait3A] : memref<10000x128xf32, #tpu.memory_space<vmem_shared>> -> memref<624x128xf32, #tpu.memory_space<vmem_shared>>
      %dma_wait3A_29 = arith.constant 0 : i32
      %dma_wait3A_30 = tpu.memref_slice %arg5[%mul3A_0, %dma_wait3A_29] : memref<10000x128xf32, #tpu.memory_space<hbm>> -> memref<624x128xf32, #tpu.memory_space<hbm>>
      tpu.wait_dma2 semaphore(%run_scoped3A : memref<!tpu.dma_semaphore, #tpu.memory_space<semaphore_mem>>) src(%dma_wait3A_30 : memref<624x128xf32, #tpu.memory_space<hbm>>) dst(%dma_wait3A_28 : memref<624x128xf32, #tpu.memory_space<vmem_shared>>)
      tpu.yield
    }) : () -> ()
    %eq3A = arith.constant 15 : i32
    %eq3A_3 = arith.cmpi eq, %arg1, %eq3A : i32
    %convert_element_type3A = arith.extui %eq3A_3 : i1 to i32
    %cond3A = arith.constant 0 : i32
    %cond3A_4 = arith.cmpi ne, %convert_element_type3A, %cond3A : i32
    scf.if %cond3A_4 {
      "tpu.region"() ({
        %run_scoped3A = tpu.sem_alloc : memref<!tpu.dma_semaphore, #tpu.memory_space<semaphore_mem>>
        %dma_start3A = arith.constant 9984 : i32
        %dma_start3A_25 = arith.constant 0 : i32
        %dma_start3A_26 = tpu.memref_slice %arg10[%dma_start3A, %dma_start3A_25] : memref<10000x128xf32, #tpu.memory_space<vmem_shared>> -> memref<16x128xf32, #tpu.memory_space<vmem_shared>>
        %dma_start3A_27 = arith.constant 9984 : i32
        %dma_start3A_28 = arith.constant 0 : i32
        %dma_start3A_29 = tpu.memref_slice %arg5[%dma_start3A_27, %dma_start3A_28] : memref<10000x128xf32, #tpu.memory_space<hbm>> -> memref<16x128xf32, #tpu.memory_space<hbm>>
        tpu.enqueue_dma source(%dma_start3A_29 : memref<16x128xf32, #tpu.memory_space<hbm>>) target(%dma_start3A_26 : memref<16x128xf32, #tpu.memory_space<vmem_shared>>) target_semaphore(%run_scoped3A : memref<!tpu.dma_semaphore, #tpu.memory_space<semaphore_mem>>)
        %dma_wait3A = arith.constant 9984 : i32
        %dma_wait3A_30 = arith.constant 0 : i32
        %dma_wait3A_31 = tpu.memref_slice %arg10[%dma_wait3A, %dma_wait3A_30] : memref<10000x128xf32, #tpu.memory_space<vmem_shared>> -> memref<16x128xf32, #tpu.memory_space<vmem_shared>>
        %dma_wait3A_32 = arith.constant 9984 : i32
        %dma_wait3A_33 = arith.constant 0 : i32
        %dma_wait3A_34 = tpu.memref_slice %arg5[%dma_wait3A_32, %dma_wait3A_33] : memref<10000x128xf32, #tpu.memory_space<hbm>> -> memref<16x128xf32, #tpu.memory_space<hbm>>
        tpu.wait_dma2 semaphore(%run_scoped3A : memref<!tpu.dma_semaphore, #tpu.memory_space<semaphore_mem>>) src(%dma_wait3A_34 : memref<16x128xf32, #tpu.memory_space<hbm>>) dst(%dma_wait3A_31 : memref<16x128xf32, #tpu.memory_space<vmem_shared>>)
        tpu.yield
      }) : () -> ()
    } else {
    }
    %mul3A_5 = arith.constant 16 : i32
    %mul3A_6 = arith.muli %arg0, %mul3A_5 : i32
    %add3A = arith.addi %mul3A_6, %arg1 : i32
    "tpu.region"() ({
      %run_scoped3A = tpu.sem_alloc : memref<!tpu.dma_semaphore, #tpu.memory_space<semaphore_mem>>
      %dma_start3A = arith.constant 0 : i32
      %dma_start3A_25 = arith.constant 0 : i32
      %dma_start3A_26 = tpu.memref_slice %arg3[%add3A, %dma_start3A, %dma_start3A_25] : memref<32x80x125xi32, #tpu.memory_space<hbm>> -> memref<1x80x125xi32, #tpu.memory_space<hbm>>
      %dma_start3A_27 = tpu.memref_squeeze %dma_start3A_26 : memref<1x80x125xi32, #tpu.memory_space<hbm>> -> memref<80x125xi32, #tpu.memory_space<hbm>>
      %dma_start3A_28 = arith.constant 0 : i32
      %dma_start3A_29 = arith.constant 0 : i32
      %dma_start3A_30 = tpu.memref_slice %arg3[%add3A, %dma_start3A_28, %dma_start3A_29] : memref<32x80x125xi32, #tpu.memory_space<hbm>> -> memref<1x80x125xi32, #tpu.memory_space<hbm>>
      %dma_start3A_31 = tpu.memref_squeeze %dma_start3A_30 : memref<1x80x125xi32, #tpu.memory_space<hbm>> -> memref<80x125xi32, #tpu.memory_space<hbm>>
      tpu.enqueue_dma source(%dma_start3A_31 : memref<80x125xi32, #tpu.memory_space<hbm>>) target(%arg7 : memref<80x125xi32, #tpu.memory_space<vmem>>) target_semaphore(%run_scoped3A : memref<!tpu.dma_semaphore, #tpu.memory_space<semaphore_mem>>)
      %dma_wait3A = arith.constant 0 : i32
      %dma_wait3A_32 = arith.constant 0 : i32
      %dma_wait3A_33 = tpu.memref_slice %arg3[%add3A, %dma_wait3A, %dma_wait3A_32] : memref<32x80x125xi32, #tpu.memory_space<hbm>> -> memref<1x80x125xi32, #tpu.memory_space<hbm>>
      %dma_wait3A_34 = tpu.memref_squeeze %dma_wait3A_33 : memref<1x80x125xi32, #tpu.memory_space<hbm>> -> memref<80x125xi32, #tpu.memory_space<hbm>>
      %dma_wait3A_35 = arith.constant 0 : i32
      %dma_wait3A_36 = arith.constant 0 : i32
      %dma_wait3A_37 = tpu.memref_slice %arg3[%add3A, %dma_wait3A_35, %dma_wait3A_36] : memref<32x80x125xi32, #tpu.memory_space<hbm>> -> memref<1x80x125xi32, #tpu.memory_space<hbm>>
      %dma_wait3A_38 = tpu.memref_squeeze %dma_wait3A_37 : memref<1x80x125xi32, #tpu.memory_space<hbm>> -> memref<80x125xi32, #tpu.memory_space<hbm>>
      tpu.wait_dma2 semaphore(%run_scoped3A : memref<!tpu.dma_semaphore, #tpu.memory_space<semaphore_mem>>) src(%dma_wait3A_38 : memref<80x125xi32, #tpu.memory_space<hbm>>) dst(%arg7 : memref<80x125xi32, #tpu.memory_space<vmem>>)
      tpu.yield
    }) : () -> ()
    "tpu.region"() ({
      %run_scoped3A = tpu.sem_alloc : memref<!tpu.dma_semaphore, #tpu.memory_space<semaphore_mem>>
      %dma_start3A = arith.constant 0 : i32
      %dma_start3A_25 = arith.constant 0 : i32
      %dma_start3A_26 = tpu.memref_slice %arg4[%arg1, %dma_start3A, %dma_start3A_25] : memref<16x80x125xi32, #tpu.memory_space<hbm>> -> memref<1x80x125xi32, #tpu.memory_space<hbm>>
      %dma_start3A_27 = tpu.memref_squeeze %dma_start3A_26 : memref<1x80x125xi32, #tpu.memory_space<hbm>> -> memref<80x125xi32, #tpu.memory_space<hbm>>
      %dma_start3A_28 = arith.constant 0 : i32
      %dma_start3A_29 = arith.constant 0 : i32
      %dma_start3A_30 = tpu.memref_slice %arg4[%arg1, %dma_start3A_28, %dma_start3A_29] : memref<16x80x125xi32, #tpu.memory_space<hbm>> -> memref<1x80x125xi32, #tpu.memory_space<hbm>>
      %dma_start3A_31 = tpu.memref_squeeze %dma_start3A_30 : memref<1x80x125xi32, #tpu.memory_space<hbm>> -> memref<80x125xi32, #tpu.memory_space<hbm>>
      tpu.enqueue_dma source(%dma_start3A_31 : memref<80x125xi32, #tpu.memory_space<hbm>>) target(%arg8 : memref<80x125xi32, #tpu.memory_space<vmem>>) target_semaphore(%run_scoped3A : memref<!tpu.dma_semaphore, #tpu.memory_space<semaphore_mem>>)
      %dma_wait3A = arith.constant 0 : i32
      %dma_wait3A_32 = arith.constant 0 : i32
      %dma_wait3A_33 = tpu.memref_slice %arg4[%arg1, %dma_wait3A, %dma_wait3A_32] : memref<16x80x125xi32, #tpu.memory_space<hbm>> -> memref<1x80x125xi32, #tpu.memory_space<hbm>>
      %dma_wait3A_34 = tpu.memref_squeeze %dma_wait3A_33 : memref<1x80x125xi32, #tpu.memory_space<hbm>> -> memref<80x125xi32, #tpu.memory_space<hbm>>
      %dma_wait3A_35 = arith.constant 0 : i32
      %dma_wait3A_36 = arith.constant 0 : i32
      %dma_wait3A_37 = tpu.memref_slice %arg4[%arg1, %dma_wait3A_35, %dma_wait3A_36] : memref<16x80x125xi32, #tpu.memory_space<hbm>> -> memref<1x80x125xi32, #tpu.memory_space<hbm>>
      %dma_wait3A_38 = tpu.memref_squeeze %dma_wait3A_37 : memref<1x80x125xi32, #tpu.memory_space<hbm>> -> memref<80x125xi32, #tpu.memory_space<hbm>>
      tpu.wait_dma2 semaphore(%run_scoped3A : memref<!tpu.dma_semaphore, #tpu.memory_space<semaphore_mem>>) src(%dma_wait3A_38 : memref<80x125xi32, #tpu.memory_space<hbm>>) dst(%arg8 : memref<80x125xi32, #tpu.memory_space<vmem>>)
      tpu.yield
    }) : () -> ()
    %barrier3A = arith.constant 0 : index
    tpu.barrier barrier_id(%barrier3A)
    %scan3A = arith.constant 0 : i32
    %scan3A_7 = arith.constant 0 : i32
    %scan3A_8 = arith.constant 80 : i32
    %scan3A_9 = arith.addi %scan3A_7, %scan3A_8 : i32
    %scan3A_10 = arith.constant 1 : i32
    scf.for %scan3A_25 = %scan3A_7 to %scan3A_9 step %scan3A_10  : i32 {
      %dma_start3A = arith.constant 0 : i32
      %dma_start3A_26 = arith.constant 0 : i32
      %dma_start3A_27 = arith.constant 0 : i32
      %dma_start3A_28 = tpu.memref_slice %arg9[%dma_start3A, %dma_start3A_26, %dma_start3A_27] : memref<1x125x128xf32, #tpu.memory_space<vmem>> -> memref<1x125x128xf32, #tpu.memory_space<vmem>>
      %dma_start3A_29 = tpu.memref_squeeze %dma_start3A_28 : memref<1x125x128xf32, #tpu.memory_space<vmem>> -> memref<125x128xf32, #tpu.memory_space<vmem>>
      %dma_start3A_30 = arith.constant 0 : i32
      %dma_start3A_31 = tpu.memref_slice %arg7[%scan3A_25, %dma_start3A_30] : memref<80x125xi32, #tpu.memory_space<vmem>> -> memref<1x125xi32, #tpu.memory_space<vmem>>
      %dma_start3A_32 = tpu.memref_squeeze %dma_start3A_31 : memref<1x125xi32, #tpu.memory_space<vmem>> -> memref<125xi32, #tpu.memory_space<vmem>>
      %dma_start3A_33 = arith.constant 0 : i32
      %dma_start3A_34 = arith.constant 0 : i32
      %dma_start3A_35 = tpu.memref_slice %arg2[%dma_start3A_33, %dma_start3A_34] : memref<20000x128xf32, #tpu.memory_space<hbm>> -> memref<20000x128xf32, #tpu.memory_space<hbm>>
      tpu.enqueue_indirect_dma source(%dma_start3A_35 : memref<20000x128xf32, #tpu.memory_space<hbm>>) target(%dma_start3A_29 : memref<125x128xf32, #tpu.memory_space<vmem>>) offsets(%dma_start3A_32 : memref<125xi32, #tpu.memory_space<vmem>>) semaphore(%arg11 : memref<!tpu.dma_semaphore, #tpu.memory_space<semaphore_mem>>)
      %dma_wait3A = arith.constant 0 : i32
      %dma_wait3A_36 = arith.constant 0 : i32
      %dma_wait3A_37 = arith.constant 0 : i32
      %dma_wait3A_38 = tpu.memref_slice %arg9[%dma_wait3A, %dma_wait3A_36, %dma_wait3A_37] : memref<1x125x128xf32, #tpu.memory_space<vmem>> -> memref<1x125x128xf32, #tpu.memory_space<vmem>>
      %dma_wait3A_39 = tpu.memref_squeeze %dma_wait3A_38 : memref<1x125x128xf32, #tpu.memory_space<vmem>> -> memref<125x128xf32, #tpu.memory_space<vmem>>
      %dma_wait3A_40 = arith.constant 0 : i32
      %dma_wait3A_41 = tpu.memref_slice %arg7[%scan3A_25, %dma_wait3A_40] : memref<80x125xi32, #tpu.memory_space<vmem>> -> memref<1x125xi32, #tpu.memory_space<vmem>>
      %dma_wait3A_42 = tpu.memref_squeeze %dma_wait3A_41 : memref<1x125xi32, #tpu.memory_space<vmem>> -> memref<125xi32, #tpu.memory_space<vmem>>
      %dma_wait3A_43 = arith.constant 0 : i32
      %dma_wait3A_44 = arith.constant 0 : i32
      %dma_wait3A_45 = tpu.memref_slice %arg2[%dma_wait3A_43, %dma_wait3A_44] : memref<20000x128xf32, #tpu.memory_space<hbm>> -> memref<20000x128xf32, #tpu.memory_space<hbm>>
      tpu.wait_indirect_dma semaphore(%arg11 : memref<!tpu.dma_semaphore, #tpu.memory_space<semaphore_mem>>) src(%dma_wait3A_45 : memref<20000x128xf32, #tpu.memory_space<hbm>>) dst(%dma_wait3A_39 : memref<125x128xf32, #tpu.memory_space<vmem>>)
      %run_scoped3A = arith.constant 0 : i32
      "tpu.region"() ({
        %run_scoped3A_46 = tpu.sem_alloc : memref<!tpu.dma_semaphore, #tpu.memory_space<semaphore_mem>>
        %dma_start3A_47 = arith.constant 0 : i32
        %dma_start3A_48 = arith.constant 0 : i32
        %dma_start3A_49 = tpu.memref_slice %arg9[%run_scoped3A, %dma_start3A_47, %dma_start3A_48] : memref<1x125x128xf32, #tpu.memory_space<vmem>> -> memref<1x125x128xf32, #tpu.memory_space<vmem>>
        %dma_start3A_50 = tpu.memref_squeeze %dma_start3A_49 : memref<1x125x128xf32, #tpu.memory_space<vmem>> -> memref<125x128xf32, #tpu.memory_space<vmem>>
        %dma_start3A_51 = arith.constant 0 : i32
        %dma_start3A_52 = tpu.memref_slice %arg8[%scan3A_25, %dma_start3A_51] : memref<80x125xi32, #tpu.memory_space<vmem>> -> memref<1x125xi32, #tpu.memory_space<vmem>>
        %dma_start3A_53 = tpu.memref_squeeze %dma_start3A_52 : memref<1x125xi32, #tpu.memory_space<vmem>> -> memref<125xi32, #tpu.memory_space<vmem>>
        %dma_start3A_54 = arith.constant 0 : i32
        %dma_start3A_55 = arith.constant 0 : i32
        %dma_start3A_56 = tpu.memref_slice %arg10[%dma_start3A_54, %dma_start3A_55] : memref<10000x128xf32, #tpu.memory_space<vmem_shared>> -> memref<10000x128xf32, #tpu.memory_space<vmem_shared>>
        tpu.enqueue_indirect_dma source(%dma_start3A_50 : memref<125x128xf32, #tpu.memory_space<vmem>>) target(%dma_start3A_56 : memref<10000x128xf32, #tpu.memory_space<vmem_shared>>) offsets(%dma_start3A_53 : memref<125xi32, #tpu.memory_space<vmem>>) semaphore(%run_scoped3A_46 : memref<!tpu.dma_semaphore, #tpu.memory_space<semaphore_mem>>) {add = true}
        %dma_wait3A_57 = arith.constant 0 : i32
        %dma_wait3A_58 = arith.constant 0 : i32
        %dma_wait3A_59 = tpu.memref_slice %arg9[%run_scoped3A, %dma_wait3A_57, %dma_wait3A_58] : memref<1x125x128xf32, #tpu.memory_space<vmem>> -> memref<1x125x128xf32, #tpu.memory_space<vmem>>
        %dma_wait3A_60 = tpu.memref_squeeze %dma_wait3A_59 : memref<1x125x128xf32, #tpu.memory_space<vmem>> -> memref<125x128xf32, #tpu.memory_space<vmem>>
        %dma_wait3A_61 = arith.constant 0 : i32
        %dma_wait3A_62 = tpu.memref_slice %arg8[%scan3A_25, %dma_wait3A_61] : memref<80x125xi32, #tpu.memory_space<vmem>> -> memref<1x125xi32, #tpu.memory_space<vmem>>
        %dma_wait3A_63 = tpu.memref_squeeze %dma_wait3A_62 : memref<1x125xi32, #tpu.memory_space<vmem>> -> memref<125xi32, #tpu.memory_space<vmem>>
        %dma_wait3A_64 = arith.constant 0 : i32
        %dma_wait3A_65 = arith.constant 0 : i32
        %dma_wait3A_66 = tpu.memref_slice %arg10[%dma_wait3A_64, %dma_wait3A_65] : memref<10000x128xf32, #tpu.memory_space<vmem_shared>> -> memref<10000x128xf32, #tpu.memory_space<vmem_shared>>
        tpu.wait_indirect_dma semaphore(%run_scoped3A_46 : memref<!tpu.dma_semaphore, #tpu.memory_space<semaphore_mem>>) src(%dma_wait3A_60 : memref<125x128xf32, #tpu.memory_space<vmem>>) dst(%dma_wait3A_66 : memref<10000x128xf32, #tpu.memory_space<vmem_shared>>)
        tpu.yield
      }) : () -> ()
    }
    %scan3A_11 = arith.constant 80 : i32
    %barrier3A_12 = arith.constant 0 : index
    tpu.barrier barrier_id(%barrier3A_12)
    %mul3A_13 = arith.constant 624 : i32
    %mul3A_14 = arith.muli %arg1, %mul3A_13 : i32
    %mul3A_15 = arith.constant 10000 : i32
    %mul3A_16 = arith.muli %arg0, %mul3A_15 : i32
    %mul3A_17 = arith.constant 624 : i32
    %mul3A_18 = arith.muli %arg1, %mul3A_17 : i32
    %add3A_19 = arith.addi %mul3A_16, %mul3A_18 : i32
    "tpu.region"() ({
      %run_scoped3A = tpu.sem_alloc : memref<!tpu.dma_semaphore, #tpu.memory_space<semaphore_mem>>
      %dma_start3A = arith.constant 0 : i32
      %dma_start3A_25 = tpu.memref_slice %arg6[%add3A_19, %dma_start3A] : memref<20000x128xf32, #tpu.memory_space<hbm>> -> memref<624x128xf32, #tpu.memory_space<hbm>>
      %dma_start3A_26 = arith.constant 0 : i32
      %dma_start3A_27 = tpu.memref_slice %arg10[%mul3A_14, %dma_start3A_26] : memref<10000x128xf32, #tpu.memory_space<vmem_shared>> -> memref<624x128xf32, #tpu.memory_space<vmem_shared>>
      tpu.enqueue_dma source(%dma_start3A_27 : memref<624x128xf32, #tpu.memory_space<vmem_shared>>) target(%dma_start3A_25 : memref<624x128xf32, #tpu.memory_space<hbm>>) target_semaphore(%run_scoped3A : memref<!tpu.dma_semaphore, #tpu.memory_space<semaphore_mem>>)
      %dma_wait3A = arith.constant 0 : i32
      %dma_wait3A_28 = tpu.memref_slice %arg6[%add3A_19, %dma_wait3A] : memref<20000x128xf32, #tpu.memory_space<hbm>> -> memref<624x128xf32, #tpu.memory_space<hbm>>
      %dma_wait3A_29 = arith.constant 0 : i32
      %dma_wait3A_30 = tpu.memref_slice %arg10[%mul3A_14, %dma_wait3A_29] : memref<10000x128xf32, #tpu.memory_space<vmem_shared>> -> memref<624x128xf32, #tpu.memory_space<vmem_shared>>
      tpu.wait_dma2 semaphore(%run_scoped3A : memref<!tpu.dma_semaphore, #tpu.memory_space<semaphore_mem>>) src(%dma_wait3A_30 : memref<624x128xf32, #tpu.memory_space<vmem_shared>>) dst(%dma_wait3A_28 : memref<624x128xf32, #tpu.memory_space<hbm>>)
      tpu.yield
    }) : () -> ()
    %eq3A_20 = arith.constant 15 : i32
    %eq3A_21 = arith.cmpi eq, %arg1, %eq3A_20 : i32
    %convert_element_type3A_22 = arith.extui %eq3A_21 : i1 to i32
    %cond3A_23 = arith.constant 0 : i32
    %cond3A_24 = arith.cmpi ne, %convert_element_type3A_22, %cond3A_23 : i32
    scf.if %cond3A_24 {
      %mul3A_25 = arith.constant 10000 : i32
      %mul3A_26 = arith.muli %arg0, %mul3A_25 : i32
      %add3A_27 = arith.constant 9984 : i32
      %add3A_28 = arith.addi %mul3A_26, %add3A_27 : i32
      "tpu.region"() ({
        %run_scoped3A = tpu.sem_alloc : memref<!tpu.dma_semaphore, #tpu.memory_space<semaphore_mem>>
        %dma_start3A = arith.constant 0 : i32
        %dma_start3A_29 = tpu.memref_slice %arg6[%add3A_28, %dma_start3A] : memref<20000x128xf32, #tpu.memory_space<hbm>> -> memref<16x128xf32, #tpu.memory_space<hbm>>
        %dma_start3A_30 = arith.constant 9984 : i32
        %dma_start3A_31 = arith.constant 0 : i32
        %dma_start3A_32 = tpu.memref_slice %arg10[%dma_start3A_30, %dma_start3A_31] : memref<10000x128xf32, #tpu.memory_space<vmem_shared>> -> memref<16x128xf32, #tpu.memory_space<vmem_shared>>
        tpu.enqueue_dma source(%dma_start3A_32 : memref<16x128xf32, #tpu.memory_space<vmem_shared>>) target(%dma_start3A_29 : memref<16x128xf32, #tpu.memory_space<hbm>>) target_semaphore(%run_scoped3A : memref<!tpu.dma_semaphore, #tpu.memory_space<semaphore_mem>>)
        %dma_wait3A = arith.constant 0 : i32
        %dma_wait3A_33 = tpu.memref_slice %arg6[%add3A_28, %dma_wait3A] : memref<20000x128xf32, #tpu.memory_space<hbm>> -> memref<16x128xf32, #tpu.memory_space<hbm>>
        %dma_wait3A_34 = arith.constant 9984 : i32
        %dma_wait3A_35 = arith.constant 0 : i32
        %dma_wait3A_36 = tpu.memref_slice %arg10[%dma_wait3A_34, %dma_wait3A_35] : memref<10000x128xf32, #tpu.memory_space<vmem_shared>> -> memref<16x128xf32, #tpu.memory_space<vmem_shared>>
        tpu.wait_dma2 semaphore(%run_scoped3A : memref<!tpu.dma_semaphore, #tpu.memory_space<semaphore_mem>>) src(%dma_wait3A_36 : memref<16x128xf32, #tpu.memory_space<vmem_shared>>) dst(%dma_wait3A_33 : memref<16x128xf32, #tpu.memory_space<hbm>>)
        tpu.yield
      }) : () -> ()
    } else {
    }
    return
  }
}

module attributes {stable_mosaic.version = 14 : i64} {
  func.func @_gin_fused_body(%arg0: i32, %arg1: i32, %arg2: memref<1x1xf32, #tpu.memory_space<smem>>, %arg3: memref<1000x128xf32, #tpu.memory_space<vmem>>, %arg4: memref<1000x128xf32, #tpu.memory_space<vmem>>, %arg5: memref<1000x128xf32, #tpu.memory_space<vmem>>, %arg6: memref<1000x128xf32, #tpu.memory_space<vmem>>, %arg7: memref<256x256xf32, #tpu.memory_space<vmem>>, %arg8: memref<1x256xf32, #tpu.memory_space<vmem>>, %arg9: memref<256x256xf32, #tpu.memory_space<vmem>>, %arg10: memref<1x256xf32, #tpu.memory_space<vmem>>, %arg11: memref<1x256xf32, #tpu.memory_space<vmem>>, %arg12: memref<1x256xf32, #tpu.memory_space<vmem>>, %arg13: memref<1x1x1000xi32, #tpu.memory_space<vmem>>, %arg14: memref<2x1000x128xf32, #tpu.memory_space<vmem>>, %arg15: memref<64x256xf32, #tpu.memory_space<vmem>>, %arg16: memref<10000x256xf32, #tpu.memory_space<vmem>>, %arg17: memref<2x256xf32, #tpu.memory_space<vmem>>) attributes {dimension_semantics = [#tpu.dimension_semantics<arbitrary>, #tpu.dimension_semantics<arbitrary>], iteration_bounds = array<i64: 2, 10>, scalar_prefetch = 0 : i64, scratch_operands = 2 : i64, tpu.core_type = #tpu.core_type<tc>, window_params = [{transform_indices = @transform_0, window_bounds = array<i64: 1, 1>}, {transform_indices = @transform_1, window_bounds = array<i64: 1000, 128>}, {transform_indices = @transform_2, window_bounds = array<i64: 1000, 128>}, {transform_indices = @transform_3, window_bounds = array<i64: 1000, 128>}, {transform_indices = @transform_4, window_bounds = array<i64: 1000, 128>}, {pipeline_mode = #tpu.pipeline_mode<synchronous>, transform_indices = @transform_5, window_bounds = array<i64: 256, 256>}, {pipeline_mode = #tpu.pipeline_mode<synchronous>, transform_indices = @transform_6, window_bounds = array<i64: 1, 256>}, {pipeline_mode = #tpu.pipeline_mode<synchronous>, transform_indices = @transform_7, window_bounds = array<i64: 256, 256>}, {pipeline_mode = #tpu.pipeline_mode<synchronous>, transform_indices = @transform_8, window_bounds = array<i64: 1, 256>}, {pipeline_mode = #tpu.pipeline_mode<synchronous>, transform_indices = @transform_9, window_bounds = array<i64: 1, 256>}, {pipeline_mode = #tpu.pipeline_mode<synchronous>, transform_indices = @transform_10, window_bounds = array<i64: 1, 256>}, {transform_indices = @transform_11, window_bounds = array<i64: 1, 1, 1000>}, {transform_indices = @transform_12, window_bounds = array<i64: 2, 1000, 128>}, {pipeline_mode = #tpu.pipeline_mode<synchronous>, transform_indices = @transform_13, window_bounds = array<i64: 64, 256>}]} {
    %eq3A = arith.constant 0 : i32
    %eq3A_0 = arith.cmpi eq, %arg0, %eq3A : i32
    %convert_element_type3A = arith.extui %eq3A_0 : i1 to i32
    %cond3A = arith.constant 0 : i32
    %cond3A_1 = arith.cmpi ne, %convert_element_type3A, %cond3A : i32
    scf.if %cond3A_1 {
      %get3A = arith.constant 0 : index
      %get3A_7 = arith.constant 0 : index
      %get3A_8 = memref.load %arg2[%get3A, %get3A_7] : memref<1x1xf32, #tpu.memory_space<smem>>
      %add3A = arith.constant 1.000000e+00 : f32
      %add3A_9 = arith.addf %add3A, %get3A_8 : f32
      %get3A_10 = arith.constant 0 : index
      %get3A_11 = arith.constant 0 : index
      %get3A_12 = vector.load %arg3[%get3A_10, %get3A_11] : memref<1000x128xf32, #tpu.memory_space<vmem>>, vector<1000x128xf32>
      %mul3A = vector.broadcast %add3A_9 : f32 to vector<1000x128xf32>
      %mul3A_13 = arith.mulf %mul3A, %get3A_12 : vector<1000x128xf32>
      %get3A_14 = arith.constant 0 : index
      %get3A_15 = arith.constant 0 : index
      %get3A_16 = vector.load %arg5[%get3A_14, %get3A_15] : memref<1000x128xf32, #tpu.memory_space<vmem>>, vector<1000x128xf32>
      %add3A_17 = arith.addf %mul3A_13, %get3A_16 : vector<1000x128xf32>
      %get3A_18 = arith.constant 0 : index
      %get3A_19 = arith.constant 0 : index
      %get3A_20 = vector.load %arg4[%get3A_18, %get3A_19] : memref<1000x128xf32, #tpu.memory_space<vmem>>, vector<1000x128xf32>
      %mul3A_21 = vector.broadcast %add3A_9 : f32 to vector<1000x128xf32>
      %mul3A_22 = arith.mulf %mul3A_21, %get3A_20 : vector<1000x128xf32>
      %get3A_23 = arith.constant 0 : index
      %get3A_24 = arith.constant 0 : index
      %get3A_25 = vector.load %arg6[%get3A_23, %get3A_24] : memref<1000x128xf32, #tpu.memory_space<vmem>>, vector<1000x128xf32>
      %add3A_26 = arith.addf %mul3A_22, %get3A_25 : vector<1000x128xf32>
      %get3A_27 = arith.constant 0 : index
      %get3A_28 = arith.constant 0 : index
      %get3A_29 = vector.load %arg7[%get3A_27, %get3A_28] : memref<256x256xf32, #tpu.memory_space<vmem>>, vector<128x256xf32>
      %dot_general3A = arith.constant dense<0.000000e+00> : vector<1000x256xf32>
      %dot_general3A_30 = tpu.matmul %add3A_17, %get3A_29, %dot_general3A {dimension_numbers = #tpu.dot_dimension_numbers<[1], [0], [0], [1], [0, 0, 1, 1], [], []>, transpose_lhs_hint = false} : vector<1000x128xf32>, vector<128x256xf32>, vector<1000x256xf32> -> vector<1000x256xf32>
      %get3A_31 = arith.constant 128 : index
      %get3A_32 = arith.constant 0 : index
      %get3A_33 = vector.load %arg7[%get3A_31, %get3A_32] : memref<256x256xf32, #tpu.memory_space<vmem>>, vector<128x256xf32>
      %dot_general3A_34 = arith.constant dense<0.000000e+00> : vector<1000x256xf32>
      %dot_general3A_35 = tpu.matmul %add3A_26, %get3A_33, %dot_general3A_34 {dimension_numbers = #tpu.dot_dimension_numbers<[1], [0], [0], [1], [0, 0, 1, 1], [], []>, transpose_lhs_hint = false} : vector<1000x128xf32>, vector<128x256xf32>, vector<1000x256xf32> -> vector<1000x256xf32>
      %add3A_36 = arith.addf %dot_general3A_30, %dot_general3A_35 : vector<1000x256xf32>
      %get3A_37 = arith.constant 0 : index
      %get3A_38 = arith.constant 0 : index
      %get3A_39 = vector.load %arg8[%get3A_37, %get3A_38] : memref<1x256xf32, #tpu.memory_space<vmem>>, vector<1x256xf32>
      %add3A_40 = vector.broadcast %get3A_39 : vector<1x256xf32> to vector<1000x256xf32>
      %add3A_41 = arith.addf %add3A_36, %add3A_40 : vector<1000x256xf32>
      %max3A = arith.constant 0.000000e+00 : f32
      %max3A_42 = vector.broadcast %max3A : f32 to vector<1000x256xf32>
      %max3A_43 = arith.maximumf %add3A_41, %max3A_42 : vector<1000x256xf32>
      %get3A_44 = arith.constant 0 : index
      %get3A_45 = arith.constant 0 : index
      %get3A_46 = vector.load %arg9[%get3A_44, %get3A_45] : memref<256x256xf32, #tpu.memory_space<vmem>>, vector<256x256xf32>
      %dot_general3A_47 = arith.constant dense<0.000000e+00> : vector<1000x256xf32>
      %dot_general3A_48 = tpu.matmul %max3A_43, %get3A_46, %dot_general3A_47 {dimension_numbers = #tpu.dot_dimension_numbers<[1], [0], [0], [1], [0, 0, 1, 1], [], []>, transpose_lhs_hint = false} : vector<1000x256xf32>, vector<256x256xf32>, vector<1000x256xf32> -> vector<1000x256xf32>
      %get3A_49 = arith.constant 0 : index
      %get3A_50 = arith.constant 0 : index
      %get3A_51 = vector.load %arg10[%get3A_49, %get3A_50] : memref<1x256xf32, #tpu.memory_space<vmem>>, vector<1x256xf32>
      %add3A_52 = vector.broadcast %get3A_51 : vector<1x256xf32> to vector<1000x256xf32>
      %add3A_53 = arith.addf %dot_general3A_48, %add3A_52 : vector<1000x256xf32>
      %max3A_54 = arith.constant 0.000000e+00 : f32
      %max3A_55 = vector.broadcast %max3A_54 : f32 to vector<1000x256xf32>
      %max3A_56 = arith.maximumf %add3A_53, %max3A_55 : vector<1000x256xf32>
      %mul3A_57 = arith.constant 1000 : i32
      %mul3A_58 = arith.muli %arg1, %mul3A_57 : i32
      %swap3A = arith.index_cast %mul3A_58 : i32 to index
      %swap3A_59 = arith.constant 0 : index
      %swap3A_60 = vector.load %arg16[%swap3A, %swap3A_59] : memref<10000x256xf32, #tpu.memory_space<vmem>>, vector<1000x256xf32>
      tpu.vector_store %arg16[%swap3A, %swap3A_59], %max3A_56 {strides = array<i32>} : memref<10000x256xf32, #tpu.memory_space<vmem>>, vector<1000x256xf32>,
      %reduce_sum3A = arith.constant dense<0.000000e+00> : vector<256xf32>
      %reduce_sum3A_61 = vector.multi_reduction <add>, %max3A_56, %reduce_sum3A [0] : vector<1000x256xf32> to vector<256xf32>
      %broadcast_in_dim3A = vector.shape_cast %reduce_sum3A_61 : vector<256xf32> to vector<1x256xf32>
      %mul3A_62 = arith.mulf %max3A_56, %max3A_56 : vector<1000x256xf32>
      %reduce_sum3A_63 = arith.constant dense<0.000000e+00> : vector<256xf32>
      %reduce_sum3A_64 = vector.multi_reduction <add>, %mul3A_62, %reduce_sum3A_63 [0] : vector<1000x256xf32> to vector<256xf32>
      %broadcast_in_dim3A_65 = vector.shape_cast %reduce_sum3A_64 : vector<256xf32> to vector<1x256xf32>
      %concatenate3A = tpu.concatenate %broadcast_in_dim3A, %broadcast_in_dim3A_65 in 0 : vector<1x256xf32>, vector<1x256xf32> -> vector<2x256xf32>
      %eq3A_66 = arith.constant 0 : i32
      %eq3A_67 = arith.cmpi eq, %arg1, %eq3A_66 : i32
      %convert_element_type3A_68 = arith.extui %eq3A_67 : i1 to i32
      %cond3A_69 = arith.constant 0 : i32
      %cond3A_70 = arith.cmpi ne, %convert_element_type3A_68, %cond3A_69 : i32
      scf.if %cond3A_70 {
        %swap3A_75 = arith.constant 0 : index
        %swap3A_76 = arith.constant 0 : index
        %swap3A_77 = vector.load %arg17[%swap3A_75, %swap3A_76] : memref<2x256xf32, #tpu.memory_space<vmem>>, vector<2x256xf32>
        tpu.vector_store %arg17[%swap3A_75, %swap3A_76], %concatenate3A {strides = array<i32>} : memref<2x256xf32, #tpu.memory_space<vmem>>, vector<2x256xf32>,
      } else {
      }
      %gt3A = arith.constant 0 : i32
      %gt3A_71 = arith.cmpi sgt, %arg1, %gt3A : i32
      %convert_element_type3A_72 = arith.extui %gt3A_71 : i1 to i32
      %cond3A_73 = arith.constant 0 : i32
      %cond3A_74 = arith.cmpi ne, %convert_element_type3A_72, %cond3A_73 : i32
      scf.if %cond3A_74 {
        %get3A_75 = arith.constant 0 : index
        %get3A_76 = arith.constant 0 : index
        %get3A_77 = vector.load %arg17[%get3A_75, %get3A_76] : memref<2x256xf32, #tpu.memory_space<vmem>>, vector<2x256xf32>
        %add3A_78 = arith.addf %get3A_77, %concatenate3A : vector<2x256xf32>
        %swap3A_79 = arith.constant 0 : index
        %swap3A_80 = arith.constant 0 : index
        %swap3A_81 = vector.load %arg17[%swap3A_79, %swap3A_80] : memref<2x256xf32, #tpu.memory_space<vmem>>, vector<2x256xf32>
        tpu.vector_store %arg17[%swap3A_79, %swap3A_80], %add3A_78 {strides = array<i32>} : memref<2x256xf32, #tpu.memory_space<vmem>>, vector<2x256xf32>,
      } else {
      }
    } else {
    }
    %eq3A_2 = arith.constant 1 : i32
    %eq3A_3 = arith.cmpi eq, %arg0, %eq3A_2 : i32
    %convert_element_type3A_4 = arith.extui %eq3A_3 : i1 to i32
    %cond3A_5 = arith.constant 0 : i32
    %cond3A_6 = arith.cmpi ne, %convert_element_type3A_4, %cond3A_5 : i32
    scf.if %cond3A_6 {
      %get3A = arith.constant 0 : index
      %get3A_7 = arith.constant 0 : index
      %get3A_8 = vector.load %arg17[%get3A, %get3A_7] : memref<2x256xf32, #tpu.memory_space<vmem>>, vector<1x256xf32>
      %mul3A = arith.constant 9.99999974E-5 : f32
      %mul3A_9 = vector.broadcast %mul3A : f32 to vector<1x256xf32>
      %mul3A_10 = arith.mulf %get3A_8, %mul3A_9 : vector<1x256xf32>
      %get3A_11 = arith.constant 1 : index
      %get3A_12 = arith.constant 0 : index
      %get3A_13 = vector.load %arg17[%get3A_11, %get3A_12] : memref<2x256xf32, #tpu.memory_space<vmem>>, vector<1x256xf32>
      %mul3A_14 = arith.constant 9.99999974E-5 : f32
      %mul3A_15 = vector.broadcast %mul3A_14 : f32 to vector<1x256xf32>
      %mul3A_16 = arith.mulf %get3A_13, %mul3A_15 : vector<1x256xf32>
      %mul3A_17 = arith.mulf %mul3A_10, %mul3A_10 : vector<1x256xf32>
      %sub3A = arith.subf %mul3A_16, %mul3A_17 : vector<1x256xf32>
      %get3A_18 = arith.constant 0 : index
      %get3A_19 = arith.constant 0 : index
      %get3A_20 = vector.load %arg11[%get3A_18, %get3A_19] : memref<1x256xf32, #tpu.memory_space<vmem>>, vector<1x256xf32>
      %add3A = arith.constant 9.99999974E-6 : f32
      %add3A_21 = vector.broadcast %add3A : f32 to vector<1x256xf32>
      %add3A_22 = arith.addf %sub3A, %add3A_21 : vector<1x256xf32>
      %rsqrt3A = math.rsqrt %add3A_22 : vector<1x256xf32>
      %mul3A_23 = arith.mulf %get3A_20, %rsqrt3A : vector<1x256xf32>
      %get3A_24 = arith.constant 0 : index
      %get3A_25 = arith.constant 0 : index
      %get3A_26 = vector.load %arg12[%get3A_24, %get3A_25] : memref<1x256xf32, #tpu.memory_space<vmem>>, vector<1x256xf32>
      %mul3A_27 = arith.mulf %mul3A_10, %mul3A_23 : vector<1x256xf32>
      %sub3A_28 = arith.subf %get3A_26, %mul3A_27 : vector<1x256xf32>
      %mul3A_29 = arith.constant 1000 : i32
      %mul3A_30 = arith.muli %arg1, %mul3A_29 : i32
      %get3A_31 = arith.index_cast %mul3A_30 : i32 to index
      %get3A_32 = arith.constant 0 : index
      %get3A_33 = vector.load %arg16[%get3A_31, %get3A_32] : memref<10000x256xf32, #tpu.memory_space<vmem>>, vector<1000x256xf32>
      %mul3A_34 = vector.broadcast %mul3A_23 : vector<1x256xf32> to vector<1000x256xf32>
      %mul3A_35 = arith.mulf %get3A_33, %mul3A_34 : vector<1000x256xf32>
      %add3A_36 = vector.broadcast %sub3A_28 : vector<1x256xf32> to vector<1000x256xf32>
      %add3A_37 = arith.addf %mul3A_35, %add3A_36 : vector<1000x256xf32>
      %slice3A = vector.extract_strided_slice %add3A_37 {offsets = [0, 0], sizes = [1000, 128], strides = [1, 1]} : vector<1000x256xf32> to vector<1000x128xf32>
      %swap3A = arith.constant 0 : index
      %swap3A_38 = arith.constant 0 : index
      %swap3A_39 = arith.constant 0 : index
      %swap3A_40 = vector.load %arg14[%swap3A, %swap3A_38, %swap3A_39] : memref<2x1000x128xf32, #tpu.memory_space<vmem>>, vector<1x1000x128xf32>
      %swap3A_41 = vector.shape_cast %swap3A_40 : vector<1x1000x128xf32> to vector<1000x128xf32>
      %swap3A_42 = vector.shape_cast %slice3A : vector<1000x128xf32> to vector<1x1000x128xf32>
      tpu.vector_store %arg14[%swap3A, %swap3A_38, %swap3A_39], %swap3A_42 {strides = array<i32>} : memref<2x1000x128xf32, #tpu.memory_space<vmem>>, vector<1x1000x128xf32>,
      %slice3A_43 = vector.extract_strided_slice %add3A_37 {offsets = [0, 128], sizes = [1000, 128], strides = [1, 1]} : vector<1000x256xf32> to vector<1000x128xf32>
      %swap3A_44 = arith.constant 1 : index
      %swap3A_45 = arith.constant 0 : index
      %swap3A_46 = arith.constant 0 : index
      %swap3A_47 = vector.load %arg14[%swap3A_44, %swap3A_45, %swap3A_46] : memref<2x1000x128xf32, #tpu.memory_space<vmem>>, vector<1x1000x128xf32>
      %swap3A_48 = vector.shape_cast %swap3A_47 : vector<1x1000x128xf32> to vector<1000x128xf32>
      %swap3A_49 = vector.shape_cast %slice3A_43 : vector<1000x128xf32> to vector<1x1000x128xf32>
      tpu.vector_store %arg14[%swap3A_44, %swap3A_45, %swap3A_46], %swap3A_49 {strides = array<i32>} : memref<2x1000x128xf32, #tpu.memory_space<vmem>>, vector<1x1000x128xf32>,
      %iota3A = tpu.iota {dimensions = array<i32: 0>} : vector<64x1000xi32>
      %get3A_50 = arith.constant 0 : index
      %get3A_51 = arith.constant 0 : index
      %get3A_52 = arith.constant 0 : index
      %get3A_53 = vector.load %arg13[%get3A_50, %get3A_51, %get3A_52] : memref<1x1x1000xi32, #tpu.memory_space<vmem>>, vector<1x1x1000xi32>
      %get3A_54 = vector.shape_cast %get3A_53 : vector<1x1x1000xi32> to vector<1x1000xi32>
      %eq3A_55 = vector.broadcast %get3A_54 : vector<1x1000xi32> to vector<64x1000xi32>
      %eq3A_56 = arith.cmpi eq, %eq3A_55, %iota3A : vector<64x1000xi32>
      %jit3A = arith.constant 1.000000e+00 : f32
      %jit3A_57 = arith.constant 0.000000e+00 : f32
      %broadcast_in_dim3A = vector.broadcast %jit3A : f32 to vector<64x1000xf32>
      %broadcast_in_dim3A_58 = vector.broadcast %jit3A_57 : f32 to vector<64x1000xf32>
      %select_n3A = arith.select %eq3A_56, %broadcast_in_dim3A, %broadcast_in_dim3A_58 : vector<64x1000xi1>, vector<64x1000xf32>
      %dot_general3A = arith.constant dense<0.000000e+00> : vector<64x256xf32>
      %dot_general3A_59 = tpu.matmul %select_n3A, %add3A_37, %dot_general3A {dimension_numbers = #tpu.dot_dimension_numbers<[1], [0], [0], [1], [0, 0, 1, 1], [], []>, transpose_lhs_hint = false} : vector<64x1000xf32>, vector<1000x256xf32>, vector<64x256xf32> -> vector<64x256xf32>
      %eq3A_60 = arith.constant 0 : i32
      %eq3A_61 = arith.cmpi eq, %arg1, %eq3A_60 : i32
      %convert_element_type3A_62 = arith.extui %eq3A_61 : i1 to i32
      %cond3A_63 = arith.constant 0 : i32
      %cond3A_64 = arith.cmpi ne, %convert_element_type3A_62, %cond3A_63 : i32
      scf.if %cond3A_64 {
        %swap3A_69 = arith.constant 0 : index
        %swap3A_70 = arith.constant 0 : index
        %swap3A_71 = vector.load %arg15[%swap3A_69, %swap3A_70] : memref<64x256xf32, #tpu.memory_space<vmem>>, vector<64x256xf32>
        tpu.vector_store %arg15[%swap3A_69, %swap3A_70], %dot_general3A_59 {strides = array<i32>} : memref<64x256xf32, #tpu.memory_space<vmem>>, vector<64x256xf32>,
      } else {
      }
      %gt3A = arith.constant 0 : i32
      %gt3A_65 = arith.cmpi sgt, %arg1, %gt3A : i32
      %convert_element_type3A_66 = arith.extui %gt3A_65 : i1 to i32
      %cond3A_67 = arith.constant 0 : i32
      %cond3A_68 = arith.cmpi ne, %convert_element_type3A_66, %cond3A_67 : i32
      scf.if %cond3A_68 {
        %get3A_69 = arith.constant 0 : index
        %get3A_70 = arith.constant 0 : index
        %get3A_71 = vector.load %arg15[%get3A_69, %get3A_70] : memref<64x256xf32, #tpu.memory_space<vmem>>, vector<64x256xf32>
        %add3A_72 = arith.addf %get3A_71, %dot_general3A_59 : vector<64x256xf32>
        %swap3A_73 = arith.constant 0 : index
        %swap3A_74 = arith.constant 0 : index
        %swap3A_75 = vector.load %arg15[%swap3A_73, %swap3A_74] : memref<64x256xf32, #tpu.memory_space<vmem>>, vector<64x256xf32>
        tpu.vector_store %arg15[%swap3A_73, %swap3A_74], %add3A_72 {strides = array<i32>} : memref<64x256xf32, #tpu.memory_space<vmem>>, vector<64x256xf32>,
      } else {
      }
    } else {
    }
    return
  }
  func.func @transform_0(%arg0: i32, %arg1: i32) -> (i32, i32) {
    %c0_i32 = arith.constant 0 : i32
    %c0_i32_0 = arith.constant 0 : i32
    %c0_i32_1 = arith.constant 0 : i32
    return %c0_i32, %c0_i32_0 : i32, i32
  }
  func.func @transform_1(%arg0: i32, %arg1: i32) -> (i32, i32) {
    %eq3A = arith.constant 0 : i32
    %eq3A_0 = arith.cmpi eq, %arg0, %eq3A : i32
    %jit3A = arith.constant 0 : i32
    %select_n3A = arith.select %eq3A_0, %arg1, %jit3A : i32
    %c0_i32 = arith.constant 0 : i32
    %c0_i32_1 = arith.constant 0 : i32
    return %select_n3A, %c0_i32 : i32, i32
  }
  func.func @transform_2(%arg0: i32, %arg1: i32) -> (i32, i32) {
    %eq3A = arith.constant 0 : i32
    %eq3A_0 = arith.cmpi eq, %arg0, %eq3A : i32
    %add3A = arith.constant 10 : i32
    %add3A_1 = arith.addi %arg1, %add3A : i32
    %jit3A = arith.constant 0 : i32
    %select_n3A = arith.select %eq3A_0, %add3A_1, %jit3A : i32
    %c0_i32 = arith.constant 0 : i32
    %c0_i32_2 = arith.constant 0 : i32
    return %select_n3A, %c0_i32 : i32, i32
  }
  func.func @transform_3(%arg0: i32, %arg1: i32) -> (i32, i32) {
    %eq3A = arith.constant 0 : i32
    %eq3A_0 = arith.cmpi eq, %arg0, %eq3A : i32
    %jit3A = arith.constant 0 : i32
    %select_n3A = arith.select %eq3A_0, %arg1, %jit3A : i32
    %c0_i32 = arith.constant 0 : i32
    %c0_i32_1 = arith.constant 0 : i32
    return %select_n3A, %c0_i32 : i32, i32
  }
  func.func @transform_4(%arg0: i32, %arg1: i32) -> (i32, i32) {
    %eq3A = arith.constant 0 : i32
    %eq3A_0 = arith.cmpi eq, %arg0, %eq3A : i32
    %add3A = arith.constant 10 : i32
    %add3A_1 = arith.addi %arg1, %add3A : i32
    %jit3A = arith.constant 0 : i32
    %select_n3A = arith.select %eq3A_0, %add3A_1, %jit3A : i32
    %c0_i32 = arith.constant 0 : i32
    %c0_i32_2 = arith.constant 0 : i32
    return %select_n3A, %c0_i32 : i32, i32
  }
  func.func @transform_5(%arg0: i32, %arg1: i32) -> (i32, i32) {
    %c0_i32 = arith.constant 0 : i32
    %c0_i32_0 = arith.constant 0 : i32
    %c0_i32_1 = arith.constant 0 : i32
    return %c0_i32, %c0_i32_0 : i32, i32
  }
  func.func @transform_6(%arg0: i32, %arg1: i32) -> (i32, i32) {
    %c0_i32 = arith.constant 0 : i32
    %c0_i32_0 = arith.constant 0 : i32
    %c0_i32_1 = arith.constant 0 : i32
    return %c0_i32, %c0_i32_0 : i32, i32
  }
  func.func @transform_7(%arg0: i32, %arg1: i32) -> (i32, i32) {
    %c0_i32 = arith.constant 0 : i32
    %c0_i32_0 = arith.constant 0 : i32
    %c0_i32_1 = arith.constant 0 : i32
    return %c0_i32, %c0_i32_0 : i32, i32
  }
  func.func @transform_8(%arg0: i32, %arg1: i32) -> (i32, i32) {
    %c0_i32 = arith.constant 0 : i32
    %c0_i32_0 = arith.constant 0 : i32
    %c0_i32_1 = arith.constant 0 : i32
    return %c0_i32, %c0_i32_0 : i32, i32
  }
  func.func @transform_9(%arg0: i32, %arg1: i32) -> (i32, i32) {
    %c0_i32 = arith.constant 0 : i32
    %c0_i32_0 = arith.constant 0 : i32
    %c0_i32_1 = arith.constant 0 : i32
    return %c0_i32, %c0_i32_0 : i32, i32
  }
  func.func @transform_10(%arg0: i32, %arg1: i32) -> (i32, i32) {
    %c0_i32 = arith.constant 0 : i32
    %c0_i32_0 = arith.constant 0 : i32
    %c0_i32_1 = arith.constant 0 : i32
    return %c0_i32, %c0_i32_0 : i32, i32
  }
  func.func @transform_11(%arg0: i32, %arg1: i32) -> (i32, i32, i32) {
    %eq3A = arith.constant 0 : i32
    %eq3A_0 = arith.cmpi eq, %arg0, %eq3A : i32
    %jit3A = arith.constant 0 : i32
    %select_n3A = arith.select %eq3A_0, %jit3A, %arg1 : i32
    %c0_i32 = arith.constant 0 : i32
    %c0_i32_1 = arith.constant 0 : i32
    %c0_i32_2 = arith.constant 0 : i32
    return %select_n3A, %c0_i32, %c0_i32_1 : i32, i32, i32
  }
  func.func @transform_12(%arg0: i32, %arg1: i32) -> (i32, i32, i32) {
    %eq3A = arith.constant 0 : i32
    %eq3A_0 = arith.cmpi eq, %arg0, %eq3A : i32
    %jit3A = arith.constant 0 : i32
    %select_n3A = arith.select %eq3A_0, %jit3A, %arg1 : i32
    %c0_i32 = arith.constant 0 : i32
    %c0_i32_1 = arith.constant 0 : i32
    %c0_i32_2 = arith.constant 0 : i32
    return %c0_i32, %select_n3A, %c0_i32_1 : i32, i32, i32
  }
  func.func @transform_13(%arg0: i32, %arg1: i32) -> (i32, i32) {
    %c0_i32 = arith.constant 0 : i32
    %c0_i32_0 = arith.constant 0 : i32
    %c0_i32_1 = arith.constant 0 : i32
    return %c0_i32, %c0_i32_0 : i32, i32
  }
}

module attributes {stable_mosaic.version = 14 : i64} {
  func.func @_gin_fused_body(%arg0: i32, %arg1: i32, %arg2: memref<1x1xf32, #tpu.memory_space<smem>>, %arg3: memref<1000x128xf32, #tpu.memory_space<vmem>>, %arg4: memref<1000x128xf32, #tpu.memory_space<vmem>>, %arg5: memref<1000x128xf32, #tpu.memory_space<vmem>>, %arg6: memref<1000x128xf32, #tpu.memory_space<vmem>>, %arg7: memref<256x256xf32, #tpu.memory_space<vmem>>, %arg8: memref<1x256xf32, #tpu.memory_space<vmem>>, %arg9: memref<256x256xf32, #tpu.memory_space<vmem>>, %arg10: memref<1x256xf32, #tpu.memory_space<vmem>>, %arg11: memref<1x256xf32, #tpu.memory_space<vmem>>, %arg12: memref<1x256xf32, #tpu.memory_space<vmem>>, %arg13: memref<1x1x1000xi32, #tpu.memory_space<vmem>>, %arg14: memref<2x1000x128xf32, #tpu.memory_space<vmem>>, %arg15: memref<64x256xf32, #tpu.memory_space<vmem>>, %arg16: memref<10000x256xf32, #tpu.memory_space<vmem>>, %arg17: memref<2x256xf32, #tpu.memory_space<vmem>>) attributes {dimension_semantics = [#tpu.dimension_semantics<arbitrary>, #tpu.dimension_semantics<arbitrary>], iteration_bounds = array<i64: 2, 10>, scalar_prefetch = 0 : i64, scratch_operands = 2 : i64, tpu.core_type = #tpu.core_type<tc>, window_params = [{transform_indices = @transform_0, window_bounds = array<i64: 1, 1>}, {transform_indices = @transform_1, window_bounds = array<i64: 1000, 128>}, {transform_indices = @transform_2, window_bounds = array<i64: 1000, 128>}, {transform_indices = @transform_3, window_bounds = array<i64: 1000, 128>}, {transform_indices = @transform_4, window_bounds = array<i64: 1000, 128>}, {pipeline_mode = #tpu.pipeline_mode<synchronous>, transform_indices = @transform_5, window_bounds = array<i64: 256, 256>}, {pipeline_mode = #tpu.pipeline_mode<synchronous>, transform_indices = @transform_6, window_bounds = array<i64: 1, 256>}, {pipeline_mode = #tpu.pipeline_mode<synchronous>, transform_indices = @transform_7, window_bounds = array<i64: 256, 256>}, {pipeline_mode = #tpu.pipeline_mode<synchronous>, transform_indices = @transform_8, window_bounds = array<i64: 1, 256>}, {pipeline_mode = #tpu.pipeline_mode<synchronous>, transform_indices = @transform_9, window_bounds = array<i64: 1, 256>}, {pipeline_mode = #tpu.pipeline_mode<synchronous>, transform_indices = @transform_10, window_bounds = array<i64: 1, 256>}, {transform_indices = @transform_11, window_bounds = array<i64: 1, 1, 1000>}, {transform_indices = @transform_12, window_bounds = array<i64: 2, 1000, 128>}, {pipeline_mode = #tpu.pipeline_mode<synchronous>, transform_indices = @transform_13, window_bounds = array<i64: 64, 256>}]} {
    %eq3A = arith.constant 0 : i32
    %eq3A_0 = arith.cmpi eq, %arg0, %eq3A : i32
    %convert_element_type3A = arith.extui %eq3A_0 : i1 to i32
    %cond3A = arith.constant 0 : i32
    %cond3A_1 = arith.cmpi ne, %convert_element_type3A, %cond3A : i32
    scf.if %cond3A_1 {
      %get3A = arith.constant 0 : index
      %get3A_7 = arith.constant 0 : index
      %get3A_8 = memref.load %arg2[%get3A, %get3A_7] : memref<1x1xf32, #tpu.memory_space<smem>>
      %add3A = arith.constant 1.000000e+00 : f32
      %add3A_9 = arith.addf %add3A, %get3A_8 : f32
      %get3A_10 = arith.constant 0 : index
      %get3A_11 = arith.constant 0 : index
      %get3A_12 = vector.load %arg3[%get3A_10, %get3A_11] : memref<1000x128xf32, #tpu.memory_space<vmem>>, vector<1000x128xf32>
      %mul3A = vector.broadcast %add3A_9 : f32 to vector<1000x128xf32>
      %mul3A_13 = arith.mulf %mul3A, %get3A_12 : vector<1000x128xf32>
      %get3A_14 = arith.constant 0 : index
      %get3A_15 = arith.constant 0 : index
      %get3A_16 = vector.load %arg5[%get3A_14, %get3A_15] : memref<1000x128xf32, #tpu.memory_space<vmem>>, vector<1000x128xf32>
      %add3A_17 = arith.addf %mul3A_13, %get3A_16 : vector<1000x128xf32>
      %get3A_18 = arith.constant 0 : index
      %get3A_19 = arith.constant 0 : index
      %get3A_20 = vector.load %arg4[%get3A_18, %get3A_19] : memref<1000x128xf32, #tpu.memory_space<vmem>>, vector<1000x128xf32>
      %mul3A_21 = vector.broadcast %add3A_9 : f32 to vector<1000x128xf32>
      %mul3A_22 = arith.mulf %mul3A_21, %get3A_20 : vector<1000x128xf32>
      %get3A_23 = arith.constant 0 : index
      %get3A_24 = arith.constant 0 : index
      %get3A_25 = vector.load %arg6[%get3A_23, %get3A_24] : memref<1000x128xf32, #tpu.memory_space<vmem>>, vector<1000x128xf32>
      %add3A_26 = arith.addf %mul3A_22, %get3A_25 : vector<1000x128xf32>
      %get3A_27 = arith.constant 0 : index
      %get3A_28 = arith.constant 0 : index
      %get3A_29 = vector.load %arg7[%get3A_27, %get3A_28] : memref<256x256xf32, #tpu.memory_space<vmem>>, vector<128x256xf32>
      %dot_general3A = arith.constant dense<0.000000e+00> : vector<1000x256xf32>
      %dot_general3A_30 = tpu.matmul %add3A_17, %get3A_29, %dot_general3A {dimension_numbers = #tpu.dot_dimension_numbers<[1], [0], [0], [1], [0, 0, 1, 1], [], []>, transpose_lhs_hint = false} : vector<1000x128xf32>, vector<128x256xf32>, vector<1000x256xf32> -> vector<1000x256xf32>
      %get3A_31 = arith.constant 128 : index
      %get3A_32 = arith.constant 0 : index
      %get3A_33 = vector.load %arg7[%get3A_31, %get3A_32] : memref<256x256xf32, #tpu.memory_space<vmem>>, vector<128x256xf32>
      %dot_general3A_34 = arith.constant dense<0.000000e+00> : vector<1000x256xf32>
      %dot_general3A_35 = tpu.matmul %add3A_26, %get3A_33, %dot_general3A_34 {dimension_numbers = #tpu.dot_dimension_numbers<[1], [0], [0], [1], [0, 0, 1, 1], [], []>, transpose_lhs_hint = false} : vector<1000x128xf32>, vector<128x256xf32>, vector<1000x256xf32> -> vector<1000x256xf32>
      %add3A_36 = arith.addf %dot_general3A_30, %dot_general3A_35 : vector<1000x256xf32>
      %get3A_37 = arith.constant 0 : index
      %get3A_38 = arith.constant 0 : index
      %get3A_39 = vector.load %arg8[%get3A_37, %get3A_38] : memref<1x256xf32, #tpu.memory_space<vmem>>, vector<1x256xf32>
      %add3A_40 = vector.broadcast %get3A_39 : vector<1x256xf32> to vector<1000x256xf32>
      %add3A_41 = arith.addf %add3A_36, %add3A_40 : vector<1000x256xf32>
      %max3A = arith.constant 0.000000e+00 : f32
      %max3A_42 = vector.broadcast %max3A : f32 to vector<1000x256xf32>
      %max3A_43 = arith.maximumf %add3A_41, %max3A_42 : vector<1000x256xf32>
      %get3A_44 = arith.constant 0 : index
      %get3A_45 = arith.constant 0 : index
      %get3A_46 = vector.load %arg9[%get3A_44, %get3A_45] : memref<256x256xf32, #tpu.memory_space<vmem>>, vector<256x256xf32>
      %dot_general3A_47 = arith.constant dense<0.000000e+00> : vector<1000x256xf32>
      %dot_general3A_48 = tpu.matmul %max3A_43, %get3A_46, %dot_general3A_47 {dimension_numbers = #tpu.dot_dimension_numbers<[1], [0], [0], [1], [0, 0, 1, 1], [], []>, transpose_lhs_hint = false} : vector<1000x256xf32>, vector<256x256xf32>, vector<1000x256xf32> -> vector<1000x256xf32>
      %get3A_49 = arith.constant 0 : index
      %get3A_50 = arith.constant 0 : index
      %get3A_51 = vector.load %arg10[%get3A_49, %get3A_50] : memref<1x256xf32, #tpu.memory_space<vmem>>, vector<1x256xf32>
      %add3A_52 = vector.broadcast %get3A_51 : vector<1x256xf32> to vector<1000x256xf32>
      %add3A_53 = arith.addf %dot_general3A_48, %add3A_52 : vector<1000x256xf32>
      %max3A_54 = arith.constant 0.000000e+00 : f32
      %max3A_55 = vector.broadcast %max3A_54 : f32 to vector<1000x256xf32>
      %max3A_56 = arith.maximumf %add3A_53, %max3A_55 : vector<1000x256xf32>
      %mul3A_57 = arith.constant 1000 : i32
      %mul3A_58 = arith.muli %arg1, %mul3A_57 : i32
      %swap3A = arith.index_cast %mul3A_58 : i32 to index
      %swap3A_59 = arith.constant 0 : index
      %swap3A_60 = vector.load %arg16[%swap3A, %swap3A_59] : memref<10000x256xf32, #tpu.memory_space<vmem>>, vector<1000x256xf32>
      tpu.vector_store %arg16[%swap3A, %swap3A_59], %max3A_56 {strides = array<i32>} : memref<10000x256xf32, #tpu.memory_space<vmem>>, vector<1000x256xf32>,
      %reduce_sum3A = arith.constant dense<0.000000e+00> : vector<256xf32>
      %reduce_sum3A_61 = vector.multi_reduction <add>, %max3A_56, %reduce_sum3A [0] : vector<1000x256xf32> to vector<256xf32>
      %broadcast_in_dim3A = vector.shape_cast %reduce_sum3A_61 : vector<256xf32> to vector<1x256xf32>
      %mul3A_62 = arith.mulf %max3A_56, %max3A_56 : vector<1000x256xf32>
      %reduce_sum3A_63 = arith.constant dense<0.000000e+00> : vector<256xf32>
      %reduce_sum3A_64 = vector.multi_reduction <add>, %mul3A_62, %reduce_sum3A_63 [0] : vector<1000x256xf32> to vector<256xf32>
      %broadcast_in_dim3A_65 = vector.shape_cast %reduce_sum3A_64 : vector<256xf32> to vector<1x256xf32>
      %concatenate3A = tpu.concatenate %broadcast_in_dim3A, %broadcast_in_dim3A_65 in 0 : vector<1x256xf32>, vector<1x256xf32> -> vector<2x256xf32>
      %eq3A_66 = arith.constant 0 : i32
      %eq3A_67 = arith.cmpi eq, %arg1, %eq3A_66 : i32
      %convert_element_type3A_68 = arith.extui %eq3A_67 : i1 to i32
      %cond3A_69 = arith.constant 0 : i32
      %cond3A_70 = arith.cmpi ne, %convert_element_type3A_68, %cond3A_69 : i32
      scf.if %cond3A_70 {
        %swap3A_75 = arith.constant 0 : index
        %swap3A_76 = arith.constant 0 : index
        %swap3A_77 = vector.load %arg17[%swap3A_75, %swap3A_76] : memref<2x256xf32, #tpu.memory_space<vmem>>, vector<2x256xf32>
        tpu.vector_store %arg17[%swap3A_75, %swap3A_76], %concatenate3A {strides = array<i32>} : memref<2x256xf32, #tpu.memory_space<vmem>>, vector<2x256xf32>,
      } else {
      }
      %gt3A = arith.constant 0 : i32
      %gt3A_71 = arith.cmpi sgt, %arg1, %gt3A : i32
      %convert_element_type3A_72 = arith.extui %gt3A_71 : i1 to i32
      %cond3A_73 = arith.constant 0 : i32
      %cond3A_74 = arith.cmpi ne, %convert_element_type3A_72, %cond3A_73 : i32
      scf.if %cond3A_74 {
        %get3A_75 = arith.constant 0 : index
        %get3A_76 = arith.constant 0 : index
        %get3A_77 = vector.load %arg17[%get3A_75, %get3A_76] : memref<2x256xf32, #tpu.memory_space<vmem>>, vector<2x256xf32>
        %add3A_78 = arith.addf %get3A_77, %concatenate3A : vector<2x256xf32>
        %swap3A_79 = arith.constant 0 : index
        %swap3A_80 = arith.constant 0 : index
        %swap3A_81 = vector.load %arg17[%swap3A_79, %swap3A_80] : memref<2x256xf32, #tpu.memory_space<vmem>>, vector<2x256xf32>
        tpu.vector_store %arg17[%swap3A_79, %swap3A_80], %add3A_78 {strides = array<i32>} : memref<2x256xf32, #tpu.memory_space<vmem>>, vector<2x256xf32>,
      } else {
      }
    } else {
    }
    %eq3A_2 = arith.constant 1 : i32
    %eq3A_3 = arith.cmpi eq, %arg0, %eq3A_2 : i32
    %convert_element_type3A_4 = arith.extui %eq3A_3 : i1 to i32
    %cond3A_5 = arith.constant 0 : i32
    %cond3A_6 = arith.cmpi ne, %convert_element_type3A_4, %cond3A_5 : i32
    scf.if %cond3A_6 {
      %get3A = arith.constant 0 : index
      %get3A_7 = arith.constant 0 : index
      %get3A_8 = vector.load %arg17[%get3A, %get3A_7] : memref<2x256xf32, #tpu.memory_space<vmem>>, vector<1x256xf32>
      %mul3A = arith.constant 9.99999974E-5 : f32
      %mul3A_9 = vector.broadcast %mul3A : f32 to vector<1x256xf32>
      %mul3A_10 = arith.mulf %get3A_8, %mul3A_9 : vector<1x256xf32>
      %get3A_11 = arith.constant 1 : index
      %get3A_12 = arith.constant 0 : index
      %get3A_13 = vector.load %arg17[%get3A_11, %get3A_12] : memref<2x256xf32, #tpu.memory_space<vmem>>, vector<1x256xf32>
      %mul3A_14 = arith.constant 9.99999974E-5 : f32
      %mul3A_15 = vector.broadcast %mul3A_14 : f32 to vector<1x256xf32>
      %mul3A_16 = arith.mulf %get3A_13, %mul3A_15 : vector<1x256xf32>
      %mul3A_17 = arith.mulf %mul3A_10, %mul3A_10 : vector<1x256xf32>
      %sub3A = arith.subf %mul3A_16, %mul3A_17 : vector<1x256xf32>
      %get3A_18 = arith.constant 0 : index
      %get3A_19 = arith.constant 0 : index
      %get3A_20 = vector.load %arg11[%get3A_18, %get3A_19] : memref<1x256xf32, #tpu.memory_space<vmem>>, vector<1x256xf32>
      %add3A = arith.constant 9.99999974E-6 : f32
      %add3A_21 = vector.broadcast %add3A : f32 to vector<1x256xf32>
      %add3A_22 = arith.addf %sub3A, %add3A_21 : vector<1x256xf32>
      %rsqrt3A = math.rsqrt %add3A_22 : vector<1x256xf32>
      %mul3A_23 = arith.mulf %get3A_20, %rsqrt3A : vector<1x256xf32>
      %get3A_24 = arith.constant 0 : index
      %get3A_25 = arith.constant 0 : index
      %get3A_26 = vector.load %arg12[%get3A_24, %get3A_25] : memref<1x256xf32, #tpu.memory_space<vmem>>, vector<1x256xf32>
      %mul3A_27 = arith.mulf %mul3A_10, %mul3A_23 : vector<1x256xf32>
      %sub3A_28 = arith.subf %get3A_26, %mul3A_27 : vector<1x256xf32>
      %mul3A_29 = arith.constant 1000 : i32
      %mul3A_30 = arith.muli %arg1, %mul3A_29 : i32
      %get3A_31 = arith.index_cast %mul3A_30 : i32 to index
      %get3A_32 = arith.constant 0 : index
      %get3A_33 = vector.load %arg16[%get3A_31, %get3A_32] : memref<10000x256xf32, #tpu.memory_space<vmem>>, vector<1000x256xf32>
      %mul3A_34 = vector.broadcast %mul3A_23 : vector<1x256xf32> to vector<1000x256xf32>
      %mul3A_35 = arith.mulf %get3A_33, %mul3A_34 : vector<1000x256xf32>
      %add3A_36 = vector.broadcast %sub3A_28 : vector<1x256xf32> to vector<1000x256xf32>
      %add3A_37 = arith.addf %mul3A_35, %add3A_36 : vector<1000x256xf32>
      %slice3A = vector.extract_strided_slice %add3A_37 {offsets = [0, 0], sizes = [1000, 128], strides = [1, 1]} : vector<1000x256xf32> to vector<1000x128xf32>
      %swap3A = arith.constant 0 : index
      %swap3A_38 = arith.constant 0 : index
      %swap3A_39 = arith.constant 0 : index
      %swap3A_40 = vector.load %arg14[%swap3A, %swap3A_38, %swap3A_39] : memref<2x1000x128xf32, #tpu.memory_space<vmem>>, vector<1x1000x128xf32>
      %swap3A_41 = vector.shape_cast %swap3A_40 : vector<1x1000x128xf32> to vector<1000x128xf32>
      %swap3A_42 = vector.shape_cast %slice3A : vector<1000x128xf32> to vector<1x1000x128xf32>
      tpu.vector_store %arg14[%swap3A, %swap3A_38, %swap3A_39], %swap3A_42 {strides = array<i32>} : memref<2x1000x128xf32, #tpu.memory_space<vmem>>, vector<1x1000x128xf32>,
      %slice3A_43 = vector.extract_strided_slice %add3A_37 {offsets = [0, 128], sizes = [1000, 128], strides = [1, 1]} : vector<1000x256xf32> to vector<1000x128xf32>
      %swap3A_44 = arith.constant 1 : index
      %swap3A_45 = arith.constant 0 : index
      %swap3A_46 = arith.constant 0 : index
      %swap3A_47 = vector.load %arg14[%swap3A_44, %swap3A_45, %swap3A_46] : memref<2x1000x128xf32, #tpu.memory_space<vmem>>, vector<1x1000x128xf32>
      %swap3A_48 = vector.shape_cast %swap3A_47 : vector<1x1000x128xf32> to vector<1000x128xf32>
      %swap3A_49 = vector.shape_cast %slice3A_43 : vector<1000x128xf32> to vector<1x1000x128xf32>
      tpu.vector_store %arg14[%swap3A_44, %swap3A_45, %swap3A_46], %swap3A_49 {strides = array<i32>} : memref<2x1000x128xf32, #tpu.memory_space<vmem>>, vector<1x1000x128xf32>,
      %iota3A = tpu.iota {dimensions = array<i32: 0>} : vector<64x1000xi32>
      %get3A_50 = arith.constant 0 : index
      %get3A_51 = arith.constant 0 : index
      %get3A_52 = arith.constant 0 : index
      %get3A_53 = vector.load %arg13[%get3A_50, %get3A_51, %get3A_52] : memref<1x1x1000xi32, #tpu.memory_space<vmem>>, vector<1x1x1000xi32>
      %get3A_54 = vector.shape_cast %get3A_53 : vector<1x1x1000xi32> to vector<1x1000xi32>
      %eq3A_55 = vector.broadcast %get3A_54 : vector<1x1000xi32> to vector<64x1000xi32>
      %eq3A_56 = arith.cmpi eq, %eq3A_55, %iota3A : vector<64x1000xi32>
      %jit3A = arith.constant 1.000000e+00 : f32
      %jit3A_57 = arith.constant 0.000000e+00 : f32
      %broadcast_in_dim3A = vector.broadcast %jit3A : f32 to vector<64x1000xf32>
      %broadcast_in_dim3A_58 = vector.broadcast %jit3A_57 : f32 to vector<64x1000xf32>
      %select_n3A = arith.select %eq3A_56, %broadcast_in_dim3A, %broadcast_in_dim3A_58 : vector<64x1000xi1>, vector<64x1000xf32>
      %dot_general3A = arith.constant dense<0.000000e+00> : vector<64x256xf32>
      %dot_general3A_59 = tpu.matmul %select_n3A, %add3A_37, %dot_general3A {dimension_numbers = #tpu.dot_dimension_numbers<[1], [0], [0], [1], [0, 0, 1, 1], [], []>, transpose_lhs_hint = false} : vector<64x1000xf32>, vector<1000x256xf32>, vector<64x256xf32> -> vector<64x256xf32>
      %eq3A_60 = arith.constant 0 : i32
      %eq3A_61 = arith.cmpi eq, %arg1, %eq3A_60 : i32
      %convert_element_type3A_62 = arith.extui %eq3A_61 : i1 to i32
      %cond3A_63 = arith.constant 0 : i32
      %cond3A_64 = arith.cmpi ne, %convert_element_type3A_62, %cond3A_63 : i32
      scf.if %cond3A_64 {
        %swap3A_69 = arith.constant 0 : index
        %swap3A_70 = arith.constant 0 : index
        %swap3A_71 = vector.load %arg15[%swap3A_69, %swap3A_70] : memref<64x256xf32, #tpu.memory_space<vmem>>, vector<64x256xf32>
        tpu.vector_store %arg15[%swap3A_69, %swap3A_70], %dot_general3A_59 {strides = array<i32>} : memref<64x256xf32, #tpu.memory_space<vmem>>, vector<64x256xf32>,
      } else {
      }
      %gt3A = arith.constant 0 : i32
      %gt3A_65 = arith.cmpi sgt, %arg1, %gt3A : i32
      %convert_element_type3A_66 = arith.extui %gt3A_65 : i1 to i32
      %cond3A_67 = arith.constant 0 : i32
      %cond3A_68 = arith.cmpi ne, %convert_element_type3A_66, %cond3A_67 : i32
      scf.if %cond3A_68 {
        %get3A_69 = arith.constant 0 : index
        %get3A_70 = arith.constant 0 : index
        %get3A_71 = vector.load %arg15[%get3A_69, %get3A_70] : memref<64x256xf32, #tpu.memory_space<vmem>>, vector<64x256xf32>
        %add3A_72 = arith.addf %get3A_71, %dot_general3A_59 : vector<64x256xf32>
        %swap3A_73 = arith.constant 0 : index
        %swap3A_74 = arith.constant 0 : index
        %swap3A_75 = vector.load %arg15[%swap3A_73, %swap3A_74] : memref<64x256xf32, #tpu.memory_space<vmem>>, vector<64x256xf32>
        tpu.vector_store %arg15[%swap3A_73, %swap3A_74], %add3A_72 {strides = array<i32>} : memref<64x256xf32, #tpu.memory_space<vmem>>, vector<64x256xf32>,
      } else {
      }
    } else {
    }
    return
  }
  func.func @transform_0(%arg0: i32, %arg1: i32) -> (i32, i32) {
    %c0_i32 = arith.constant 0 : i32
    %c0_i32_0 = arith.constant 0 : i32
    %c0_i32_1 = arith.constant 0 : i32
    return %c0_i32, %c0_i32_0 : i32, i32
  }
  func.func @transform_1(%arg0: i32, %arg1: i32) -> (i32, i32) {
    %eq3A = arith.constant 0 : i32
    %eq3A_0 = arith.cmpi eq, %arg0, %eq3A : i32
    %jit3A = arith.constant 0 : i32
    %select_n3A = arith.select %eq3A_0, %arg1, %jit3A : i32
    %c0_i32 = arith.constant 0 : i32
    %c0_i32_1 = arith.constant 0 : i32
    return %select_n3A, %c0_i32 : i32, i32
  }
  func.func @transform_2(%arg0: i32, %arg1: i32) -> (i32, i32) {
    %eq3A = arith.constant 0 : i32
    %eq3A_0 = arith.cmpi eq, %arg0, %eq3A : i32
    %add3A = arith.constant 10 : i32
    %add3A_1 = arith.addi %arg1, %add3A : i32
    %jit3A = arith.constant 0 : i32
    %select_n3A = arith.select %eq3A_0, %add3A_1, %jit3A : i32
    %c0_i32 = arith.constant 0 : i32
    %c0_i32_2 = arith.constant 0 : i32
    return %select_n3A, %c0_i32 : i32, i32
  }
  func.func @transform_3(%arg0: i32, %arg1: i32) -> (i32, i32) {
    %eq3A = arith.constant 0 : i32
    %eq3A_0 = arith.cmpi eq, %arg0, %eq3A : i32
    %jit3A = arith.constant 0 : i32
    %select_n3A = arith.select %eq3A_0, %arg1, %jit3A : i32
    %c0_i32 = arith.constant 0 : i32
    %c0_i32_1 = arith.constant 0 : i32
    return %select_n3A, %c0_i32 : i32, i32
  }
  func.func @transform_4(%arg0: i32, %arg1: i32) -> (i32, i32) {
    %eq3A = arith.constant 0 : i32
    %eq3A_0 = arith.cmpi eq, %arg0, %eq3A : i32
    %add3A = arith.constant 10 : i32
    %add3A_1 = arith.addi %arg1, %add3A : i32
    %jit3A = arith.constant 0 : i32
    %select_n3A = arith.select %eq3A_0, %add3A_1, %jit3A : i32
    %c0_i32 = arith.constant 0 : i32
    %c0_i32_2 = arith.constant 0 : i32
    return %select_n3A, %c0_i32 : i32, i32
  }
  func.func @transform_5(%arg0: i32, %arg1: i32) -> (i32, i32) {
    %c0_i32 = arith.constant 0 : i32
    %c0_i32_0 = arith.constant 0 : i32
    %c0_i32_1 = arith.constant 0 : i32
    return %c0_i32, %c0_i32_0 : i32, i32
  }
  func.func @transform_6(%arg0: i32, %arg1: i32) -> (i32, i32) {
    %c0_i32 = arith.constant 0 : i32
    %c0_i32_0 = arith.constant 0 : i32
    %c0_i32_1 = arith.constant 0 : i32
    return %c0_i32, %c0_i32_0 : i32, i32
  }
  func.func @transform_7(%arg0: i32, %arg1: i32) -> (i32, i32) {
    %c0_i32 = arith.constant 0 : i32
    %c0_i32_0 = arith.constant 0 : i32
    %c0_i32_1 = arith.constant 0 : i32
    return %c0_i32, %c0_i32_0 : i32, i32
  }
  func.func @transform_8(%arg0: i32, %arg1: i32) -> (i32, i32) {
    %c0_i32 = arith.constant 0 : i32
    %c0_i32_0 = arith.constant 0 : i32
    %c0_i32_1 = arith.constant 0 : i32
    return %c0_i32, %c0_i32_0 : i32, i32
  }
  func.func @transform_9(%arg0: i32, %arg1: i32) -> (i32, i32) {
    %c0_i32 = arith.constant 0 : i32
    %c0_i32_0 = arith.constant 0 : i32
    %c0_i32_1 = arith.constant 0 : i32
    return %c0_i32, %c0_i32_0 : i32, i32
  }
  func.func @transform_10(%arg0: i32, %arg1: i32) -> (i32, i32) {
    %c0_i32 = arith.constant 0 : i32
    %c0_i32_0 = arith.constant 0 : i32
    %c0_i32_1 = arith.constant 0 : i32
    return %c0_i32, %c0_i32_0 : i32, i32
  }
  func.func @transform_11(%arg0: i32, %arg1: i32) -> (i32, i32, i32) {
    %eq3A = arith.constant 0 : i32
    %eq3A_0 = arith.cmpi eq, %arg0, %eq3A : i32
    %jit3A = arith.constant 0 : i32
    %select_n3A = arith.select %eq3A_0, %jit3A, %arg1 : i32
    %c0_i32 = arith.constant 0 : i32
    %c0_i32_1 = arith.constant 0 : i32
    %c0_i32_2 = arith.constant 0 : i32
    return %select_n3A, %c0_i32, %c0_i32_1 : i32, i32, i32
  }
  func.func @transform_12(%arg0: i32, %arg1: i32) -> (i32, i32, i32) {
    %eq3A = arith.constant 0 : i32
    %eq3A_0 = arith.cmpi eq, %arg0, %eq3A : i32
    %jit3A = arith.constant 0 : i32
    %select_n3A = arith.select %eq3A_0, %jit3A, %arg1 : i32
    %c0_i32 = arith.constant 0 : i32
    %c0_i32_1 = arith.constant 0 : i32
    %c0_i32_2 = arith.constant 0 : i32
    return %c0_i32, %select_n3A, %c0_i32_1 : i32, i32, i32
  }
  func.func @transform_13(%arg0: i32, %arg1: i32) -> (i32, i32) {
    %c0_i32 = arith.constant 0 : i32
    %c0_i32_0 = arith.constant 0 : i32
    %c0_i32_1 = arith.constant 0 : i32
    return %c0_i32, %c0_i32_0 : i32, i32
  }
}

module attributes {stable_mosaic.version = 14 : i64} {
  func.func @_cls_body(%arg0: i32, %arg1: memref<64x256xf32, #tpu.memory_space<vmem>>, %arg2: memref<64x256xf32, #tpu.memory_space<vmem>>, %arg3: memref<64x256xf32, #tpu.memory_space<vmem>>, %arg4: memref<64x256xf32, #tpu.memory_space<vmem>>, %arg5: memref<10x1000xi32, #tpu.memory_space<vmem>>, %arg6: memref<1024x512xf32, #tpu.memory_space<vmem>>, %arg7: memref<1x512xf32, #tpu.memory_space<vmem>>, %arg8: memref<512x256xf32, #tpu.memory_space<vmem>>, %arg9: memref<1x256xf32, #tpu.memory_space<vmem>>, %arg10: memref<256x256xf32, #tpu.memory_space<vmem>>, %arg11: memref<1x256xf32, #tpu.memory_space<vmem>>, %arg12: memref<256x10xf32, #tpu.memory_space<vmem>>, %arg13: memref<1x10xf32, #tpu.memory_space<vmem>>, %arg14: memref<64x10xf32, #tpu.memory_space<vmem>>) attributes {dimension_semantics = [#tpu.dimension_semantics<arbitrary>], iteration_bounds = array<i64: 1>, scalar_prefetch = 0 : i64, scratch_operands = 0 : i64, tpu.core_type = #tpu.core_type<tc>, window_params = [{pipeline_mode = #tpu.pipeline_mode<synchronous>, transform_indices = @transform_0, window_bounds = array<i64: 64, 256>}, {pipeline_mode = #tpu.pipeline_mode<synchronous>, transform_indices = @transform_1, window_bounds = array<i64: 64, 256>}, {pipeline_mode = #tpu.pipeline_mode<synchronous>, transform_indices = @transform_2, window_bounds = array<i64: 64, 256>}, {pipeline_mode = #tpu.pipeline_mode<synchronous>, transform_indices = @transform_3, window_bounds = array<i64: 64, 256>}, {pipeline_mode = #tpu.pipeline_mode<synchronous>, transform_indices = @transform_4, window_bounds = array<i64: 10, 1000>}, {pipeline_mode = #tpu.pipeline_mode<synchronous>, transform_indices = @transform_5, window_bounds = array<i64: 1024, 512>}, {pipeline_mode = #tpu.pipeline_mode<synchronous>, transform_indices = @transform_6, window_bounds = array<i64: 1, 512>}, {pipeline_mode = #tpu.pipeline_mode<synchronous>, transform_indices = @transform_7, window_bounds = array<i64: 512, 256>}, {pipeline_mode = #tpu.pipeline_mode<synchronous>, transform_indices = @transform_8, window_bounds = array<i64: 1, 256>}, {pipeline_mode = #tpu.pipeline_mode<synchronous>, transform_indices = @transform_9, window_bounds = array<i64: 256, 256>}, {pipeline_mode = #tpu.pipeline_mode<synchronous>, transform_indices = @transform_10, window_bounds = array<i64: 1, 256>}, {pipeline_mode = #tpu.pipeline_mode<synchronous>, transform_indices = @transform_11, window_bounds = array<i64: 256, 10>}, {pipeline_mode = #tpu.pipeline_mode<synchronous>, transform_indices = @transform_12, window_bounds = array<i64: 1, 10>}, {pipeline_mode = #tpu.pipeline_mode<synchronous>, transform_indices = @transform_13, window_bounds = array<i64: 64, 10>}]} {
    %iota3A = tpu.iota {dimensions = array<i32: 0>} : vector<64x1000xi32>
    %broadcast_in_dim3A = arith.constant 0.000000e+00 : f32
    %broadcast_in_dim3A_0 = vector.broadcast %broadcast_in_dim3A : f32 to vector<64x1xf32>
    %get3A = arith.constant 0 : index
    %get3A_1 = arith.constant 0 : index
    %get3A_2 = vector.load %arg5[%get3A, %get3A_1] : memref<10x1000xi32, #tpu.memory_space<vmem>>, vector<1x1000xi32>
    %eq3A = vector.broadcast %get3A_2 : vector<1x1000xi32> to vector<64x1000xi32>
    %eq3A_3 = arith.cmpi eq, %eq3A, %iota3A : vector<64x1000xi32>
    %jit3A = arith.constant 1.000000e+00 : f32
    %jit3A_4 = arith.constant 0.000000e+00 : f32
    %broadcast_in_dim3A_5 = vector.broadcast %jit3A : f32 to vector<64x1000xf32>
    %broadcast_in_dim3A_6 = vector.broadcast %jit3A_4 : f32 to vector<64x1000xf32>
    %select_n3A = arith.select %eq3A_3, %broadcast_in_dim3A_5, %broadcast_in_dim3A_6 : vector<64x1000xi1>, vector<64x1000xf32>
    %reduce_sum3A = arith.constant dense<0.000000e+00> : vector<64xf32>
    %reduce_sum3A_7 = vector.multi_reduction <add>, %select_n3A, %reduce_sum3A [1] : vector<64x1000xf32> to vector<64xf32>
    %broadcast_in_dim3A_8 = vector.shape_cast %reduce_sum3A_7 : vector<64xf32> to vector<64x1xf32>
    %add3A = arith.addf %broadcast_in_dim3A_0, %broadcast_in_dim3A_8 : vector<64x1xf32>
    %get3A_9 = arith.constant 1 : index
    %get3A_10 = arith.constant 0 : index
    %get3A_11 = vector.load %arg5[%get3A_9, %get3A_10] : memref<10x1000xi32, #tpu.memory_space<vmem>>, vector<1x1000xi32>
    %eq3A_12 = vector.broadcast %get3A_11 : vector<1x1000xi32> to vector<64x1000xi32>
    %eq3A_13 = arith.cmpi eq, %eq3A_12, %iota3A : vector<64x1000xi32>
    %jit3A_14 = arith.constant 1.000000e+00 : f32
    %jit3A_15 = arith.constant 0.000000e+00 : f32
    %broadcast_in_dim3A_16 = vector.broadcast %jit3A_14 : f32 to vector<64x1000xf32>
    %broadcast_in_dim3A_17 = vector.broadcast %jit3A_15 : f32 to vector<64x1000xf32>
    %select_n3A_18 = arith.select %eq3A_13, %broadcast_in_dim3A_16, %broadcast_in_dim3A_17 : vector<64x1000xi1>, vector<64x1000xf32>
    %reduce_sum3A_19 = arith.constant dense<0.000000e+00> : vector<64xf32>
    %reduce_sum3A_20 = vector.multi_reduction <add>, %select_n3A_18, %reduce_sum3A_19 [1] : vector<64x1000xf32> to vector<64xf32>
    %broadcast_in_dim3A_21 = vector.shape_cast %reduce_sum3A_20 : vector<64xf32> to vector<64x1xf32>
    %add3A_22 = arith.addf %add3A, %broadcast_in_dim3A_21 : vector<64x1xf32>
    %get3A_23 = arith.constant 2 : index
    %get3A_24 = arith.constant 0 : index
    %get3A_25 = vector.load %arg5[%get3A_23, %get3A_24] : memref<10x1000xi32, #tpu.memory_space<vmem>>, vector<1x1000xi32>
    %eq3A_26 = vector.broadcast %get3A_25 : vector<1x1000xi32> to vector<64x1000xi32>
    %eq3A_27 = arith.cmpi eq, %eq3A_26, %iota3A : vector<64x1000xi32>
    %jit3A_28 = arith.constant 1.000000e+00 : f32
    %jit3A_29 = arith.constant 0.000000e+00 : f32
    %broadcast_in_dim3A_30 = vector.broadcast %jit3A_28 : f32 to vector<64x1000xf32>
    %broadcast_in_dim3A_31 = vector.broadcast %jit3A_29 : f32 to vector<64x1000xf32>
    %select_n3A_32 = arith.select %eq3A_27, %broadcast_in_dim3A_30, %broadcast_in_dim3A_31 : vector<64x1000xi1>, vector<64x1000xf32>
    %reduce_sum3A_33 = arith.constant dense<0.000000e+00> : vector<64xf32>
    %reduce_sum3A_34 = vector.multi_reduction <add>, %select_n3A_32, %reduce_sum3A_33 [1] : vector<64x1000xf32> to vector<64xf32>
    %broadcast_in_dim3A_35 = vector.shape_cast %reduce_sum3A_34 : vector<64xf32> to vector<64x1xf32>
    %add3A_36 = arith.addf %add3A_22, %broadcast_in_dim3A_35 : vector<64x1xf32>
    %get3A_37 = arith.constant 3 : index
    %get3A_38 = arith.constant 0 : index
    %get3A_39 = vector.load %arg5[%get3A_37, %get3A_38] : memref<10x1000xi32, #tpu.memory_space<vmem>>, vector<1x1000xi32>
    %eq3A_40 = vector.broadcast %get3A_39 : vector<1x1000xi32> to vector<64x1000xi32>
    %eq3A_41 = arith.cmpi eq, %eq3A_40, %iota3A : vector<64x1000xi32>
    %jit3A_42 = arith.constant 1.000000e+00 : f32
    %jit3A_43 = arith.constant 0.000000e+00 : f32
    %broadcast_in_dim3A_44 = vector.broadcast %jit3A_42 : f32 to vector<64x1000xf32>
    %broadcast_in_dim3A_45 = vector.broadcast %jit3A_43 : f32 to vector<64x1000xf32>
    %select_n3A_46 = arith.select %eq3A_41, %broadcast_in_dim3A_44, %broadcast_in_dim3A_45 : vector<64x1000xi1>, vector<64x1000xf32>
    %reduce_sum3A_47 = arith.constant dense<0.000000e+00> : vector<64xf32>
    %reduce_sum3A_48 = vector.multi_reduction <add>, %select_n3A_46, %reduce_sum3A_47 [1] : vector<64x1000xf32> to vector<64xf32>
    %broadcast_in_dim3A_49 = vector.shape_cast %reduce_sum3A_48 : vector<64xf32> to vector<64x1xf32>
    %add3A_50 = arith.addf %add3A_36, %broadcast_in_dim3A_49 : vector<64x1xf32>
    %get3A_51 = arith.constant 4 : index
    %get3A_52 = arith.constant 0 : index
    %get3A_53 = vector.load %arg5[%get3A_51, %get3A_52] : memref<10x1000xi32, #tpu.memory_space<vmem>>, vector<1x1000xi32>
    %eq3A_54 = vector.broadcast %get3A_53 : vector<1x1000xi32> to vector<64x1000xi32>
    %eq3A_55 = arith.cmpi eq, %eq3A_54, %iota3A : vector<64x1000xi32>
    %jit3A_56 = arith.constant 1.000000e+00 : f32
    %jit3A_57 = arith.constant 0.000000e+00 : f32
    %broadcast_in_dim3A_58 = vector.broadcast %jit3A_56 : f32 to vector<64x1000xf32>
    %broadcast_in_dim3A_59 = vector.broadcast %jit3A_57 : f32 to vector<64x1000xf32>
    %select_n3A_60 = arith.select %eq3A_55, %broadcast_in_dim3A_58, %broadcast_in_dim3A_59 : vector<64x1000xi1>, vector<64x1000xf32>
    %reduce_sum3A_61 = arith.constant dense<0.000000e+00> : vector<64xf32>
    %reduce_sum3A_62 = vector.multi_reduction <add>, %select_n3A_60, %reduce_sum3A_61 [1] : vector<64x1000xf32> to vector<64xf32>
    %broadcast_in_dim3A_63 = vector.shape_cast %reduce_sum3A_62 : vector<64xf32> to vector<64x1xf32>
    %add3A_64 = arith.addf %add3A_50, %broadcast_in_dim3A_63 : vector<64x1xf32>
    %get3A_65 = arith.constant 5 : index
    %get3A_66 = arith.constant 0 : index
    %get3A_67 = vector.load %arg5[%get3A_65, %get3A_66] : memref<10x1000xi32, #tpu.memory_space<vmem>>, vector<1x1000xi32>
    %eq3A_68 = vector.broadcast %get3A_67 : vector<1x1000xi32> to vector<64x1000xi32>
    %eq3A_69 = arith.cmpi eq, %eq3A_68, %iota3A : vector<64x1000xi32>
    %jit3A_70 = arith.constant 1.000000e+00 : f32
    %jit3A_71 = arith.constant 0.000000e+00 : f32
    %broadcast_in_dim3A_72 = vector.broadcast %jit3A_70 : f32 to vector<64x1000xf32>
    %broadcast_in_dim3A_73 = vector.broadcast %jit3A_71 : f32 to vector<64x1000xf32>
    %select_n3A_74 = arith.select %eq3A_69, %broadcast_in_dim3A_72, %broadcast_in_dim3A_73 : vector<64x1000xi1>, vector<64x1000xf32>
    %reduce_sum3A_75 = arith.constant dense<0.000000e+00> : vector<64xf32>
    %reduce_sum3A_76 = vector.multi_reduction <add>, %select_n3A_74, %reduce_sum3A_75 [1] : vector<64x1000xf32> to vector<64xf32>
    %broadcast_in_dim3A_77 = vector.shape_cast %reduce_sum3A_76 : vector<64xf32> to vector<64x1xf32>
    %add3A_78 = arith.addf %add3A_64, %broadcast_in_dim3A_77 : vector<64x1xf32>
    %get3A_79 = arith.constant 6 : index
    %get3A_80 = arith.constant 0 : index
    %get3A_81 = vector.load %arg5[%get3A_79, %get3A_80] : memref<10x1000xi32, #tpu.memory_space<vmem>>, vector<1x1000xi32>
    %eq3A_82 = vector.broadcast %get3A_81 : vector<1x1000xi32> to vector<64x1000xi32>
    %eq3A_83 = arith.cmpi eq, %eq3A_82, %iota3A : vector<64x1000xi32>
    %jit3A_84 = arith.constant 1.000000e+00 : f32
    %jit3A_85 = arith.constant 0.000000e+00 : f32
    %broadcast_in_dim3A_86 = vector.broadcast %jit3A_84 : f32 to vector<64x1000xf32>
    %broadcast_in_dim3A_87 = vector.broadcast %jit3A_85 : f32 to vector<64x1000xf32>
    %select_n3A_88 = arith.select %eq3A_83, %broadcast_in_dim3A_86, %broadcast_in_dim3A_87 : vector<64x1000xi1>, vector<64x1000xf32>
    %reduce_sum3A_89 = arith.constant dense<0.000000e+00> : vector<64xf32>
    %reduce_sum3A_90 = vector.multi_reduction <add>, %select_n3A_88, %reduce_sum3A_89 [1] : vector<64x1000xf32> to vector<64xf32>
    %broadcast_in_dim3A_91 = vector.shape_cast %reduce_sum3A_90 : vector<64xf32> to vector<64x1xf32>
    %add3A_92 = arith.addf %add3A_78, %broadcast_in_dim3A_91 : vector<64x1xf32>
    %get3A_93 = arith.constant 7 : index
    %get3A_94 = arith.constant 0 : index
    %get3A_95 = vector.load %arg5[%get3A_93, %get3A_94] : memref<10x1000xi32, #tpu.memory_space<vmem>>, vector<1x1000xi32>
    %eq3A_96 = vector.broadcast %get3A_95 : vector<1x1000xi32> to vector<64x1000xi32>
    %eq3A_97 = arith.cmpi eq, %eq3A_96, %iota3A : vector<64x1000xi32>
    %jit3A_98 = arith.constant 1.000000e+00 : f32
    %jit3A_99 = arith.constant 0.000000e+00 : f32
    %broadcast_in_dim3A_100 = vector.broadcast %jit3A_98 : f32 to vector<64x1000xf32>
    %broadcast_in_dim3A_101 = vector.broadcast %jit3A_99 : f32 to vector<64x1000xf32>
    %select_n3A_102 = arith.select %eq3A_97, %broadcast_in_dim3A_100, %broadcast_in_dim3A_101 : vector<64x1000xi1>, vector<64x1000xf32>
    %reduce_sum3A_103 = arith.constant dense<0.000000e+00> : vector<64xf32>
    %reduce_sum3A_104 = vector.multi_reduction <add>, %select_n3A_102, %reduce_sum3A_103 [1] : vector<64x1000xf32> to vector<64xf32>
    %broadcast_in_dim3A_105 = vector.shape_cast %reduce_sum3A_104 : vector<64xf32> to vector<64x1xf32>
    %add3A_106 = arith.addf %add3A_92, %broadcast_in_dim3A_105 : vector<64x1xf32>
    %get3A_107 = arith.constant 8 : index
    %get3A_108 = arith.constant 0 : index
    %get3A_109 = vector.load %arg5[%get3A_107, %get3A_108] : memref<10x1000xi32, #tpu.memory_space<vmem>>, vector<1x1000xi32>
    %eq3A_110 = vector.broadcast %get3A_109 : vector<1x1000xi32> to vector<64x1000xi32>
    %eq3A_111 = arith.cmpi eq, %eq3A_110, %iota3A : vector<64x1000xi32>
    %jit3A_112 = arith.constant 1.000000e+00 : f32
    %jit3A_113 = arith.constant 0.000000e+00 : f32
    %broadcast_in_dim3A_114 = vector.broadcast %jit3A_112 : f32 to vector<64x1000xf32>
    %broadcast_in_dim3A_115 = vector.broadcast %jit3A_113 : f32 to vector<64x1000xf32>
    %select_n3A_116 = arith.select %eq3A_111, %broadcast_in_dim3A_114, %broadcast_in_dim3A_115 : vector<64x1000xi1>, vector<64x1000xf32>
    %reduce_sum3A_117 = arith.constant dense<0.000000e+00> : vector<64xf32>
    %reduce_sum3A_118 = vector.multi_reduction <add>, %select_n3A_116, %reduce_sum3A_117 [1] : vector<64x1000xf32> to vector<64xf32>
    %broadcast_in_dim3A_119 = vector.shape_cast %reduce_sum3A_118 : vector<64xf32> to vector<64x1xf32>
    %add3A_120 = arith.addf %add3A_106, %broadcast_in_dim3A_119 : vector<64x1xf32>
    %get3A_121 = arith.constant 9 : index
    %get3A_122 = arith.constant 0 : index
    %get3A_123 = vector.load %arg5[%get3A_121, %get3A_122] : memref<10x1000xi32, #tpu.memory_space<vmem>>, vector<1x1000xi32>
    %eq3A_124 = vector.broadcast %get3A_123 : vector<1x1000xi32> to vector<64x1000xi32>
    %eq3A_125 = arith.cmpi eq, %eq3A_124, %iota3A : vector<64x1000xi32>
    %jit3A_126 = arith.constant 1.000000e+00 : f32
    %jit3A_127 = arith.constant 0.000000e+00 : f32
    %broadcast_in_dim3A_128 = vector.broadcast %jit3A_126 : f32 to vector<64x1000xf32>
    %broadcast_in_dim3A_129 = vector.broadcast %jit3A_127 : f32 to vector<64x1000xf32>
    %select_n3A_130 = arith.select %eq3A_125, %broadcast_in_dim3A_128, %broadcast_in_dim3A_129 : vector<64x1000xi1>, vector<64x1000xf32>
    %reduce_sum3A_131 = arith.constant dense<0.000000e+00> : vector<64xf32>
    %reduce_sum3A_132 = vector.multi_reduction <add>, %select_n3A_130, %reduce_sum3A_131 [1] : vector<64x1000xf32> to vector<64xf32>
    %broadcast_in_dim3A_133 = vector.shape_cast %reduce_sum3A_132 : vector<64xf32> to vector<64x1xf32>
    %add3A_134 = arith.addf %add3A_120, %broadcast_in_dim3A_133 : vector<64x1xf32>
    %max3A = arith.constant 1.000000e+00 : f32
    %max3A_135 = vector.broadcast %max3A : f32 to vector<64x1xf32>
    %max3A_136 = arith.maximumf %add3A_134, %max3A_135 : vector<64x1xf32>
    %div3A = arith.constant 1.000000e+00 : f32
    %div3A_137 = vector.broadcast %div3A : f32 to vector<64x1xf32>
    %div3A_138 = arith.divf %div3A_137, %max3A_136 : vector<64x1xf32>
    %get3A_139 = arith.constant 0 : index
    %get3A_140 = arith.constant 0 : index
    %get3A_141 = vector.load %arg1[%get3A_139, %get3A_140] : memref<64x256xf32, #tpu.memory_space<vmem>>, vector<64x256xf32>
    %mul3A = vector.broadcast %div3A_138 : vector<64x1xf32> to vector<64x256xf32>
    %mul3A_142 = arith.mulf %get3A_141, %mul3A : vector<64x256xf32>
    %get3A_143 = arith.constant 0 : index
    %get3A_144 = arith.constant 0 : index
    %get3A_145 = vector.load %arg6[%get3A_143, %get3A_144] : memref<1024x512xf32, #tpu.memory_space<vmem>>, vector<256x512xf32>
    %dot_general3A = arith.constant dense<0.000000e+00> : vector<64x512xf32>
    %dot_general3A_146 = tpu.matmul %mul3A_142, %get3A_145, %dot_general3A {dimension_numbers = #tpu.dot_dimension_numbers<[1], [0], [0], [1], [0, 0, 1, 1], [], []>, transpose_lhs_hint = false} : vector<64x256xf32>, vector<256x512xf32>, vector<64x512xf32> -> vector<64x512xf32>
    %get3A_147 = arith.constant 0 : index
    %get3A_148 = arith.constant 0 : index
    %get3A_149 = vector.load %arg2[%get3A_147, %get3A_148] : memref<64x256xf32, #tpu.memory_space<vmem>>, vector<64x256xf32>
    %mul3A_150 = vector.broadcast %div3A_138 : vector<64x1xf32> to vector<64x256xf32>
    %mul3A_151 = arith.mulf %get3A_149, %mul3A_150 : vector<64x256xf32>
    %get3A_152 = arith.constant 256 : index
    %get3A_153 = arith.constant 0 : index
    %get3A_154 = vector.load %arg6[%get3A_152, %get3A_153] : memref<1024x512xf32, #tpu.memory_space<vmem>>, vector<256x512xf32>
    %dot_general3A_155 = arith.constant dense<0.000000e+00> : vector<64x512xf32>
    %dot_general3A_156 = tpu.matmul %mul3A_151, %get3A_154, %dot_general3A_155 {dimension_numbers = #tpu.dot_dimension_numbers<[1], [0], [0], [1], [0, 0, 1, 1], [], []>, transpose_lhs_hint = false} : vector<64x256xf32>, vector<256x512xf32>, vector<64x512xf32> -> vector<64x512xf32>
    %add3A_157 = arith.addf %dot_general3A_146, %dot_general3A_156 : vector<64x512xf32>
    %get3A_158 = arith.constant 0 : index
    %get3A_159 = arith.constant 0 : index
    %get3A_160 = vector.load %arg3[%get3A_158, %get3A_159] : memref<64x256xf32, #tpu.memory_space<vmem>>, vector<64x256xf32>
    %mul3A_161 = vector.broadcast %div3A_138 : vector<64x1xf32> to vector<64x256xf32>
    %mul3A_162 = arith.mulf %get3A_160, %mul3A_161 : vector<64x256xf32>
    %get3A_163 = arith.constant 512 : index
    %get3A_164 = arith.constant 0 : index
    %get3A_165 = vector.load %arg6[%get3A_163, %get3A_164] : memref<1024x512xf32, #tpu.memory_space<vmem>>, vector<256x512xf32>
    %dot_general3A_166 = arith.constant dense<0.000000e+00> : vector<64x512xf32>
    %dot_general3A_167 = tpu.matmul %mul3A_162, %get3A_165, %dot_general3A_166 {dimension_numbers = #tpu.dot_dimension_numbers<[1], [0], [0], [1], [0, 0, 1, 1], [], []>, transpose_lhs_hint = false} : vector<64x256xf32>, vector<256x512xf32>, vector<64x512xf32> -> vector<64x512xf32>
    %add3A_168 = arith.addf %add3A_157, %dot_general3A_167 : vector<64x512xf32>
    %get3A_169 = arith.constant 0 : index
    %get3A_170 = arith.constant 0 : index
    %get3A_171 = vector.load %arg4[%get3A_169, %get3A_170] : memref<64x256xf32, #tpu.memory_space<vmem>>, vector<64x256xf32>
    %mul3A_172 = vector.broadcast %div3A_138 : vector<64x1xf32> to vector<64x256xf32>
    %mul3A_173 = arith.mulf %get3A_171, %mul3A_172 : vector<64x256xf32>
    %get3A_174 = arith.constant 768 : index
    %get3A_175 = arith.constant 0 : index
    %get3A_176 = vector.load %arg6[%get3A_174, %get3A_175] : memref<1024x512xf32, #tpu.memory_space<vmem>>, vector<256x512xf32>
    %dot_general3A_177 = arith.constant dense<0.000000e+00> : vector<64x512xf32>
    %dot_general3A_178 = tpu.matmul %mul3A_173, %get3A_176, %dot_general3A_177 {dimension_numbers = #tpu.dot_dimension_numbers<[1], [0], [0], [1], [0, 0, 1, 1], [], []>, transpose_lhs_hint = false} : vector<64x256xf32>, vector<256x512xf32>, vector<64x512xf32> -> vector<64x512xf32>
    %add3A_179 = arith.addf %add3A_168, %dot_general3A_178 : vector<64x512xf32>
    %get3A_180 = arith.constant 0 : index
    %get3A_181 = arith.constant 0 : index
    %get3A_182 = vector.load %arg7[%get3A_180, %get3A_181] : memref<1x512xf32, #tpu.memory_space<vmem>>, vector<1x512xf32>
    %add3A_183 = vector.broadcast %get3A_182 : vector<1x512xf32> to vector<64x512xf32>
    %add3A_184 = arith.addf %add3A_179, %add3A_183 : vector<64x512xf32>
    %max3A_185 = arith.constant 0.000000e+00 : f32
    %max3A_186 = vector.broadcast %max3A_185 : f32 to vector<64x512xf32>
    %max3A_187 = arith.maximumf %add3A_184, %max3A_186 : vector<64x512xf32>
    %get3A_188 = arith.constant 0 : index
    %get3A_189 = arith.constant 0 : index
    %get3A_190 = vector.load %arg8[%get3A_188, %get3A_189] : memref<512x256xf32, #tpu.memory_space<vmem>>, vector<512x256xf32>
    %dot_general3A_191 = arith.constant dense<0.000000e+00> : vector<64x256xf32>
    %dot_general3A_192 = tpu.matmul %max3A_187, %get3A_190, %dot_general3A_191 {dimension_numbers = #tpu.dot_dimension_numbers<[1], [0], [0], [1], [0, 0, 1, 1], [], []>, transpose_lhs_hint = false} : vector<64x512xf32>, vector<512x256xf32>, vector<64x256xf32> -> vector<64x256xf32>
    %get3A_193 = arith.constant 0 : index
    %get3A_194 = arith.constant 0 : index
    %get3A_195 = vector.load %arg9[%get3A_193, %get3A_194] : memref<1x256xf32, #tpu.memory_space<vmem>>, vector<1x256xf32>
    %add3A_196 = vector.broadcast %get3A_195 : vector<1x256xf32> to vector<64x256xf32>
    %add3A_197 = arith.addf %dot_general3A_192, %add3A_196 : vector<64x256xf32>
    %max3A_198 = arith.constant 0.000000e+00 : f32
    %max3A_199 = vector.broadcast %max3A_198 : f32 to vector<64x256xf32>
    %max3A_200 = arith.maximumf %add3A_197, %max3A_199 : vector<64x256xf32>
    %get3A_201 = arith.constant 0 : index
    %get3A_202 = arith.constant 0 : index
    %get3A_203 = vector.load %arg10[%get3A_201, %get3A_202] : memref<256x256xf32, #tpu.memory_space<vmem>>, vector<256x256xf32>
    %dot_general3A_204 = arith.constant dense<0.000000e+00> : vector<64x256xf32>
    %dot_general3A_205 = tpu.matmul %max3A_200, %get3A_203, %dot_general3A_204 {dimension_numbers = #tpu.dot_dimension_numbers<[1], [0], [0], [1], [0, 0, 1, 1], [], []>, transpose_lhs_hint = false} : vector<64x256xf32>, vector<256x256xf32>, vector<64x256xf32> -> vector<64x256xf32>
    %get3A_206 = arith.constant 0 : index
    %get3A_207 = arith.constant 0 : index
    %get3A_208 = vector.load %arg11[%get3A_206, %get3A_207] : memref<1x256xf32, #tpu.memory_space<vmem>>, vector<1x256xf32>
    %add3A_209 = vector.broadcast %get3A_208 : vector<1x256xf32> to vector<64x256xf32>
    %add3A_210 = arith.addf %dot_general3A_205, %add3A_209 : vector<64x256xf32>
    %max3A_211 = arith.constant 0.000000e+00 : f32
    %max3A_212 = vector.broadcast %max3A_211 : f32 to vector<64x256xf32>
    %max3A_213 = arith.maximumf %add3A_210, %max3A_212 : vector<64x256xf32>
    %get3A_214 = arith.constant 0 : index
    %get3A_215 = arith.constant 0 : index
    %get3A_216 = vector.load %arg12[%get3A_214, %get3A_215] : memref<256x10xf32, #tpu.memory_space<vmem>>, vector<256x10xf32>
    %dot_general3A_217 = arith.constant dense<0.000000e+00> : vector<64x10xf32>
    %dot_general3A_218 = tpu.matmul %max3A_213, %get3A_216, %dot_general3A_217 {dimension_numbers = #tpu.dot_dimension_numbers<[1], [0], [0], [1], [0, 0, 1, 1], [], []>, transpose_lhs_hint = false} : vector<64x256xf32>, vector<256x10xf32>, vector<64x10xf32> -> vector<64x10xf32>
    %get3A_219 = arith.constant 0 : index
    %get3A_220 = arith.constant 0 : index
    %get3A_221 = vector.load %arg13[%get3A_219, %get3A_220] : memref<1x10xf32, #tpu.memory_space<vmem>>, vector<1x10xf32>
    %add3A_222 = vector.broadcast %get3A_221 : vector<1x10xf32> to vector<64x10xf32>
    %add3A_223 = arith.addf %dot_general3A_218, %add3A_222 : vector<64x10xf32>
    %reduce_max3A = arith.constant dense<0xFF800000> : vector<64xf32>
    %reduce_max3A_224 = vector.multi_reduction <maximumf>, %add3A_223, %reduce_max3A [1] : vector<64x10xf32> to vector<64xf32>
    %broadcast_in_dim3A_225 = vector.shape_cast %reduce_max3A_224 : vector<64xf32> to vector<64x1xf32>
    %sub3A = vector.broadcast %broadcast_in_dim3A_225 : vector<64x1xf32> to vector<64x10xf32>
    %sub3A_226 = arith.subf %add3A_223, %sub3A : vector<64x10xf32>
    %exp3A = math.exp %sub3A_226 : vector<64x10xf32>
    %reduce_sum3A_227 = arith.constant dense<0.000000e+00> : vector<64xf32>
    %reduce_sum3A_228 = vector.multi_reduction <add>, %exp3A, %reduce_sum3A_227 [1] : vector<64x10xf32> to vector<64xf32>
    %broadcast_in_dim3A_229 = vector.shape_cast %reduce_sum3A_228 : vector<64xf32> to vector<64x1xf32>
    %log3A = math.log %broadcast_in_dim3A_229 : vector<64x1xf32>
    %sub3A_230 = vector.broadcast %log3A : vector<64x1xf32> to vector<64x10xf32>
    %sub3A_231 = arith.subf %sub3A_226, %sub3A_230 : vector<64x10xf32>
    %swap3A = arith.constant 0 : index
    %swap3A_232 = arith.constant 0 : index
    %swap3A_233 = vector.load %arg14[%swap3A, %swap3A_232] : memref<64x10xf32, #tpu.memory_space<vmem>>, vector<64x10xf32>
    tpu.vector_store %arg14[%swap3A, %swap3A_232], %sub3A_231 {strides = array<i32>} : memref<64x10xf32, #tpu.memory_space<vmem>>, vector<64x10xf32>,
    return
  }
  func.func @transform_0(%arg0: i32) -> (i32, i32) {
    %c0_i32 = arith.constant 0 : i32
    %c0_i32_0 = arith.constant 0 : i32
    %c0_i32_1 = arith.constant 0 : i32
    return %c0_i32, %c0_i32_0 : i32, i32
  }
  func.func @transform_1(%arg0: i32) -> (i32, i32) {
    %c0_i32 = arith.constant 0 : i32
    %c0_i32_0 = arith.constant 0 : i32
    %c0_i32_1 = arith.constant 0 : i32
    return %c0_i32, %c0_i32_0 : i32, i32
  }
  func.func @transform_2(%arg0: i32) -> (i32, i32) {
    %c0_i32 = arith.constant 0 : i32
    %c0_i32_0 = arith.constant 0 : i32
    %c0_i32_1 = arith.constant 0 : i32
    return %c0_i32, %c0_i32_0 : i32, i32
  }
  func.func @transform_3(%arg0: i32) -> (i32, i32) {
    %c0_i32 = arith.constant 0 : i32
    %c0_i32_0 = arith.constant 0 : i32
    %c0_i32_1 = arith.constant 0 : i32
    return %c0_i32, %c0_i32_0 : i32, i32
  }
  func.func @transform_4(%arg0: i32) -> (i32, i32) {
    %c0_i32 = arith.constant 0 : i32
    %c0_i32_0 = arith.constant 0 : i32
    %c0_i32_1 = arith.constant 0 : i32
    return %c0_i32, %c0_i32_0 : i32, i32
  }
  func.func @transform_5(%arg0: i32) -> (i32, i32) {
    %c0_i32 = arith.constant 0 : i32
    %c0_i32_0 = arith.constant 0 : i32
    %c0_i32_1 = arith.constant 0 : i32
    return %c0_i32, %c0_i32_0 : i32, i32
  }
  func.func @transform_6(%arg0: i32) -> (i32, i32) {
    %c0_i32 = arith.constant 0 : i32
    %c0_i32_0 = arith.constant 0 : i32
    %c0_i32_1 = arith.constant 0 : i32
    return %c0_i32, %c0_i32_0 : i32, i32
  }
  func.func @transform_7(%arg0: i32) -> (i32, i32) {
    %c0_i32 = arith.constant 0 : i32
    %c0_i32_0 = arith.constant 0 : i32
    %c0_i32_1 = arith.constant 0 : i32
    return %c0_i32, %c0_i32_0 : i32, i32
  }
  func.func @transform_8(%arg0: i32) -> (i32, i32) {
    %c0_i32 = arith.constant 0 : i32
    %c0_i32_0 = arith.constant 0 : i32
    %c0_i32_1 = arith.constant 0 : i32
    return %c0_i32, %c0_i32_0 : i32, i32
  }
  func.func @transform_9(%arg0: i32) -> (i32, i32) {
    %c0_i32 = arith.constant 0 : i32
    %c0_i32_0 = arith.constant 0 : i32
    %c0_i32_1 = arith.constant 0 : i32
    return %c0_i32, %c0_i32_0 : i32, i32
  }
  func.func @transform_10(%arg0: i32) -> (i32, i32) {
    %c0_i32 = arith.constant 0 : i32
    %c0_i32_0 = arith.constant 0 : i32
    %c0_i32_1 = arith.constant 0 : i32
    return %c0_i32, %c0_i32_0 : i32, i32
  }
  func.func @transform_11(%arg0: i32) -> (i32, i32) {
    %c0_i32 = arith.constant 0 : i32
    %c0_i32_0 = arith.constant 0 : i32
    %c0_i32_1 = arith.constant 0 : i32
    return %c0_i32, %c0_i32_0 : i32, i32
  }
  func.func @transform_12(%arg0: i32) -> (i32, i32) {
    %c0_i32 = arith.constant 0 : i32
    %c0_i32_0 = arith.constant 0 : i32
    %c0_i32_1 = arith.constant 0 : i32
    return %c0_i32, %c0_i32_0 : i32, i32
  }
  func.func @transform_13(%arg0: i32) -> (i32, i32) {
    %c0_i32 = arith.constant 0 : i32
    %c0_i32_0 = arith.constant 0 : i32
    %c0_i32_1 = arith.constant 0 : i32
    return %c0_i32, %c0_i32_0 : i32, i32
  }
}

</mosaic_0001>

<sc_bundles>
// kernel: kernel.11.cloned.1.call-start
scs
__scs_entry_jumppad:
0x0: {  	(pc) =	sbr.rel $0x88, $3  }
0x1: {  	(tag) =	ssettag $0x0;
	lr =	simm.s32 $0x1  }
0x2: {  	[smem:$0x3F7A] =	sst lr;
	_ =	strace $0xD0000000  }
0x3: {  	_ = 	snop  }
0x4: {  	_ = 	snop  }
0x5: {  	_ = 	snop  }
0x6: {  	_ = 	snop  }
0x7: {  	_ = 	snop  }
__scs_overlays_trampoline_lowered:
0x8: {  	[smem:$0x3F89] =	sst s0  }
0x9: {  	[smem:$0x3F8A] =	sst s1  }
0xa: {  	[smem:$0x3F8B] =	sst s2  }
0xb: {  	[smem:$0x3F8C] =	sst s3  }
0xc: {  	[smem:$0x3F8D] =	sst s4  }
0xd: {  	[smem:$0x3F8E] =	sst s5  }
0xe: {  	[smem:$0x3F8F] =	sst s6  }
0xf: {  	[smem:$0x3F90] =	sst s7  }
0x10: {  	[smem:$0x3F91] =	sst s8  }
0x11: {  	[smem:$0x3F92] =	sst s9;
	s0 =	simm.s32 @!p0 $0x0  }
0x12: {  	s1 =	sld [smem:$0x3F78];
	s0 =	simm.s32 @p0 $0x1  }
0x13: {  	[smem:$0x3F93] =	sst s0;
	s0 =	simm.s32 @!p1 $0x0  }
0x14: {  	s2 =	sld [smem:$0x3F77];
	s0 =	simm.s32 @p1 $0x1  }
0x15: {  	[smem:$0x3F94] =	sst s0;
	s0 =	simm.s32 @!p2 $0x0  }
0x16: {  	s3 =	sld [smem:$0x3FDB];
	s0 =	simm.s32 @p2 $0x1  }
0x17: {  	s4 =	simm.s32 $0x1BF5;
	[smem:$0x3F96] =	sst s0  }
0x18: {  	s0 =	sld [smem:$0x3F79];
	_ =	swait.ge [sflag:s4], $0x0  }
0x19: {  	s7 =	sld [smem:$0x3F7A]  }
0x1a: {  	s8 =	sadd.s32 $0xFFFFE003, lr  }
0x1b: {  	s9 =	sadd.s32 $0xFFFFFEF7, lr;
	s5 =	simm.s32 $0xFFFFFFFF;
	p2 =	slt.u32 s8, $0xFFFFF086  }
0x1c: {  	p1 =	slt.u32 s9, $0xF7A;
	s5 =	simm.s32 @!p2 $0x0  }
0x1d: {  	s5 =	simm.s32 @p1 $0x1;
	p0 =	seq.s32 s7, s2  }
0x1e: {  	s7 =	smul.u32 @!p0 $0xF7A, s2;
	p2 =	seq.s32 @!p0 s5, $0x0  }
0x1f: {  	s9 =	smul.u32 $0xF7A, s1;
	s8 =	simm.s32 @!p0 $0x1BF5;
	p2 =	por !p2, p0  }
0x20: {  	[sflag:s8] =	ssyncset.s32 @!p0 $0xFFFFF086;
	s6 =	sadd.s32 @!p0 s3, s7;
	s7 =	simm.s32 @!p0 $0x108  }
0x21: {  	s3 =	sadd.s32 s3, s9;
	s6 =	sadd.s32 @!p0 $0x88, s6;
	s7 =	simm.s32 @p2 $0x1082  }
0x22: {  	[simem:s7], [sflag:s8] =	dma.local @!p0 [hbm:s6], $0xF7A  }
0x23: {  	s9 =	sor.u32 $0xD0000000, s2;
	s6 =	simm.s32 $0x108;
	_ =	swait.ge @!p0 [sflag:s8], $0x0  }
0x24: {  	s3 =	sadd.s32 $0x88, s3;
	s6 =	simm.s32 @!p1 $0x1082;
	[sflag:s4] =	ssyncset.s32 $0xFFFFF086  }
0x25: {  	[simem:s6], [sflag:s4] =	dma.local [hbm:s3], $0xF7A  }
0x26: {  	[smem:$0x3F7A] =	sst s1;
	(tag) =	ssettag s2;
	_ =	strace s9  }
0x27: {  	s1 =	sld [smem:$0x3F8A]  }
0x28: {  	s2 =	sld [smem:$0x3F8B]  }
0x29: {  	s4 =	sld [smem:$0x3F8D]  }
0x2a: {  	p0 =	seq.s32 s5, $0x0;
	s5 =	sld [smem:$0x3F8E]  }
0x2b: {  	s6 =	sld [smem:$0x3F8F]  }
0x2c: {  	s7 =	sld [smem:$0x3F90]  }
0x2d: {  	s3 =	simm.s32 $0x108;
	s8 =	sld [smem:$0x3F91]  }
0x2e: {  	s3 =	simm.s32 @!p0 $0x1082;
	s9 =	sld [smem:$0x3F92]  }
0x2f: {  	lr =	sadd.s32 s0, s3;
	s0 =	sld [smem:$0x3F89]  }
0x30: {  	s3 =	sld [smem:$0x3F8C]  }
0x31: {  	[smem:$0x3F95] =	sst s10  }
0x32: {  	s10 =	sld [smem:$0x3F93];
	_ =	sdelay $0x3  }
0x33: {  	p0 =	seq.s32 s10, $0x1;
	s10 =	sld [smem:$0x3F95];
	_ =	sdelay $0x3  }
0x34: {  	[smem:$0x3F95] =	sst s10  }
0x35: {  	s10 =	sld [smem:$0x3F94];
	_ =	sdelay $0x3  }
0x36: {  	p1 =	seq.s32 s10, $0x1;
	s10 =	sld [smem:$0x3F95];
	_ =	sdelay $0x3  }
0x37: {  	[smem:$0x3F95] =	sst s10  }
0x38: {  	s10 =	sld [smem:$0x3F96]  }
0x39: {  	_ = 	snop;
	(pc) =	sbr.ind lr, $3  }
0x3a: {  	_ = 	snop  }
0x3b: {  	_ = 	snop  }
0x3c: {  	p2 =	seq.s32 s10, $0x1;
	s10 =	sld [smem:$0x3F95]  }
0x3d: {  	_ =	shalt  }
0x3e: {  	_ =	shalt  }
0x3f: {  	_ =	shalt  }
0x40: {  	_ =	shalt  }
0x41: {  	_ =	shalt  }
0x42: {  	_ =	shalt  }
0x43: {  	_ =	shalt  }
0x44: {  	_ =	shalt  }
0x45: {  	_ =	shalt  }
0x46: {  	_ =	shalt  }
0x47: {  	_ =	shalt  }
0x48: {  	_ =	shalt  }
0x49: {  	_ =	shalt  }
0x4a: {  	_ =	shalt  }
0x4b: {  	_ =	shalt  }
0x4c: {  	_ =	shalt  }
0x4d: {  	_ =	shalt  }
0x4e: {  	_ =	shalt  }
0x4f: {  	_ =	shalt  }
0x50: {  	_ =	shalt  }
0x51: {  	_ =	shalt  }
0x52: {  	_ =	shalt  }
0x53: {  	_ =	shalt  }
0x54: {  	_ =	shalt  }
0x55: {  	_ =	shalt  }
0x56: {  	_ =	shalt  }
0x57: {  	_ =	shalt  }
0x58: {  	_ =	shalt  }
0x59: {  	_ =	shalt  }
0x5a: {  	_ =	shalt  }
0x5b: {  	_ =	shalt  }
0x5c: {  	_ =	shalt  }
0x5d: {  	_ =	shalt  }
0x5e: {  	_ =	shalt  }
0x5f: {  	_ =	shalt  }
0x60: {  	_ =	shalt  }
0x61: {  	_ =	shalt  }
0x62: {  	_ =	shalt  }
0x63: {  	_ =	shalt  }
0x64: {  	_ =	shalt  }
0x65: {  	_ =	shalt  }
0x66: {  	_ =	shalt  }
0x67: {  	_ =	shalt  }
0x68: {  	_ =	shalt  }
0x69: {  	_ =	shalt  }
0x6a: {  	_ =	shalt  }
0x6b: {  	_ =	shalt  }
0x6c: {  	_ =	shalt  }
0x6d: {  	_ =	shalt  }
0x6e: {  	_ =	shalt  }
0x6f: {  	_ =	shalt  }
0x70: {  	_ =	shalt  }
0x71: {  	_ =	shalt  }
0x72: {  	_ =	shalt  }
0x73: {  	_ =	shalt  }
0x74: {  	_ =	shalt  }
0x75: {  	_ =	shalt  }
0x76: {  	_ =	shalt  }
0x77: {  	_ =	shalt  }
0x78: {  	_ =	shalt  }
0x79: {  	_ =	shalt  }
0x7a: {  	_ =	shalt  }
0x7b: {  	_ =	shalt  }
0x7c: {  	_ =	shalt  }
0x7d: {  	_ =	shalt  }
0x7e: {  	_ =	shalt  }
0x7f: {  	_ =	shalt  }
0x80: {  	_ =	shalt  }
0x81: {  	_ =	shalt  }
0x82: {  	_ =	shalt  }
0x83: {  	_ =	shalt  }
0x84: {  	_ =	shalt  }
0x85: {  	_ =	shalt  }
0x86: {  	_ =	shalt  }
0x87: {  	_ =	shalt  }
.Lfunc_end0:
.L_simem_size_0:
called_computation_lowered:
.L_overlay_start_0:
0x88: {  	s2 =	sld [smem:$0x3FD9]  }
0x89: {  	s3 =	sld [smem:$0x3FFE];
	_ =	sdelay $0x1  }
0x8a: {  	s1 =	srdreg.scid  }
0x8b: {  	s0 =	sand.u32 $0x1, s1  }
0x8c: {  	s16 =	sshll.u32 s0, $0xA;
	s2 =	sadd.s32 s3, s2  }
0x8d: {  	s2 =	sadd.s32 s2, s16  }
0x8e: {  	[smem:$0x3FA1] =	sst s2  }
0x8f: {  	_ = 	snop  }
0x90: {  	(tm) =	ssettm $0x1  }
0x91: {  	s17 =	sld [smem:$0x3FFB];
	_ =	sdelay $0x3  }
0x92: {  	_ =	strace s17  }
0x93: {  	s2 =	sld [smem:$0x3FFC];
	_ =	sdelay $0x3  }
0x94: {  	_ =	strace s2  }
0x95: {  	s2 =	sld [smem:$0x3FFD];
	_ =	sdelay $0x3  }
0x96: {  	_ =	strace s2  }
0x97: {  	_ =	strace $0x8FFFFFFF  }
0x98: {  	s18 =	sld [smem:$0x3FDB];
	_ =	sdelay $0x1  }
0x99: {  	s19 =	simm.s32 $_scs_section_size  }
0x9a: {  	s4 =	simm.s32 $_size__tile_overlayer_lowered;
	s5 =	simm.s32 $_tile_overlayer_lowered  }
0x9b: {  	s22 =	simm.s32 $0x1BFF;
	s21 =	sshll.u32 s5, $0x1;
	s2 =	sadd.s32 s19, s18  }
0x9c: {  	s6 =	simm.s32 $0x0;
	s20 =	sshll.u32 s4, $0x1;
	s4 =	sadd.s32 s21, s2  }
0x9d: {  	[timem:s6], [sflag:s22] =	dma.local [hbm:s4], s20  }
0x9e: {  	_ =	swait.ge [sflag:s22], s20  }
0x9f: {  	s3 =	ssub.s32 $0x0, s20;
	[sflag:s22] =	ssyncset.done $0x0  }
0xa0: {  	[sflag:s22] =	ssyncadd.s32 s3;
	_ =	sdelay $0x1  }
0xa1: {  	s23 =	simm.s32 $0x1B8B  }
0xa2: {  	_ =	swait.ge [sflag:s23], $0x1  }
0xa3: {  	[sflag:s23] =	ssyncset.done $0x0  }
0xa4: {  	s25 =	simm.s32 $0x1B8E;
	s24 =	sld [smem:$0x3FFE];
	[sflag:s23] =	ssyncadd.s32 $0xFFFFFFFF  }
0xa5: {  	s26 =	simm.s32 $execute0_lowered;
	[smem:$0x3FD2] =	sst s25  }
0xa6: {  	s4 =	sshll.u32 s26, $0x1;
	_ =	strace $0x80000046;
	[dreg:$0x1] =	wrdreg $0xFFFFFFFF  }
0xa7: {  	s28 =	simm.s32 $_size_execute0_lowered;
	s2 =	sadd.s32 s2, s4;
	[dreg:$0x0] =	wrdreg $0x0  }
0xa8: {  	s4 =	sshll.u32 s28, $0x1;
	[dreg:$0x2] =	wrdreg s2  }
0xa9: {  	[dreg:$0x3] =	wrdreg s4  }
0xaa: {  	[dreg:$0x4] =	wrdreg $0xC0  }
0xab: {  	_ =	task [dreg:s6], $0x5FFFF  }
0xac: {  	[dreg:$0x1] =	wrdreg $0xFFFFFFFF  }
0xad: {  	[dreg:$0x0] =	wrdreg $0x60  }
0xae: {  	[dreg:$0x2] =	wrdreg s24  }
0xaf: {  	[dreg:$0x3] =	wrdreg $0x90000  }
0xb0: {  	[dreg:$0x4] =	wrdreg $0x9  }
0xb1: {  	_ =	task.clear_ibuf [dreg:s6], $0x5FFFF;
	_ =	strace $0x90000046  }
0xb2: {  	s29 =	simm.s32 $0x9;
	_ =	strace $0x80000048  }
0xb3: {  	_ =	swait.ge [sflag:s29], $0x1  }
0xb4: {  	[sflag:s29] =	ssyncadd.s32 $0xFFFFFFFF  }
0xb5: {  	_ =	strace $0x90000048  }
0xb6: {  	_ =	sfence  }
0xb7: {  	s30 =	sld [smem:$0x0];
	_ =	sdelay $0x2  }
0xb8: {  	s31 =	sshll.u32 s1, $0xD;
	s1 =	sshrl.u32 s1, $0x2  }
0xb9: {  	s3 =	sand.u32 $0x4000, s31;
	s1 =	sadd.s32 s1, s30  }
0xba: {  	s0 =	sor.u32 s3, s0;
	s1 =	sshll.u32 s1, $0x11  }
0xbb: {  	s0 =	sor.u32 s1, s0  }
0xbc: {  	s0 =	sadd.s32 $0x8F2B, s0  }
0xbd: {  	[sflag:s0] =	ssyncadd.remote.s32 $0x1  }
0xbe: {  	_ =	sfence.sel $0xFFFF  }
0xbf: {  	[dreg:$0x0] =	wrdreg $0xFFFFFFFF;
	(pc) =	sbr.abs _section_cstart, $3  }
0xc0: {  	[dreg:$0x1] =	wrdreg $0xFFFFFFFF  }
0xc1: {  	_ =	task.clear_ibuf [dreg:s6], $0x2FFFF;
	_ =	strace $0x9FFFFFFF  }
0xc2: {  	(tm) =	ssettm $0x7FFFFFFF  }
0xc3: {  	_ =	shalt  }
tec
execute0_lowered:
.L_overlay_start_1:
0x0: {  	(tag) =	ssettag $0x1  }
0x1: {  	s8 =	rddreg [dreg:$0x0]  }
0x2: {  	s0 =	srdreg.scid;
	s2 =	rddreg [dreg:$0x1];
	s3 =	simm.s32 $0x0  }
0x3: {  	s18 =	simm.s32 $0x5000;
	s7 =	sand.u32 $0x1, s0;
	s0 =	stileid.u32  }
0x4: {  	s19 =	simm.s32 $0x1;
	s20 =	simm.s32 $0x0;
	s6 =	smul.u32 $0x500, s0  }
0x5: {  	[smem:$0x7FF] =	sst s3;
	s4 =	sadd.s32 $0x15E00, s8;
	s10 =	smul.u32 $0x2700, s0  }
0x6: {  	s14 =	sadd.s32 $0x8B200, s8;
	s16 =	sadd.s32 $0x138000, s2;
	s9 =	smul.u32 $0x4E000, s0  }
0x7: {  	s1 =	sshll.u32 s7, $0x4;
	s26 =	ssub.s32 $0x2, s7;
	s30 =	smul.u32 $0x138800, s7  }
0x8: {  	s29 =	sshll.u32 s0, $0x6;
	s17 =	smul.u32 $0x27100, s7;
	s7 =	sadd.s32 $0x8B000, s8  }
0x9: {  	p0 =	sne.s32 s0, $0xF;
	s1 =	sor.u32 s0, s1;
	s13 =	sshrl.u32 s26, $0x1  }
0xa: {  	s5 =	smul.u32 $0x500, s1;
	s1 =	rddreg [dreg:$0x2];
	_ =	strace $0x80000047  }
0xb: {  	s12 =	sadd.s32 s6, s8;
	s28 =	sadd.s32 s10, s8;
	s9 =	sshrl.u32 s9, $0x2  }
0xc: {  	s13 =	ssub.s32 s26, s13;
	s6 =	sor.u32 $0x1C02, s29;
	s31 =	sshrl.u32 s30, $0x3  }
0xd: {  	s10 =	sadd.s32 s10, s17;
	s17 =	simm.s32 $0x7D;
	s15 =	sadd.s32 s9, s2  }
0xe: {  	s9 =	sadd.s32 $0x10E00, s12;
	s10 =	sadd.s32 s14, s10;
	s12 =	smax.u32 s13, $0x1  }
0xf: {  	s11 =	sadd.s32 s5, s8;
	s5 =	sadd.s32 $0x64000, s28;
	s13 =	sshrl.u32 s15, $0x3  }
0x10: {  	s15 =	sshrl.u32 @!p0 s16, $0x3;
	s8 =	sadd.s32 $0x6E00, s11;
	s11 =	sadd.s32 s14, s31  }
0x11: {  	s16 =	simm.s32 $0x2800;
	s14 =	simm.s32 $0x2;
	s11 =	sadd.s32 $0x27000, s11  }
.LBB2_1:
0x12: {  	[spmem:s13], [sflag:s6] =	dma.local [hbm:s5], $0x2700  }
0x13: {  	_ =	swait.ge [sflag:s14], $0x2700  }
0x14: {  	[sflag:s14] =	ssyncset.done $0x0  }
0x15: {  	s21 =	simm.s32 @!p0 $0x2;
	[sflag:s14] =	ssyncadd.s32 $0xFFFFD900  }
0x16: {  	[spmem:s15], [sflag:s6] =	dma.local @!p0 [hbm:s7], $0x100  }
0x17: {  	_ =	swait.ge @!p0 [sflag:s21], $0x100  }
0x18: {  	[sflag:s21] =	ssyncset.done @!p0 $0x0  }
0x19: {  	[sflag:s21] =	ssyncadd.s32 @!p0 $0xFFFFFF00  }
0x1a: {  	[tilespmem:s3], [sflag:$0x2] =	stream.linear.gather [hbm4b:s8+s3], $0x2800, $0x38;
	[tilespmem:$0x1C880] =	vst v63  }
0x1b: {  	_ =	swait.ge [sflag:s14], $0x2800  }
0x1c: {  	[sflag:s14] =	ssyncset.done $0x0  }
0x1d: {  	[sflag:s14] =	ssyncadd.s32 $0xFFFFD800  }
0x1e: {  	[tilespmem:s16], [sflag:$0x2] =	stream.linear.gather [hbm4b:s9+s3], $0x2800, $0x38;
	[tilespmem:$0x1C880] =	vst v63  }
0x1f: {  	_ =	swait.ge [sflag:s14], $0x2800  }
0x20: {  	[sflag:s14] =	ssyncset.done $0x0  }
0x21: {  	[sflag:s14] =	ssyncadd.s32 $0xFFFFD800  }
0x22: {  	s30 =	simm.s32 $0x0;
	[bflag:$0x0] =	sbarrier.arrive $0xFFFF  }
0x23: {  	[tilespmem:s18], [sflag:$0x1] =	stream.indirect.gather [hbm4b:s4+s17], $0x80, s30, s17, $0xb8;
	[tilespmem:$0x1C880] =	vst v63  }
0x24: {  	_ =	swait.ge [sflag:s19], $0x3E80  }
0x25: {  	[sflag:s19] =	ssyncset.done $0x0  }
0x26: {  	s31 =	simm.s32 $0x2800;
	[sflag:s19] =	ssyncadd.s32 $0xFFFFC180  }
0x27: {  	[spmem:s2] =	stream.indirect.scatter.add.f32 [tilespmem:s18], [sflag:$0x2], $0x80, s31, s17, $0xb8;
	[tilespmem:$0x1C880] =	vst v63  }
0x28: {  	_ =	swait.ge [sflag:s14], $0x3E80  }
0x29: {  	s22 =	simm.s32 $0x400;
	s21 =	simm.s32 $0x200;
	[sflag:s14] =	ssyncset.done $0x0  }
.LBB2_2:
0x2a: {  	s23 =	sshra.s32 s21, $0x2  }
0x2b: {  	[sflag:s14] =	ssyncadd.s32 $0xFFFFC180;
	s21 =	smov.u32 s22;
	s24 =	sadd.s32 $0x200, s22  }
0x2c: {  	[tilespmem:s18], [sflag:$0x1] =	stream.indirect.gather [hbm4b:s4+s17], $0x80, s23, s17, $0xb8;
	[tilespmem:$0x1C880] =	vst v63  }
0x2d: {  	p1 =	sne.s32 s22, $0x9E00;
	_ =	swait.ge [sflag:s19], $0x3E80  }
.Ltmp0:
0x2e: {  	[sflag:s19] =	ssyncset.done $0x0;
	(pc) =	sbr.rel @p1 .LBB2_2-.Ltmp0, $4  }
0x2f: {  	s22 =	sadd.s32 $0x2800, s23;
	[sflag:s19] =	ssyncadd.s32 $0xFFFFC180  }
0x30: {  	[spmem:s2] =	stream.indirect.scatter.add.f32 [tilespmem:s18], [sflag:$0x2], $0x80, s22, s17, $0xb8;
	[tilespmem:$0x1C880] =	vst v63  }
0x31: {  	_ =	swait.ge [sflag:s14], $0x3E80  }
0x32: {  	s22 =	smov.u32 s24;
	[sflag:s14] =	ssyncset.done $0x0  }
0x33: {  	s21 =	sshra.s32 s21, $0x2;
	[sflag:s14] =	ssyncadd.s32 $0xFFFFC180  }
0x34: {  	[tilespmem:s18], [sflag:$0x1] =	stream.indirect.gather [hbm4b:s4+s17], $0x80, s21, s17, $0xb8;
	[tilespmem:$0x1C880] =	vst v63  }
0x35: {  	_ =	swait.ge [sflag:s19], $0x3E80  }
0x36: {  	[sflag:s19] =	ssyncset.done $0x0  }
0x37: {  	s21 =	sadd.s32 $0x2800, s21;
	[sflag:s19] =	ssyncadd.s32 $0xFFFFC180  }
0x38: {  	[spmem:s2] =	stream.indirect.scatter.add.f32 [tilespmem:s18], [sflag:$0x2], $0x80, s21, s17, $0xb8;
	[tilespmem:$0x1C880] =	vst v63  }
0x39: {  	_ =	swait.ge [sflag:s14], $0x3E80  }
0x3a: {  	[sflag:s14] =	ssyncset.done $0x0  }
0x3b: {  	[sflag:s14] =	ssyncadd.s32 $0xFFFFC180  }
0x3c: {  	[bflag:$0x0] =	sbarrier.arrive $0xFFFF  }
0x3d: {  	[hbm:s10], [sflag:s6] =	dma.local [spmem:s13], $0x2700  }
0x3e: {  	s20 =	sadd.s32 $0x1, s20;
	_ =	swait.ge [sflag:s14], $0x2700  }
0x3f: {  	p1 =	sne.s32 s20, s12;
	[sflag:s14] =	ssyncset.done $0x0  }
.Ltmp1:
0x40: {  	s21 =	simm.s32 @!p0 $0x2;
	[sflag:s14] =	ssyncadd.s32 $0xFFFFD900;
	(pc) =	sbr.rel @p1 .LBB2_1-.Ltmp1, $4  }
0x41: {  	[hbm:s11], [sflag:s6] =	dma.local @!p0 [spmem:s15], $0x100  }
0x42: {  	_ =	swait.ge @!p0 [sflag:s21], $0x100  }
0x43: {  	[sflag:s21] =	ssyncset.done @!p0 $0x0  }
0x44: {  	[sflag:s21] =	ssyncadd.s32 @!p0 $0xFFFFFF00  }
0x45: {  	_ =	sfence.sel $0x180000  }
0x46: {  	[bflag:$0x0] =	sbarrier.arrive $0xFFFF  }
0x47: {  	p0 =	sne.s32 s0, $0x0;
	_ =	strace $0x90000047  }
0x48: {  	s0 =	sadd.s32 @!p0 $0x100000, s1;
	[bflag:$0x2] =	sbarrier.arrive $0xFFFF  }
0x49: {  	[sflag:s0] =	ssyncadd.tile.s32 @!p0 $0x1;
	_ =	shalt  }
.Lfunc_end2:
_tile_overlayer_lowered:
.L_overlay_start_2:
0x4a: {  	(tag) =	ssettag $0x2  }
0x4b: {  	s0 =	rddreg [dreg:$0x0];
	s2 =	stileid.u32  }
0x4c: {  	s1 =	rddreg [dreg:$0x1];
	p0 =	sne.s32 s2, $0x0  }
0x4d: {  	s3 =	rddreg [dreg:$0x2];
	[bflag:$0x3] =	sbarrier.arrive $0xFFFF;
	s2 =	simm.s32 @!p0 $0x1C02  }
0x4e: {  	[timem:s3], [sflag:s2] =	dma.local @!p0 [hbm:s0], s1  }
0x4f: {  	s0 =	simm.s32 @!p0 $0x2  }
0x50: {  	_ =	swait.ge @!p0 [sflag:s0], s1  }
0x51: {  	s1 =	ssub.s32 @!p0 $0x0, s1;
	[sflag:s0] =	ssyncset.done @!p0 $0x0  }
0x52: {  	[sflag:s0] =	ssyncadd.s32 @!p0 s1  }
0x53: {  	[bflag:$0x3] =	sbarrier.arrive $0xFFFF  }
0x54: {  	_ =	shalt  }

// kernel: kernel.14.cloned.1.call-start
scs
__scs_entry_jumppad:
0x0: {  	(pc) =	sbr.rel $0x88, $3  }
0x1: {  	(tag) =	ssettag $0x0;
	lr =	simm.s32 $0x1  }
0x2: {  	[smem:$0x3F7A] =	sst lr;
	_ =	strace $0xD0000000  }
0x3: {  	_ = 	snop  }
0x4: {  	_ = 	snop  }
0x5: {  	_ = 	snop  }
0x6: {  	_ = 	snop  }
0x7: {  	_ = 	snop  }
__scs_overlays_trampoline_lowered:
0x8: {  	[smem:$0x3F89] =	sst s0  }
0x9: {  	[smem:$0x3F8A] =	sst s1  }
0xa: {  	[smem:$0x3F8B] =	sst s2  }
0xb: {  	[smem:$0x3F8C] =	sst s3  }
0xc: {  	[smem:$0x3F8D] =	sst s4  }
0xd: {  	[smem:$0x3F8E] =	sst s5  }
0xe: {  	[smem:$0x3F8F] =	sst s6  }
0xf: {  	[smem:$0x3F90] =	sst s7  }
0x10: {  	[smem:$0x3F91] =	sst s8  }
0x11: {  	[smem:$0x3F92] =	sst s9;
	s0 =	simm.s32 @!p0 $0x0  }
0x12: {  	s1 =	sld [smem:$0x3F78];
	s0 =	simm.s32 @p0 $0x1  }
0x13: {  	[smem:$0x3F93] =	sst s0;
	s0 =	simm.s32 @!p1 $0x0  }
0x14: {  	s2 =	sld [smem:$0x3F77];
	s0 =	simm.s32 @p1 $0x1  }
0x15: {  	[smem:$0x3F94] =	sst s0;
	s0 =	simm.s32 @!p2 $0x0  }
0x16: {  	s3 =	sld [smem:$0x3FDB];
	s0 =	simm.s32 @p2 $0x1  }
0x17: {  	s4 =	simm.s32 $0x1BF5;
	[smem:$0x3F96] =	sst s0  }
0x18: {  	s0 =	sld [smem:$0x3F79];
	_ =	swait.ge [sflag:s4], $0x0  }
0x19: {  	s7 =	sld [smem:$0x3F7A]  }
0x1a: {  	s8 =	sadd.s32 $0xFFFFE003, lr  }
0x1b: {  	s9 =	sadd.s32 $0xFFFFFEF7, lr;
	s5 =	simm.s32 $0xFFFFFFFF;
	p2 =	slt.u32 s8, $0xFFFFF086  }
0x1c: {  	p1 =	slt.u32 s9, $0xF7A;
	s5 =	simm.s32 @!p2 $0x0  }
0x1d: {  	s5 =	simm.s32 @p1 $0x1;
	p0 =	seq.s32 s7, s2  }
0x1e: {  	s7 =	smul.u32 @!p0 $0xF7A, s2;
	p2 =	seq.s32 @!p0 s5, $0x0  }
0x1f: {  	s9 =	smul.u32 $0xF7A, s1;
	s8 =	simm.s32 @!p0 $0x1BF5;
	p2 =	por !p2, p0  }
0x20: {  	[sflag:s8] =	ssyncset.s32 @!p0 $0xFFFFF086;
	s6 =	sadd.s32 @!p0 s3, s7;
	s7 =	simm.s32 @!p0 $0x108  }
0x21: {  	s3 =	sadd.s32 s3, s9;
	s6 =	sadd.s32 @!p0 $0x88, s6;
	s7 =	simm.s32 @p2 $0x1082  }
0x22: {  	[simem:s7], [sflag:s8] =	dma.local @!p0 [hbm:s6], $0xF7A  }
0x23: {  	s9 =	sor.u32 $0xD0000000, s2;
	s6 =	simm.s32 $0x108;
	_ =	swait.ge @!p0 [sflag:s8], $0x0  }
0x24: {  	s3 =	sadd.s32 $0x88, s3;
	s6 =	simm.s32 @!p1 $0x1082;
	[sflag:s4] =	ssyncset.s32 $0xFFFFF086  }
0x25: {  	[simem:s6], [sflag:s4] =	dma.local [hbm:s3], $0xF7A  }
0x26: {  	[smem:$0x3F7A] =	sst s1;
	(tag) =	ssettag s2;
	_ =	strace s9  }
0x27: {  	s1 =	sld [smem:$0x3F8A]  }
0x28: {  	s2 =	sld [smem:$0x3F8B]  }
0x29: {  	s4 =	sld [smem:$0x3F8D]  }
0x2a: {  	p0 =	seq.s32 s5, $0x0;
	s5 =	sld [smem:$0x3F8E]  }
0x2b: {  	s6 =	sld [smem:$0x3F8F]  }
0x2c: {  	s7 =	sld [smem:$0x3F90]  }
0x2d: {  	s3 =	simm.s32 $0x108;
	s8 =	sld [smem:$0x3F91]  }
0x2e: {  	s3 =	simm.s32 @!p0 $0x1082;
	s9 =	sld [smem:$0x3F92]  }
0x2f: {  	lr =	sadd.s32 s0, s3;
	s0 =	sld [smem:$0x3F89]  }
0x30: {  	s3 =	sld [smem:$0x3F8C]  }
0x31: {  	[smem:$0x3F95] =	sst s10  }
0x32: {  	s10 =	sld [smem:$0x3F93];
	_ =	sdelay $0x3  }
0x33: {  	p0 =	seq.s32 s10, $0x1;
	s10 =	sld [smem:$0x3F95];
	_ =	sdelay $0x3  }
0x34: {  	[smem:$0x3F95] =	sst s10  }
0x35: {  	s10 =	sld [smem:$0x3F94];
	_ =	sdelay $0x3  }
0x36: {  	p1 =	seq.s32 s10, $0x1;
	s10 =	sld [smem:$0x3F95];
	_ =	sdelay $0x3  }
0x37: {  	[smem:$0x3F95] =	sst s10  }
0x38: {  	s10 =	sld [smem:$0x3F96]  }
0x39: {  	_ = 	snop;
	(pc) =	sbr.ind lr, $3  }
0x3a: {  	_ = 	snop  }
0x3b: {  	_ = 	snop  }
0x3c: {  	p2 =	seq.s32 s10, $0x1;
	s10 =	sld [smem:$0x3F95]  }
0x3d: {  	_ =	shalt  }
0x3e: {  	_ =	shalt  }
0x3f: {  	_ =	shalt  }
0x40: {  	_ =	shalt  }
0x41: {  	_ =	shalt  }
0x42: {  	_ =	shalt  }
0x43: {  	_ =	shalt  }
0x44: {  	_ =	shalt  }
0x45: {  	_ =	shalt  }
0x46: {  	_ =	shalt  }
0x47: {  	_ =	shalt  }
0x48: {  	_ =	shalt  }
0x49: {  	_ =	shalt  }
0x4a: {  	_ =	shalt  }
0x4b: {  	_ =	shalt  }
0x4c: {  	_ =	shalt  }
0x4d: {  	_ =	shalt  }
0x4e: {  	_ =	shalt  }
0x4f: {  	_ =	shalt  }
0x50: {  	_ =	shalt  }
0x51: {  	_ =	shalt  }
0x52: {  	_ =	shalt  }
0x53: {  	_ =	shalt  }
0x54: {  	_ =	shalt  }
0x55: {  	_ =	shalt  }
0x56: {  	_ =	shalt  }
0x57: {  	_ =	shalt  }
0x58: {  	_ =	shalt  }
0x59: {  	_ =	shalt  }
0x5a: {  	_ =	shalt  }
0x5b: {  	_ =	shalt  }
0x5c: {  	_ =	shalt  }
0x5d: {  	_ =	shalt  }
0x5e: {  	_ =	shalt  }
0x5f: {  	_ =	shalt  }
0x60: {  	_ =	shalt  }
0x61: {  	_ =	shalt  }
0x62: {  	_ =	shalt  }
0x63: {  	_ =	shalt  }
0x64: {  	_ =	shalt  }
0x65: {  	_ =	shalt  }
0x66: {  	_ =	shalt  }
0x67: {  	_ =	shalt  }
0x68: {  	_ =	shalt  }
0x69: {  	_ =	shalt  }
0x6a: {  	_ =	shalt  }
0x6b: {  	_ =	shalt  }
0x6c: {  	_ =	shalt  }
0x6d: {  	_ =	shalt  }
0x6e: {  	_ =	shalt  }
0x6f: {  	_ =	shalt  }
0x70: {  	_ =	shalt  }
0x71: {  	_ =	shalt  }
0x72: {  	_ =	shalt  }
0x73: {  	_ =	shalt  }
0x74: {  	_ =	shalt  }
0x75: {  	_ =	shalt  }
0x76: {  	_ =	shalt  }
0x77: {  	_ =	shalt  }
0x78: {  	_ =	shalt  }
0x79: {  	_ =	shalt  }
0x7a: {  	_ =	shalt  }
0x7b: {  	_ =	shalt  }
0x7c: {  	_ =	shalt  }
0x7d: {  	_ =	shalt  }
0x7e: {  	_ =	shalt  }
0x7f: {  	_ =	shalt  }
0x80: {  	_ =	shalt  }
0x81: {  	_ =	shalt  }
0x82: {  	_ =	shalt  }
0x83: {  	_ =	shalt  }
0x84: {  	_ =	shalt  }
0x85: {  	_ =	shalt  }
0x86: {  	_ =	shalt  }
0x87: {  	_ =	shalt  }
.Lfunc_end0:
.L_simem_size_0:
called_computation.1_lowered:
.L_overlay_start_0:
0x88: {  	s2 =	sld [smem:$0x3FD9]  }
0x89: {  	s3 =	sld [smem:$0x3FFE];
	_ =	sdelay $0x1  }
0x8a: {  	s1 =	srdreg.scid  }
0x8b: {  	s0 =	sand.u32 $0x1, s1  }
0x8c: {  	s16 =	sshll.u32 s0, $0xA;
	s2 =	sadd.s32 s3, s2  }
0x8d: {  	s2 =	sadd.s32 s2, s16  }
0x8e: {  	[smem:$0x3FA1] =	sst s2  }
0x8f: {  	_ = 	snop  }
0x90: {  	(tm) =	ssettm $0x1  }
0x91: {  	s17 =	sld [smem:$0x3FFB];
	_ =	sdelay $0x3  }
0x92: {  	_ =	strace s17  }
0x93: {  	s2 =	sld [smem:$0x3FFC];
	_ =	sdelay $0x3  }
0x94: {  	_ =	strace s2  }
0x95: {  	s2 =	sld [smem:$0x3FFD];
	_ =	sdelay $0x3  }
0x96: {  	_ =	strace s2  }
0x97: {  	_ =	strace $0x8FFFFFFF  }
0x98: {  	s18 =	sld [smem:$0x3FDB];
	_ =	sdelay $0x1  }
0x99: {  	s19 =	simm.s32 $_scs_section_size  }
0x9a: {  	s4 =	simm.s32 $_size__tile_overlayer_lowered;
	s5 =	simm.s32 $_tile_overlayer_lowered  }
0x9b: {  	s22 =	simm.s32 $0x1BFF;
	s21 =	sshll.u32 s5, $0x1;
	s2 =	sadd.s32 s19, s18  }
0x9c: {  	s6 =	simm.s32 $0x0;
	s20 =	sshll.u32 s4, $0x1;
	s4 =	sadd.s32 s21, s2  }
0x9d: {  	[timem:s6], [sflag:s22] =	dma.local [hbm:s4], s20  }
0x9e: {  	_ =	swait.ge [sflag:s22], s20  }
0x9f: {  	s3 =	ssub.s32 $0x0, s20;
	[sflag:s22] =	ssyncset.done $0x0  }
0xa0: {  	[sflag:s22] =	ssyncadd.s32 s3;
	_ =	sdelay $0x1  }
0xa1: {  	s23 =	simm.s32 $0x1B8B  }
0xa2: {  	_ =	swait.ge [sflag:s23], $0x1  }
0xa3: {  	[sflag:s23] =	ssyncset.done $0x0  }
0xa4: {  	s25 =	simm.s32 $0x1B8E;
	s24 =	sld [smem:$0x3FFE];
	[sflag:s23] =	ssyncadd.s32 $0xFFFFFFFF  }
0xa5: {  	s26 =	simm.s32 $execute0_lowered;
	[smem:$0x3FD2] =	sst s25  }
0xa6: {  	s4 =	sshll.u32 s26, $0x1;
	_ =	strace $0x80000049;
	[dreg:$0x1] =	wrdreg $0xFFFFFFFF  }
0xa7: {  	s28 =	simm.s32 $_size_execute0_lowered;
	s2 =	sadd.s32 s2, s4;
	[dreg:$0x0] =	wrdreg $0x0  }
0xa8: {  	s4 =	sshll.u32 s28, $0x1;
	[dreg:$0x2] =	wrdreg s2  }
0xa9: {  	[dreg:$0x3] =	wrdreg s4  }
0xaa: {  	[dreg:$0x4] =	wrdreg $0xC0  }
0xab: {  	_ =	task [dreg:s6], $0x5FFFF  }
0xac: {  	[dreg:$0x1] =	wrdreg $0xFFFFFFFF  }
0xad: {  	[dreg:$0x0] =	wrdreg $0x60  }
0xae: {  	[dreg:$0x2] =	wrdreg s24  }
0xaf: {  	[dreg:$0x3] =	wrdreg $0x90000  }
0xb0: {  	[dreg:$0x4] =	wrdreg $0x9  }
0xb1: {  	_ =	task.clear_ibuf [dreg:s6], $0x5FFFF;
	_ =	strace $0x90000049  }
0xb2: {  	s29 =	simm.s32 $0x9;
	_ =	strace $0x8000004B  }
0xb3: {  	_ =	swait.ge [sflag:s29], $0x1  }
0xb4: {  	[sflag:s29] =	ssyncadd.s32 $0xFFFFFFFF  }
0xb5: {  	_ =	strace $0x9000004B  }
0xb6: {  	_ =	sfence  }
0xb7: {  	s30 =	sld [smem:$0x0];
	_ =	sdelay $0x2  }
0xb8: {  	s31 =	sshll.u32 s1, $0xD;
	s1 =	sshrl.u32 s1, $0x2  }
0xb9: {  	s3 =	sand.u32 $0x4000, s31;
	s1 =	sadd.s32 s1, s30  }
0xba: {  	s0 =	sor.u32 s3, s0;
	s1 =	sshll.u32 s1, $0x11  }
0xbb: {  	s0 =	sor.u32 s1, s0  }
0xbc: {  	s0 =	sadd.s32 $0x8F2B, s0  }
0xbd: {  	[sflag:s0] =	ssyncadd.remote.s32 $0x1  }
0xbe: {  	_ =	sfence.sel $0xFFFF  }
0xbf: {  	[dreg:$0x0] =	wrdreg $0xFFFFFFFF;
	(pc) =	sbr.abs _section_cstart, $3  }
0xc0: {  	[dreg:$0x1] =	wrdreg $0xFFFFFFFF  }
0xc1: {  	_ =	task.clear_ibuf [dreg:s6], $0x2FFFF;
	_ =	strace $0x9FFFFFFF  }
0xc2: {  	(tm) =	ssettm $0x7FFFFFFF  }
0xc3: {  	_ =	shalt  }
tec
execute0_lowered:
.L_overlay_start_1:
0x0: {  	(tag) =	ssettag $0x1  }
0x1: {  	s8 =	rddreg [dreg:$0x0]  }
0x2: {  	s0 =	srdreg.scid;
	s2 =	rddreg [dreg:$0x1];
	s3 =	simm.s32 $0x0  }
0x3: {  	s18 =	simm.s32 $0x5000;
	s7 =	sand.u32 $0x1, s0;
	s0 =	stileid.u32  }
0x4: {  	s19 =	simm.s32 $0x1;
	s20 =	simm.s32 $0x0;
	s6 =	smul.u32 $0x500, s0  }
0x5: {  	[smem:$0x7FF] =	sst s3;
	s4 =	sadd.s32 $0x15E00, s8;
	s10 =	smul.u32 $0x2700, s0  }
0x6: {  	s14 =	sadd.s32 $0x8B200, s8;
	s16 =	sadd.s32 $0x138000, s2;
	s9 =	smul.u32 $0x4E000, s0  }
0x7: {  	s1 =	sshll.u32 s7, $0x4;
	s26 =	ssub.s32 $0x2, s7;
	s30 =	smul.u32 $0x138800, s7  }
0x8: {  	s29 =	sshll.u32 s0, $0x6;
	s17 =	smul.u32 $0x27100, s7;
	s7 =	sadd.s32 $0x8B000, s8  }
0x9: {  	p0 =	sne.s32 s0, $0xF;
	s1 =	sor.u32 s0, s1;
	s13 =	sshrl.u32 s26, $0x1  }
0xa: {  	s5 =	smul.u32 $0x500, s1;
	s1 =	rddreg [dreg:$0x2];
	_ =	strace $0x8000004A  }
0xb: {  	s12 =	sadd.s32 s6, s8;
	s28 =	sadd.s32 s10, s8;
	s9 =	sshrl.u32 s9, $0x2  }
0xc: {  	s13 =	ssub.s32 s26, s13;
	s6 =	sor.u32 $0x1C02, s29;
	s31 =	sshrl.u32 s30, $0x3  }
0xd: {  	s10 =	sadd.s32 s10, s17;
	s17 =	simm.s32 $0x7D;
	s15 =	sadd.s32 s9, s2  }
0xe: {  	s9 =	sadd.s32 $0x10E00, s12;
	s10 =	sadd.s32 s14, s10;
	s12 =	smax.u32 s13, $0x1  }
0xf: {  	s11 =	sadd.s32 s5, s8;
	s5 =	sadd.s32 $0x64000, s28;
	s13 =	sshrl.u32 s15, $0x3  }
0x10: {  	s15 =	sshrl.u32 @!p0 s16, $0x3;
	s8 =	sadd.s32 $0x6E00, s11;
	s11 =	sadd.s32 s14, s31  }
0x11: {  	s16 =	simm.s32 $0x2800;
	s14 =	simm.s32 $0x2;
	s11 =	sadd.s32 $0x27000, s11  }
.LBB2_1:
0x12: {  	[spmem:s13], [sflag:s6] =	dma.local [hbm:s5], $0x2700  }
0x13: {  	_ =	swait.ge [sflag:s14], $0x2700  }
0x14: {  	[sflag:s14] =	ssyncset.done $0x0  }
0x15: {  	s21 =	simm.s32 @!p0 $0x2;
	[sflag:s14] =	ssyncadd.s32 $0xFFFFD900  }
0x16: {  	[spmem:s15], [sflag:s6] =	dma.local @!p0 [hbm:s7], $0x100  }
0x17: {  	_ =	swait.ge @!p0 [sflag:s21], $0x100  }
0x18: {  	[sflag:s21] =	ssyncset.done @!p0 $0x0  }
0x19: {  	[sflag:s21] =	ssyncadd.s32 @!p0 $0xFFFFFF00  }
0x1a: {  	[tilespmem:s3], [sflag:$0x2] =	stream.linear.gather [hbm4b:s8+s3], $0x2800, $0x38;
	[tilespmem:$0x1C880] =	vst v63  }
0x1b: {  	_ =	swait.ge [sflag:s14], $0x2800  }
0x1c: {  	[sflag:s14] =	ssyncset.done $0x0  }
0x1d: {  	[sflag:s14] =	ssyncadd.s32 $0xFFFFD800  }
0x1e: {  	[tilespmem:s16], [sflag:$0x2] =	stream.linear.gather [hbm4b:s9+s3], $0x2800, $0x38;
	[tilespmem:$0x1C880] =	vst v63  }
0x1f: {  	_ =	swait.ge [sflag:s14], $0x2800  }
0x20: {  	[sflag:s14] =	ssyncset.done $0x0  }
0x21: {  	[sflag:s14] =	ssyncadd.s32 $0xFFFFD800  }
0x22: {  	s30 =	simm.s32 $0x0;
	[bflag:$0x0] =	sbarrier.arrive $0xFFFF  }
0x23: {  	[tilespmem:s18], [sflag:$0x1] =	stream.indirect.gather [hbm4b:s4+s17], $0x80, s30, s17, $0xb8;
	[tilespmem:$0x1C880] =	vst v63  }
0x24: {  	_ =	swait.ge [sflag:s19], $0x3E80  }
0x25: {  	[sflag:s19] =	ssyncset.done $0x0  }
0x26: {  	s31 =	simm.s32 $0x2800;
	[sflag:s19] =	ssyncadd.s32 $0xFFFFC180  }
0x27: {  	[spmem:s2] =	stream.indirect.scatter.add.f32 [tilespmem:s18], [sflag:$0x2], $0x80, s31, s17, $0xb8;
	[tilespmem:$0x1C880] =	vst v63  }
0x28: {  	_ =	swait.ge [sflag:s14], $0x3E80  }
0x29: {  	s22 =	simm.s32 $0x400;
	s21 =	simm.s32 $0x200;
	[sflag:s14] =	ssyncset.done $0x0  }
.LBB2_2:
0x2a: {  	s23 =	sshra.s32 s21, $0x2  }
0x2b: {  	[sflag:s14] =	ssyncadd.s32 $0xFFFFC180;
	s21 =	smov.u32 s22;
	s24 =	sadd.s32 $0x200, s22  }
0x2c: {  	[tilespmem:s18], [sflag:$0x1] =	stream.indirect.gather [hbm4b:s4+s17], $0x80, s23, s17, $0xb8;
	[tilespmem:$0x1C880] =	vst v63  }
0x2d: {  	p1 =	sne.s32 s22, $0x9E00;
	_ =	swait.ge [sflag:s19], $0x3E80  }
.Ltmp0:
0x2e: {  	[sflag:s19] =	ssyncset.done $0x0;
	(pc) =	sbr.rel @p1 .LBB2_2-.Ltmp0, $4  }
0x2f: {  	s22 =	sadd.s32 $0x2800, s23;
	[sflag:s19] =	ssyncadd.s32 $0xFFFFC180  }
0x30: {  	[spmem:s2] =	stream.indirect.scatter.add.f32 [tilespmem:s18], [sflag:$0x2], $0x80, s22, s17, $0xb8;
	[tilespmem:$0x1C880] =	vst v63  }
0x31: {  	_ =	swait.ge [sflag:s14], $0x3E80  }
0x32: {  	s22 =	smov.u32 s24;
	[sflag:s14] =	ssyncset.done $0x0  }
0x33: {  	s21 =	sshra.s32 s21, $0x2;
	[sflag:s14] =	ssyncadd.s32 $0xFFFFC180  }
0x34: {  	[tilespmem:s18], [sflag:$0x1] =	stream.indirect.gather [hbm4b:s4+s17], $0x80, s21, s17, $0xb8;
	[tilespmem:$0x1C880] =	vst v63  }
0x35: {  	_ =	swait.ge [sflag:s19], $0x3E80  }
0x36: {  	[sflag:s19] =	ssyncset.done $0x0  }
0x37: {  	s21 =	sadd.s32 $0x2800, s21;
	[sflag:s19] =	ssyncadd.s32 $0xFFFFC180  }
0x38: {  	[spmem:s2] =	stream.indirect.scatter.add.f32 [tilespmem:s18], [sflag:$0x2], $0x80, s21, s17, $0xb8;
	[tilespmem:$0x1C880] =	vst v63  }
0x39: {  	_ =	swait.ge [sflag:s14], $0x3E80  }
0x3a: {  	[sflag:s14] =	ssyncset.done $0x0  }
0x3b: {  	[sflag:s14] =	ssyncadd.s32 $0xFFFFC180  }
0x3c: {  	[bflag:$0x0] =	sbarrier.arrive $0xFFFF  }
0x3d: {  	[hbm:s10], [sflag:s6] =	dma.local [spmem:s13], $0x2700  }
0x3e: {  	s20 =	sadd.s32 $0x1, s20;
	_ =	swait.ge [sflag:s14], $0x2700  }
0x3f: {  	p1 =	sne.s32 s20, s12;
	[sflag:s14] =	ssyncset.done $0x0  }
.Ltmp1:
0x40: {  	s21 =	simm.s32 @!p0 $0x2;
	[sflag:s14] =	ssyncadd.s32 $0xFFFFD900;
	(pc) =	sbr.rel @p1 .LBB2_1-.Ltmp1, $4  }
0x41: {  	[hbm:s11], [sflag:s6] =	dma.local @!p0 [spmem:s15], $0x100  }
0x42: {  	_ =	swait.ge @!p0 [sflag:s21], $0x100  }
0x43: {  	[sflag:s21] =	ssyncset.done @!p0 $0x0  }
0x44: {  	[sflag:s21] =	ssyncadd.s32 @!p0 $0xFFFFFF00  }
0x45: {  	_ =	sfence.sel $0x180000  }
0x46: {  	[bflag:$0x0] =	sbarrier.arrive $0xFFFF  }
0x47: {  	p0 =	sne.s32 s0, $0x0;
	_ =	strace $0x9000004A  }
0x48: {  	s0 =	sadd.s32 @!p0 $0x100000, s1;
	[bflag:$0x2] =	sbarrier.arrive $0xFFFF  }
0x49: {  	[sflag:s0] =	ssyncadd.tile.s32 @!p0 $0x1;
	_ =	shalt  }
.Lfunc_end2:
_tile_overlayer_lowered:
.L_overlay_start_2:
0x4a: {  	(tag) =	ssettag $0x2  }
0x4b: {  	s0 =	rddreg [dreg:$0x0];
	s2 =	stileid.u32  }
0x4c: {  	s1 =	rddreg [dreg:$0x1];
	p0 =	sne.s32 s2, $0x0  }
0x4d: {  	s3 =	rddreg [dreg:$0x2];
	[bflag:$0x3] =	sbarrier.arrive $0xFFFF;
	s2 =	simm.s32 @!p0 $0x1C02  }
0x4e: {  	[timem:s3], [sflag:s2] =	dma.local @!p0 [hbm:s0], s1  }
0x4f: {  	s0 =	simm.s32 @!p0 $0x2  }
0x50: {  	_ =	swait.ge @!p0 [sflag:s0], s1  }
0x51: {  	s1 =	ssub.s32 @!p0 $0x0, s1;
	[sflag:s0] =	ssyncset.done @!p0 $0x0  }
0x52: {  	[sflag:s0] =	ssyncadd.s32 @!p0 s1  }
0x53: {  	[bflag:$0x3] =	sbarrier.arrive $0xFFFF  }
0x54: {  	_ =	shalt  }

// kernel: kernel.17.cloned.1.call-start
scs
__scs_entry_jumppad:
0x0: {  	(pc) =	sbr.rel $0x88, $3  }
0x1: {  	(tag) =	ssettag $0x0;
	lr =	simm.s32 $0x1  }
0x2: {  	[smem:$0x3F7A] =	sst lr;
	_ =	strace $0xD0000000  }
0x3: {  	_ = 	snop  }
0x4: {  	_ = 	snop  }
0x5: {  	_ = 	snop  }
0x6: {  	_ = 	snop  }
0x7: {  	_ = 	snop  }
__scs_overlays_trampoline_lowered:
0x8: {  	[smem:$0x3F89] =	sst s0  }
0x9: {  	[smem:$0x3F8A] =	sst s1  }
0xa: {  	[smem:$0x3F8B] =	sst s2  }
0xb: {  	[smem:$0x3F8C] =	sst s3  }
0xc: {  	[smem:$0x3F8D] =	sst s4  }
0xd: {  	[smem:$0x3F8E] =	sst s5  }
0xe: {  	[smem:$0x3F8F] =	sst s6  }
0xf: {  	[smem:$0x3F90] =	sst s7  }
0x10: {  	[smem:$0x3F91] =	sst s8  }
0x11: {  	[smem:$0x3F92] =	sst s9;
	s0 =	simm.s32 @!p0 $0x0  }
0x12: {  	s1 =	sld [smem:$0x3F78];
	s0 =	simm.s32 @p0 $0x1  }
0x13: {  	[smem:$0x3F93] =	sst s0;
	s0 =	simm.s32 @!p1 $0x0  }
0x14: {  	s2 =	sld [smem:$0x3F77];
	s0 =	simm.s32 @p1 $0x1  }
0x15: {  	[smem:$0x3F94] =	sst s0;
	s0 =	simm.s32 @!p2 $0x0  }
0x16: {  	s3 =	sld [smem:$0x3FDB];
	s0 =	simm.s32 @p2 $0x1  }
0x17: {  	s4 =	simm.s32 $0x1BF5;
	[smem:$0x3F96] =	sst s0  }
0x18: {  	s0 =	sld [smem:$0x3F79];
	_ =	swait.ge [sflag:s4], $0x0  }
0x19: {  	s7 =	sld [smem:$0x3F7A]  }
0x1a: {  	s8 =	sadd.s32 $0xFFFFE003, lr  }
0x1b: {  	s9 =	sadd.s32 $0xFFFFFEF7, lr;
	s5 =	simm.s32 $0xFFFFFFFF;
	p2 =	slt.u32 s8, $0xFFFFF086  }
0x1c: {  	p1 =	slt.u32 s9, $0xF7A;
	s5 =	simm.s32 @!p2 $0x0  }
0x1d: {  	s5 =	simm.s32 @p1 $0x1;
	p0 =	seq.s32 s7, s2  }
0x1e: {  	s7 =	smul.u32 @!p0 $0xF7A, s2;
	p2 =	seq.s32 @!p0 s5, $0x0  }
0x1f: {  	s9 =	smul.u32 $0xF7A, s1;
	s8 =	simm.s32 @!p0 $0x1BF5;
	p2 =	por !p2, p0  }
0x20: {  	[sflag:s8] =	ssyncset.s32 @!p0 $0xFFFFF086;
	s6 =	sadd.s32 @!p0 s3, s7;
	s7 =	simm.s32 @!p0 $0x108  }
0x21: {  	s3 =	sadd.s32 s3, s9;
	s6 =	sadd.s32 @!p0 $0x88, s6;
	s7 =	simm.s32 @p2 $0x1082  }
0x22: {  	[simem:s7], [sflag:s8] =	dma.local @!p0 [hbm:s6], $0xF7A  }
0x23: {  	s9 =	sor.u32 $0xD0000000, s2;
	s6 =	simm.s32 $0x108;
	_ =	swait.ge @!p0 [sflag:s8], $0x0  }
0x24: {  	s3 =	sadd.s32 $0x88, s3;
	s6 =	simm.s32 @!p1 $0x1082;
	[sflag:s4] =	ssyncset.s32 $0xFFFFF086  }
0x25: {  	[simem:s6], [sflag:s4] =	dma.local [hbm:s3], $0xF7A  }
0x26: {  	[smem:$0x3F7A] =	sst s1;
	(tag) =	ssettag s2;
	_ =	strace s9  }
0x27: {  	s1 =	sld [smem:$0x3F8A]  }
0x28: {  	s2 =	sld [smem:$0x3F8B]  }
0x29: {  	s4 =	sld [smem:$0x3F8D]  }
0x2a: {  	p0 =	seq.s32 s5, $0x0;
	s5 =	sld [smem:$0x3F8E]  }
0x2b: {  	s6 =	sld [smem:$0x3F8F]  }
0x2c: {  	s7 =	sld [smem:$0x3F90]  }
0x2d: {  	s3 =	simm.s32 $0x108;
	s8 =	sld [smem:$0x3F91]  }
0x2e: {  	s3 =	simm.s32 @!p0 $0x1082;
	s9 =	sld [smem:$0x3F92]  }
0x2f: {  	lr =	sadd.s32 s0, s3;
	s0 =	sld [smem:$0x3F89]  }
0x30: {  	s3 =	sld [smem:$0x3F8C]  }
0x31: {  	[smem:$0x3F95] =	sst s10  }
0x32: {  	s10 =	sld [smem:$0x3F93];
	_ =	sdelay $0x3  }
0x33: {  	p0 =	seq.s32 s10, $0x1;
	s10 =	sld [smem:$0x3F95];
	_ =	sdelay $0x3  }
0x34: {  	[smem:$0x3F95] =	sst s10  }
0x35: {  	s10 =	sld [smem:$0x3F94];
	_ =	sdelay $0x3  }
0x36: {  	p1 =	seq.s32 s10, $0x1;
	s10 =	sld [smem:$0x3F95];
	_ =	sdelay $0x3  }
0x37: {  	[smem:$0x3F95] =	sst s10  }
0x38: {  	s10 =	sld [smem:$0x3F96]  }
0x39: {  	_ = 	snop;
	(pc) =	sbr.ind lr, $3  }
0x3a: {  	_ = 	snop  }
0x3b: {  	_ = 	snop  }
0x3c: {  	p2 =	seq.s32 s10, $0x1;
	s10 =	sld [smem:$0x3F95]  }
0x3d: {  	_ =	shalt  }
0x3e: {  	_ =	shalt  }
0x3f: {  	_ =	shalt  }
0x40: {  	_ =	shalt  }
0x41: {  	_ =	shalt  }
0x42: {  	_ =	shalt  }
0x43: {  	_ =	shalt  }
0x44: {  	_ =	shalt  }
0x45: {  	_ =	shalt  }
0x46: {  	_ =	shalt  }
0x47: {  	_ =	shalt  }
0x48: {  	_ =	shalt  }
0x49: {  	_ =	shalt  }
0x4a: {  	_ =	shalt  }
0x4b: {  	_ =	shalt  }
0x4c: {  	_ =	shalt  }
0x4d: {  	_ =	shalt  }
0x4e: {  	_ =	shalt  }
0x4f: {  	_ =	shalt  }
0x50: {  	_ =	shalt  }
0x51: {  	_ =	shalt  }
0x52: {  	_ =	shalt  }
0x53: {  	_ =	shalt  }
0x54: {  	_ =	shalt  }
0x55: {  	_ =	shalt  }
0x56: {  	_ =	shalt  }
0x57: {  	_ =	shalt  }
0x58: {  	_ =	shalt  }
0x59: {  	_ =	shalt  }
0x5a: {  	_ =	shalt  }
0x5b: {  	_ =	shalt  }
0x5c: {  	_ =	shalt  }
0x5d: {  	_ =	shalt  }
0x5e: {  	_ =	shalt  }
0x5f: {  	_ =	shalt  }
0x60: {  	_ =	shalt  }
0x61: {  	_ =	shalt  }
0x62: {  	_ =	shalt  }
0x63: {  	_ =	shalt  }
0x64: {  	_ =	shalt  }
0x65: {  	_ =	shalt  }
0x66: {  	_ =	shalt  }
0x67: {  	_ =	shalt  }
0x68: {  	_ =	shalt  }
0x69: {  	_ =	shalt  }
0x6a: {  	_ =	shalt  }
0x6b: {  	_ =	shalt  }
0x6c: {  	_ =	shalt  }
0x6d: {  	_ =	shalt  }
0x6e: {  	_ =	shalt  }
0x6f: {  	_ =	shalt  }
0x70: {  	_ =	shalt  }
0x71: {  	_ =	shalt  }
0x72: {  	_ =	shalt  }
0x73: {  	_ =	shalt  }
0x74: {  	_ =	shalt  }
0x75: {  	_ =	shalt  }
0x76: {  	_ =	shalt  }
0x77: {  	_ =	shalt  }
0x78: {  	_ =	shalt  }
0x79: {  	_ =	shalt  }
0x7a: {  	_ =	shalt  }
0x7b: {  	_ =	shalt  }
0x7c: {  	_ =	shalt  }
0x7d: {  	_ =	shalt  }
0x7e: {  	_ =	shalt  }
0x7f: {  	_ =	shalt  }
0x80: {  	_ =	shalt  }
0x81: {  	_ =	shalt  }
0x82: {  	_ =	shalt  }
0x83: {  	_ =	shalt  }
0x84: {  	_ =	shalt  }
0x85: {  	_ =	shalt  }
0x86: {  	_ =	shalt  }
0x87: {  	_ =	shalt  }
.Lfunc_end0:
.L_simem_size_0:
called_computation.2_lowered:
.L_overlay_start_0:
0x88: {  	s2 =	sld [smem:$0x3FD9]  }
0x89: {  	s3 =	sld [smem:$0x3FFE];
	_ =	sdelay $0x1  }
0x8a: {  	s1 =	srdreg.scid  }
0x8b: {  	s0 =	sand.u32 $0x1, s1  }
0x8c: {  	s16 =	sshll.u32 s0, $0xA;
	s2 =	sadd.s32 s3, s2  }
0x8d: {  	s2 =	sadd.s32 s2, s16  }
0x8e: {  	[smem:$0x3FA1] =	sst s2  }
0x8f: {  	_ = 	snop  }
0x90: {  	(tm) =	ssettm $0x1  }
0x91: {  	s17 =	sld [smem:$0x3FFB];
	_ =	sdelay $0x3  }
0x92: {  	_ =	strace s17  }
0x93: {  	s2 =	sld [smem:$0x3FFC];
	_ =	sdelay $0x3  }
0x94: {  	_ =	strace s2  }
0x95: {  	s2 =	sld [smem:$0x3FFD];
	_ =	sdelay $0x3  }
0x96: {  	_ =	strace s2  }
0x97: {  	_ =	strace $0x8FFFFFFF  }
0x98: {  	s18 =	sld [smem:$0x3FDB];
	_ =	sdelay $0x1  }
0x99: {  	s19 =	simm.s32 $_scs_section_size  }
0x9a: {  	s4 =	simm.s32 $_size__tile_overlayer_lowered;
	s5 =	simm.s32 $_tile_overlayer_lowered  }
0x9b: {  	s22 =	simm.s32 $0x1BFF;
	s21 =	sshll.u32 s5, $0x1;
	s2 =	sadd.s32 s19, s18  }
0x9c: {  	s6 =	simm.s32 $0x0;
	s20 =	sshll.u32 s4, $0x1;
	s4 =	sadd.s32 s21, s2  }
0x9d: {  	[timem:s6], [sflag:s22] =	dma.local [hbm:s4], s20  }
0x9e: {  	_ =	swait.ge [sflag:s22], s20  }
0x9f: {  	s3 =	ssub.s32 $0x0, s20;
	[sflag:s22] =	ssyncset.done $0x0  }
0xa0: {  	[sflag:s22] =	ssyncadd.s32 s3;
	_ =	sdelay $0x1  }
0xa1: {  	s23 =	simm.s32 $0x1B8B  }
0xa2: {  	_ =	swait.ge [sflag:s23], $0x1  }
0xa3: {  	[sflag:s23] =	ssyncset.done $0x0  }
0xa4: {  	s25 =	simm.s32 $0x1B8E;
	s24 =	sld [smem:$0x3FFE];
	[sflag:s23] =	ssyncadd.s32 $0xFFFFFFFF  }
0xa5: {  	s26 =	simm.s32 $execute0_lowered;
	[smem:$0x3FD2] =	sst s25  }
0xa6: {  	s4 =	sshll.u32 s26, $0x1;
	_ =	strace $0x8000004C;
	[dreg:$0x1] =	wrdreg $0xFFFFFFFF  }
0xa7: {  	s28 =	simm.s32 $_size_execute0_lowered;
	s2 =	sadd.s32 s2, s4;
	[dreg:$0x0] =	wrdreg $0x0  }
0xa8: {  	s4 =	sshll.u32 s28, $0x1;
	[dreg:$0x2] =	wrdreg s2  }
0xa9: {  	[dreg:$0x3] =	wrdreg s4  }
0xaa: {  	[dreg:$0x4] =	wrdreg $0xC0  }
0xab: {  	_ =	task [dreg:s6], $0x5FFFF  }
0xac: {  	[dreg:$0x1] =	wrdreg $0xFFFFFFFF  }
0xad: {  	[dreg:$0x0] =	wrdreg $0x60  }
0xae: {  	[dreg:$0x2] =	wrdreg s24  }
0xaf: {  	[dreg:$0x3] =	wrdreg $0x90000  }
0xb0: {  	[dreg:$0x4] =	wrdreg $0x9  }
0xb1: {  	_ =	task.clear_ibuf [dreg:s6], $0x5FFFF;
	_ =	strace $0x9000004C  }
0xb2: {  	s29 =	simm.s32 $0x9;
	_ =	strace $0x8000004E  }
0xb3: {  	_ =	swait.ge [sflag:s29], $0x1  }
0xb4: {  	[sflag:s29] =	ssyncadd.s32 $0xFFFFFFFF  }
0xb5: {  	_ =	strace $0x9000004E  }
0xb6: {  	_ =	sfence  }
0xb7: {  	s30 =	sld [smem:$0x0];
	_ =	sdelay $0x2  }
0xb8: {  	s31 =	sshll.u32 s1, $0xD;
	s1 =	sshrl.u32 s1, $0x2  }
0xb9: {  	s3 =	sand.u32 $0x4000, s31;
	s1 =	sadd.s32 s1, s30  }
0xba: {  	s0 =	sor.u32 s3, s0;
	s1 =	sshll.u32 s1, $0x11  }
0xbb: {  	s0 =	sor.u32 s1, s0  }
0xbc: {  	s0 =	sadd.s32 $0x8F2B, s0  }
0xbd: {  	[sflag:s0] =	ssyncadd.remote.s32 $0x1  }
0xbe: {  	_ =	sfence.sel $0xFFFF  }
0xbf: {  	[dreg:$0x0] =	wrdreg $0xFFFFFFFF;
	(pc) =	sbr.abs _section_cstart, $3  }
0xc0: {  	[dreg:$0x1] =	wrdreg $0xFFFFFFFF  }
0xc1: {  	_ =	task.clear_ibuf [dreg:s6], $0x2FFFF;
	_ =	strace $0x9FFFFFFF  }
0xc2: {  	(tm) =	ssettm $0x7FFFFFFF  }
0xc3: {  	_ =	shalt  }
tec
execute0_lowered:
.L_overlay_start_1:
0x0: {  	(tag) =	ssettag $0x1  }
0x1: {  	s8 =	rddreg [dreg:$0x0]  }
0x2: {  	s0 =	srdreg.scid;
	s2 =	rddreg [dreg:$0x1];
	s3 =	simm.s32 $0x0  }
0x3: {  	s18 =	simm.s32 $0x5000;
	s7 =	sand.u32 $0x1, s0;
	s0 =	stileid.u32  }
0x4: {  	s19 =	simm.s32 $0x1;
	s20 =	simm.s32 $0x0;
	s6 =	smul.u32 $0x500, s0  }
0x5: {  	[smem:$0x7FF] =	sst s3;
	s4 =	sadd.s32 $0x15E00, s8;
	s10 =	smul.u32 $0x2700, s0  }
0x6: {  	s14 =	sadd.s32 $0x8B200, s8;
	s16 =	sadd.s32 $0x138000, s2;
	s9 =	smul.u32 $0x4E000, s0  }
0x7: {  	s1 =	sshll.u32 s7, $0x4;
	s26 =	ssub.s32 $0x2, s7;
	s30 =	smul.u32 $0x138800, s7  }
0x8: {  	s29 =	sshll.u32 s0, $0x6;
	s17 =	smul.u32 $0x27100, s7;
	s7 =	sadd.s32 $0x8B000, s8  }
0x9: {  	p0 =	sne.s32 s0, $0xF;
	s1 =	sor.u32 s0, s1;
	s13 =	sshrl.u32 s26, $0x1  }
0xa: {  	s5 =	smul.u32 $0x500, s1;
	s1 =	rddreg [dreg:$0x2];
	_ =	strace $0x8000004D  }
0xb: {  	s12 =	sadd.s32 s6, s8;
	s28 =	sadd.s32 s10, s8;
	s9 =	sshrl.u32 s9, $0x2  }
0xc: {  	s13 =	ssub.s32 s26, s13;
	s6 =	sor.u32 $0x1C02, s29;
	s31 =	sshrl.u32 s30, $0x3  }
0xd: {  	s10 =	sadd.s32 s10, s17;
	s17 =	simm.s32 $0x7D;
	s15 =	sadd.s32 s9, s2  }
0xe: {  	s9 =	sadd.s32 $0x10E00, s12;
	s10 =	sadd.s32 s14, s10;
	s12 =	smax.u32 s13, $0x1  }
0xf: {  	s11 =	sadd.s32 s5, s8;
	s5 =	sadd.s32 $0x64000, s28;
	s13 =	sshrl.u32 s15, $0x3  }
0x10: {  	s15 =	sshrl.u32 @!p0 s16, $0x3;
	s8 =	sadd.s32 $0x6E00, s11;
	s11 =	sadd.s32 s14, s31  }
0x11: {  	s16 =	simm.s32 $0x2800;
	s14 =	simm.s32 $0x2;
	s11 =	sadd.s32 $0x27000, s11  }
.LBB2_1:
0x12: {  	[spmem:s13], [sflag:s6] =	dma.local [hbm:s5], $0x2700  }
0x13: {  	_ =	swait.ge [sflag:s14], $0x2700  }
0x14: {  	[sflag:s14] =	ssyncset.done $0x0  }
0x15: {  	s21 =	simm.s32 @!p0 $0x2;
	[sflag:s14] =	ssyncadd.s32 $0xFFFFD900  }
0x16: {  	[spmem:s15], [sflag:s6] =	dma.local @!p0 [hbm:s7], $0x100  }
0x17: {  	_ =	swait.ge @!p0 [sflag:s21], $0x100  }
0x18: {  	[sflag:s21] =	ssyncset.done @!p0 $0x0  }
0x19: {  	[sflag:s21] =	ssyncadd.s32 @!p0 $0xFFFFFF00  }
0x1a: {  	[tilespmem:s3], [sflag:$0x2] =	stream.linear.gather [hbm4b:s8+s3], $0x2800, $0x38;
	[tilespmem:$0x1C880] =	vst v63  }
0x1b: {  	_ =	swait.ge [sflag:s14], $0x2800  }
0x1c: {  	[sflag:s14] =	ssyncset.done $0x0  }
0x1d: {  	[sflag:s14] =	ssyncadd.s32 $0xFFFFD800  }
0x1e: {  	[tilespmem:s16], [sflag:$0x2] =	stream.linear.gather [hbm4b:s9+s3], $0x2800, $0x38;
	[tilespmem:$0x1C880] =	vst v63  }
0x1f: {  	_ =	swait.ge [sflag:s14], $0x2800  }
0x20: {  	[sflag:s14] =	ssyncset.done $0x0  }
0x21: {  	[sflag:s14] =	ssyncadd.s32 $0xFFFFD800  }
0x22: {  	s30 =	simm.s32 $0x0;
	[bflag:$0x0] =	sbarrier.arrive $0xFFFF  }
0x23: {  	[tilespmem:s18], [sflag:$0x1] =	stream.indirect.gather [hbm4b:s4+s17], $0x80, s30, s17, $0xb8;
	[tilespmem:$0x1C880] =	vst v63  }
0x24: {  	_ =	swait.ge [sflag:s19], $0x3E80  }
0x25: {  	[sflag:s19] =	ssyncset.done $0x0  }
0x26: {  	s31 =	simm.s32 $0x2800;
	[sflag:s19] =	ssyncadd.s32 $0xFFFFC180  }
0x27: {  	[spmem:s2] =	stream.indirect.scatter.add.f32 [tilespmem:s18], [sflag:$0x2], $0x80, s31, s17, $0xb8;
	[tilespmem:$0x1C880] =	vst v63  }
0x28: {  	_ =	swait.ge [sflag:s14], $0x3E80  }
0x29: {  	s22 =	simm.s32 $0x400;
	s21 =	simm.s32 $0x200;
	[sflag:s14] =	ssyncset.done $0x0  }
.LBB2_2:
0x2a: {  	s23 =	sshra.s32 s21, $0x2  }
0x2b: {  	[sflag:s14] =	ssyncadd.s32 $0xFFFFC180;
	s21 =	smov.u32 s22;
	s24 =	sadd.s32 $0x200, s22  }
0x2c: {  	[tilespmem:s18], [sflag:$0x1] =	stream.indirect.gather [hbm4b:s4+s17], $0x80, s23, s17, $0xb8;
	[tilespmem:$0x1C880] =	vst v63  }
0x2d: {  	p1 =	sne.s32 s22, $0x9E00;
	_ =	swait.ge [sflag:s19], $0x3E80  }
.Ltmp0:
0x2e: {  	[sflag:s19] =	ssyncset.done $0x0;
	(pc) =	sbr.rel @p1 .LBB2_2-.Ltmp0, $4  }
0x2f: {  	s22 =	sadd.s32 $0x2800, s23;
	[sflag:s19] =	ssyncadd.s32 $0xFFFFC180  }
0x30: {  	[spmem:s2] =	stream.indirect.scatter.add.f32 [tilespmem:s18], [sflag:$0x2], $0x80, s22, s17, $0xb8;
	[tilespmem:$0x1C880] =	vst v63  }
0x31: {  	_ =	swait.ge [sflag:s14], $0x3E80  }
0x32: {  	s22 =	smov.u32 s24;
	[sflag:s14] =	ssyncset.done $0x0  }
0x33: {  	s21 =	sshra.s32 s21, $0x2;
	[sflag:s14] =	ssyncadd.s32 $0xFFFFC180  }
0x34: {  	[tilespmem:s18], [sflag:$0x1] =	stream.indirect.gather [hbm4b:s4+s17], $0x80, s21, s17, $0xb8;
	[tilespmem:$0x1C880] =	vst v63  }
0x35: {  	_ =	swait.ge [sflag:s19], $0x3E80  }
0x36: {  	[sflag:s19] =	ssyncset.done $0x0  }
0x37: {  	s21 =	sadd.s32 $0x2800, s21;
	[sflag:s19] =	ssyncadd.s32 $0xFFFFC180  }
0x38: {  	[spmem:s2] =	stream.indirect.scatter.add.f32 [tilespmem:s18], [sflag:$0x2], $0x80, s21, s17, $0xb8;
	[tilespmem:$0x1C880] =	vst v63  }
0x39: {  	_ =	swait.ge [sflag:s14], $0x3E80  }
0x3a: {  	[sflag:s14] =	ssyncset.done $0x0  }
0x3b: {  	[sflag:s14] =	ssyncadd.s32 $0xFFFFC180  }
0x3c: {  	[bflag:$0x0] =	sbarrier.arrive $0xFFFF  }
0x3d: {  	[hbm:s10], [sflag:s6] =	dma.local [spmem:s13], $0x2700  }
0x3e: {  	s20 =	sadd.s32 $0x1, s20;
	_ =	swait.ge [sflag:s14], $0x2700  }
0x3f: {  	p1 =	sne.s32 s20, s12;
	[sflag:s14] =	ssyncset.done $0x0  }
.Ltmp1:
0x40: {  	s21 =	simm.s32 @!p0 $0x2;
	[sflag:s14] =	ssyncadd.s32 $0xFFFFD900;
	(pc) =	sbr.rel @p1 .LBB2_1-.Ltmp1, $4  }
0x41: {  	[hbm:s11], [sflag:s6] =	dma.local @!p0 [spmem:s15], $0x100  }
0x42: {  	_ =	swait.ge @!p0 [sflag:s21], $0x100  }
0x43: {  	[sflag:s21] =	ssyncset.done @!p0 $0x0  }
0x44: {  	[sflag:s21] =	ssyncadd.s32 @!p0 $0xFFFFFF00  }
0x45: {  	_ =	sfence.sel $0x180000  }
0x46: {  	[bflag:$0x0] =	sbarrier.arrive $0xFFFF  }
0x47: {  	p0 =	sne.s32 s0, $0x0;
	_ =	strace $0x9000004D  }
0x48: {  	s0 =	sadd.s32 @!p0 $0x100000, s1;
	[bflag:$0x2] =	sbarrier.arrive $0xFFFF  }
0x49: {  	[sflag:s0] =	ssyncadd.tile.s32 @!p0 $0x1;
	_ =	shalt  }
.Lfunc_end2:
_tile_overlayer_lowered:
.L_overlay_start_2:
0x4a: {  	(tag) =	ssettag $0x2  }
0x4b: {  	s0 =	rddreg [dreg:$0x0];
	s2 =	stileid.u32  }
0x4c: {  	s1 =	rddreg [dreg:$0x1];
	p0 =	sne.s32 s2, $0x0  }
0x4d: {  	s3 =	rddreg [dreg:$0x2];
	[bflag:$0x3] =	sbarrier.arrive $0xFFFF;
	s2 =	simm.s32 @!p0 $0x1C02  }
0x4e: {  	[timem:s3], [sflag:s2] =	dma.local @!p0 [hbm:s0], s1  }
0x4f: {  	s0 =	simm.s32 @!p0 $0x2  }
0x50: {  	_ =	swait.ge @!p0 [sflag:s0], s1  }
0x51: {  	s1 =	ssub.s32 @!p0 $0x0, s1;
	[sflag:s0] =	ssyncset.done @!p0 $0x0  }
0x52: {  	[sflag:s0] =	ssyncadd.s32 @!p0 s1  }
0x53: {  	[bflag:$0x3] =	sbarrier.arrive $0xFFFF  }
0x54: {  	_ =	shalt  }

// kernel: kernel.20.cloned.1.call-start
scs
__scs_entry_jumppad:
0x0: {  	(pc) =	sbr.rel $0x88, $3  }
0x1: {  	(tag) =	ssettag $0x0;
	lr =	simm.s32 $0x1  }
0x2: {  	[smem:$0x3F7A] =	sst lr;
	_ =	strace $0xD0000000  }
0x3: {  	_ = 	snop  }
0x4: {  	_ = 	snop  }
0x5: {  	_ = 	snop  }
0x6: {  	_ = 	snop  }
0x7: {  	_ = 	snop  }
__scs_overlays_trampoline_lowered:
0x8: {  	[smem:$0x3F89] =	sst s0  }
0x9: {  	[smem:$0x3F8A] =	sst s1  }
0xa: {  	[smem:$0x3F8B] =	sst s2  }
0xb: {  	[smem:$0x3F8C] =	sst s3  }
0xc: {  	[smem:$0x3F8D] =	sst s4  }
0xd: {  	[smem:$0x3F8E] =	sst s5  }
0xe: {  	[smem:$0x3F8F] =	sst s6  }
0xf: {  	[smem:$0x3F90] =	sst s7  }
0x10: {  	[smem:$0x3F91] =	sst s8  }
0x11: {  	[smem:$0x3F92] =	sst s9;
	s0 =	simm.s32 @!p0 $0x0  }
0x12: {  	s1 =	sld [smem:$0x3F78];
	s0 =	simm.s32 @p0 $0x1  }
0x13: {  	[smem:$0x3F93] =	sst s0;
	s0 =	simm.s32 @!p1 $0x0  }
0x14: {  	s2 =	sld [smem:$0x3F77];
	s0 =	simm.s32 @p1 $0x1  }
0x15: {  	[smem:$0x3F94] =	sst s0;
	s0 =	simm.s32 @!p2 $0x0  }
0x16: {  	s3 =	sld [smem:$0x3FDB];
	s0 =	simm.s32 @p2 $0x1  }
0x17: {  	s4 =	simm.s32 $0x1BF5;
	[smem:$0x3F96] =	sst s0  }
0x18: {  	s0 =	sld [smem:$0x3F79];
	_ =	swait.ge [sflag:s4], $0x0  }
0x19: {  	s7 =	sld [smem:$0x3F7A]  }
0x1a: {  	s8 =	sadd.s32 $0xFFFFE003, lr  }
0x1b: {  	s9 =	sadd.s32 $0xFFFFFEF7, lr;
	s5 =	simm.s32 $0xFFFFFFFF;
	p2 =	slt.u32 s8, $0xFFFFF086  }
0x1c: {  	p1 =	slt.u32 s9, $0xF7A;
	s5 =	simm.s32 @!p2 $0x0  }
0x1d: {  	s5 =	simm.s32 @p1 $0x1;
	p0 =	seq.s32 s7, s2  }
0x1e: {  	s7 =	smul.u32 @!p0 $0xF7A, s2;
	p2 =	seq.s32 @!p0 s5, $0x0  }
0x1f: {  	s9 =	smul.u32 $0xF7A, s1;
	s8 =	simm.s32 @!p0 $0x1BF5;
	p2 =	por !p2, p0  }
0x20: {  	[sflag:s8] =	ssyncset.s32 @!p0 $0xFFFFF086;
	s6 =	sadd.s32 @!p0 s3, s7;
	s7 =	simm.s32 @!p0 $0x108  }
0x21: {  	s3 =	sadd.s32 s3, s9;
	s6 =	sadd.s32 @!p0 $0x88, s6;
	s7 =	simm.s32 @p2 $0x1082  }
0x22: {  	[simem:s7], [sflag:s8] =	dma.local @!p0 [hbm:s6], $0xF7A  }
0x23: {  	s9 =	sor.u32 $0xD0000000, s2;
	s6 =	simm.s32 $0x108;
	_ =	swait.ge @!p0 [sflag:s8], $0x0  }
0x24: {  	s3 =	sadd.s32 $0x88, s3;
	s6 =	simm.s32 @!p1 $0x1082;
	[sflag:s4] =	ssyncset.s32 $0xFFFFF086  }
0x25: {  	[simem:s6], [sflag:s4] =	dma.local [hbm:s3], $0xF7A  }
0x26: {  	[smem:$0x3F7A] =	sst s1;
	(tag) =	ssettag s2;
	_ =	strace s9  }
0x27: {  	s1 =	sld [smem:$0x3F8A]  }
0x28: {  	s2 =	sld [smem:$0x3F8B]  }
0x29: {  	s4 =	sld [smem:$0x3F8D]  }
0x2a: {  	p0 =	seq.s32 s5, $0x0;
	s5 =	sld [smem:$0x3F8E]  }
0x2b: {  	s6 =	sld [smem:$0x3F8F]  }
0x2c: {  	s7 =	sld [smem:$0x3F90]  }
0x2d: {  	s3 =	simm.s32 $0x108;
	s8 =	sld [smem:$0x3F91]  }
0x2e: {  	s3 =	simm.s32 @!p0 $0x1082;
	s9 =	sld [smem:$0x3F92]  }
0x2f: {  	lr =	sadd.s32 s0, s3;
	s0 =	sld [smem:$0x3F89]  }
0x30: {  	s3 =	sld [smem:$0x3F8C]  }
0x31: {  	[smem:$0x3F95] =	sst s10  }
0x32: {  	s10 =	sld [smem:$0x3F93];
	_ =	sdelay $0x3  }
0x33: {  	p0 =	seq.s32 s10, $0x1;
	s10 =	sld [smem:$0x3F95];
	_ =	sdelay $0x3  }
0x34: {  	[smem:$0x3F95] =	sst s10  }
0x35: {  	s10 =	sld [smem:$0x3F94];
	_ =	sdelay $0x3  }
0x36: {  	p1 =	seq.s32 s10, $0x1;
	s10 =	sld [smem:$0x3F95];
	_ =	sdelay $0x3  }
0x37: {  	[smem:$0x3F95] =	sst s10  }
0x38: {  	s10 =	sld [smem:$0x3F96]  }
0x39: {  	_ = 	snop;
	(pc) =	sbr.ind lr, $3  }
0x3a: {  	_ = 	snop  }
0x3b: {  	_ = 	snop  }
0x3c: {  	p2 =	seq.s32 s10, $0x1;
	s10 =	sld [smem:$0x3F95]  }
0x3d: {  	_ =	shalt  }
0x3e: {  	_ =	shalt  }
0x3f: {  	_ =	shalt  }
0x40: {  	_ =	shalt  }
0x41: {  	_ =	shalt  }
0x42: {  	_ =	shalt  }
0x43: {  	_ =	shalt  }
0x44: {  	_ =	shalt  }
0x45: {  	_ =	shalt  }
0x46: {  	_ =	shalt  }
0x47: {  	_ =	shalt  }
0x48: {  	_ =	shalt  }
0x49: {  	_ =	shalt  }
0x4a: {  	_ =	shalt  }
0x4b: {  	_ =	shalt  }
0x4c: {  	_ =	shalt  }
0x4d: {  	_ =	shalt  }
0x4e: {  	_ =	shalt  }
0x4f: {  	_ =	shalt  }
0x50: {  	_ =	shalt  }
0x51: {  	_ =	shalt  }
0x52: {  	_ =	shalt  }
0x53: {  	_ =	shalt  }
0x54: {  	_ =	shalt  }
0x55: {  	_ =	shalt  }
0x56: {  	_ =	shalt  }
0x57: {  	_ =	shalt  }
0x58: {  	_ =	shalt  }
0x59: {  	_ =	shalt  }
0x5a: {  	_ =	shalt  }
0x5b: {  	_ =	shalt  }
0x5c: {  	_ =	shalt  }
0x5d: {  	_ =	shalt  }
0x5e: {  	_ =	shalt  }
0x5f: {  	_ =	shalt  }
0x60: {  	_ =	shalt  }
0x61: {  	_ =	shalt  }
0x62: {  	_ =	shalt  }
0x63: {  	_ =	shalt  }
0x64: {  	_ =	shalt  }
0x65: {  	_ =	shalt  }
0x66: {  	_ =	shalt  }
0x67: {  	_ =	shalt  }
0x68: {  	_ =	shalt  }
0x69: {  	_ =	shalt  }
0x6a: {  	_ =	shalt  }
0x6b: {  	_ =	shalt  }
0x6c: {  	_ =	shalt  }
0x6d: {  	_ =	shalt  }
0x6e: {  	_ =	shalt  }
0x6f: {  	_ =	shalt  }
0x70: {  	_ =	shalt  }
0x71: {  	_ =	shalt  }
0x72: {  	_ =	shalt  }
0x73: {  	_ =	shalt  }
0x74: {  	_ =	shalt  }
0x75: {  	_ =	shalt  }
0x76: {  	_ =	shalt  }
0x77: {  	_ =	shalt  }
0x78: {  	_ =	shalt  }
0x79: {  	_ =	shalt  }
0x7a: {  	_ =	shalt  }
0x7b: {  	_ =	shalt  }
0x7c: {  	_ =	shalt  }
0x7d: {  	_ =	shalt  }
0x7e: {  	_ =	shalt  }
0x7f: {  	_ =	shalt  }
0x80: {  	_ =	shalt  }
0x81: {  	_ =	shalt  }
0x82: {  	_ =	shalt  }
0x83: {  	_ =	shalt  }
0x84: {  	_ =	shalt  }
0x85: {  	_ =	shalt  }
0x86: {  	_ =	shalt  }
0x87: {  	_ =	shalt  }
.Lfunc_end0:
.L_simem_size_0:
called_computation.3_lowered:
.L_overlay_start_0:
0x88: {  	s2 =	sld [smem:$0x3FD9]  }
0x89: {  	s3 =	sld [smem:$0x3FFE];
	_ =	sdelay $0x1  }
0x8a: {  	s1 =	srdreg.scid  }
0x8b: {  	s0 =	sand.u32 $0x1, s1  }
0x8c: {  	s16 =	sshll.u32 s0, $0xA;
	s2 =	sadd.s32 s3, s2  }
0x8d: {  	s2 =	sadd.s32 s2, s16  }
0x8e: {  	[smem:$0x3FA1] =	sst s2  }
0x8f: {  	_ = 	snop  }
0x90: {  	(tm) =	ssettm $0x1  }
0x91: {  	s17 =	sld [smem:$0x3FFB];
	_ =	sdelay $0x3  }
0x92: {  	_ =	strace s17  }
0x93: {  	s2 =	sld [smem:$0x3FFC];
	_ =	sdelay $0x3  }
0x94: {  	_ =	strace s2  }
0x95: {  	s2 =	sld [smem:$0x3FFD];
	_ =	sdelay $0x3  }
0x96: {  	_ =	strace s2  }
0x97: {  	_ =	strace $0x8FFFFFFF  }
0x98: {  	s18 =	sld [smem:$0x3FDB];
	_ =	sdelay $0x1  }
0x99: {  	s19 =	simm.s32 $_scs_section_size  }
0x9a: {  	s4 =	simm.s32 $_size__tile_overlayer_lowered;
	s5 =	simm.s32 $_tile_overlayer_lowered  }
0x9b: {  	s22 =	simm.s32 $0x1BFF;
	s21 =	sshll.u32 s5, $0x1;
	s2 =	sadd.s32 s19, s18  }
0x9c: {  	s6 =	simm.s32 $0x0;
	s20 =	sshll.u32 s4, $0x1;
	s4 =	sadd.s32 s21, s2  }
0x9d: {  	[timem:s6], [sflag:s22] =	dma.local [hbm:s4], s20  }
0x9e: {  	_ =	swait.ge [sflag:s22], s20  }
0x9f: {  	s3 =	ssub.s32 $0x0, s20;
	[sflag:s22] =	ssyncset.done $0x0  }
0xa0: {  	[sflag:s22] =	ssyncadd.s32 s3;
	_ =	sdelay $0x1  }
0xa1: {  	s23 =	simm.s32 $0x1B8B  }
0xa2: {  	_ =	swait.ge [sflag:s23], $0x1  }
0xa3: {  	[sflag:s23] =	ssyncset.done $0x0  }
0xa4: {  	s25 =	simm.s32 $0x1B8E;
	s24 =	sld [smem:$0x3FFE];
	[sflag:s23] =	ssyncadd.s32 $0xFFFFFFFF  }
0xa5: {  	s26 =	simm.s32 $execute0_lowered;
	[smem:$0x3FD2] =	sst s25  }
0xa6: {  	s4 =	sshll.u32 s26, $0x1;
	_ =	strace $0x8000004F;
	[dreg:$0x1] =	wrdreg $0xFFFFFFFF  }
0xa7: {  	s28 =	simm.s32 $_size_execute0_lowered;
	s2 =	sadd.s32 s2, s4;
	[dreg:$0x0] =	wrdreg $0x0  }
0xa8: {  	s4 =	sshll.u32 s28, $0x1;
	[dreg:$0x2] =	wrdreg s2  }
0xa9: {  	[dreg:$0x3] =	wrdreg s4  }
0xaa: {  	[dreg:$0x4] =	wrdreg $0xC0  }
0xab: {  	_ =	task [dreg:s6], $0x5FFFF  }
0xac: {  	[dreg:$0x1] =	wrdreg $0xFFFFFFFF  }
0xad: {  	[dreg:$0x0] =	wrdreg $0x60  }
0xae: {  	[dreg:$0x2] =	wrdreg s24  }
0xaf: {  	[dreg:$0x3] =	wrdreg $0x90000  }
0xb0: {  	[dreg:$0x4] =	wrdreg $0x9  }
0xb1: {  	_ =	task.clear_ibuf [dreg:s6], $0x5FFFF;
	_ =	strace $0x9000004F  }
0xb2: {  	s29 =	simm.s32 $0x9;
	_ =	strace $0x80000051  }
0xb3: {  	_ =	swait.ge [sflag:s29], $0x1  }
0xb4: {  	[sflag:s29] =	ssyncadd.s32 $0xFFFFFFFF  }
0xb5: {  	_ =	strace $0x90000051  }
0xb6: {  	_ =	sfence  }
0xb7: {  	s30 =	sld [smem:$0x0];
	_ =	sdelay $0x2  }
0xb8: {  	s31 =	sshll.u32 s1, $0xD;
	s1 =	sshrl.u32 s1, $0x2  }
0xb9: {  	s3 =	sand.u32 $0x4000, s31;
	s1 =	sadd.s32 s1, s30  }
0xba: {  	s0 =	sor.u32 s3, s0;
	s1 =	sshll.u32 s1, $0x11  }
0xbb: {  	s0 =	sor.u32 s1, s0  }
0xbc: {  	s0 =	sadd.s32 $0x8F2B, s0  }
0xbd: {  	[sflag:s0] =	ssyncadd.remote.s32 $0x1  }
0xbe: {  	_ =	sfence.sel $0xFFFF  }
0xbf: {  	[dreg:$0x0] =	wrdreg $0xFFFFFFFF;
	(pc) =	sbr.abs _section_cstart, $3  }
0xc0: {  	[dreg:$0x1] =	wrdreg $0xFFFFFFFF  }
0xc1: {  	_ =	task.clear_ibuf [dreg:s6], $0x2FFFF;
	_ =	strace $0x9FFFFFFF  }
0xc2: {  	(tm) =	ssettm $0x7FFFFFFF  }
0xc3: {  	_ =	shalt  }
tec
execute0_lowered:
.L_overlay_start_1:
0x0: {  	(tag) =	ssettag $0x1  }
0x1: {  	s8 =	rddreg [dreg:$0x0]  }
0x2: {  	s0 =	srdreg.scid;
	s2 =	rddreg [dreg:$0x1];
	s3 =	simm.s32 $0x0  }
0x3: {  	s18 =	simm.s32 $0x5000;
	s7 =	sand.u32 $0x1, s0;
	s0 =	stileid.u32  }
0x4: {  	s19 =	simm.s32 $0x1;
	s20 =	simm.s32 $0x0;
	s6 =	smul.u32 $0x500, s0  }
0x5: {  	[smem:$0x7FF] =	sst s3;
	s4 =	sadd.s32 $0x15E00, s8;
	s10 =	smul.u32 $0x2700, s0  }
0x6: {  	s14 =	sadd.s32 $0x8B200, s8;
	s16 =	sadd.s32 $0x138000, s2;
	s9 =	smul.u32 $0x4E000, s0  }
0x7: {  	s1 =	sshll.u32 s7, $0x4;
	s26 =	ssub.s32 $0x2, s7;
	s30 =	smul.u32 $0x138800, s7  }
0x8: {  	s29 =	sshll.u32 s0, $0x6;
	s17 =	smul.u32 $0x27100, s7;
	s7 =	sadd.s32 $0x8B000, s8  }
0x9: {  	p0 =	sne.s32 s0, $0xF;
	s1 =	sor.u32 s0, s1;
	s13 =	sshrl.u32 s26, $0x1  }
0xa: {  	s5 =	smul.u32 $0x500, s1;
	s1 =	rddreg [dreg:$0x2];
	_ =	strace $0x80000050  }
0xb: {  	s12 =	sadd.s32 s6, s8;
	s28 =	sadd.s32 s10, s8;
	s9 =	sshrl.u32 s9, $0x2  }
0xc: {  	s13 =	ssub.s32 s26, s13;
	s6 =	sor.u32 $0x1C02, s29;
	s31 =	sshrl.u32 s30, $0x3  }
0xd: {  	s10 =	sadd.s32 s10, s17;
	s17 =	simm.s32 $0x7D;
	s15 =	sadd.s32 s9, s2  }
0xe: {  	s9 =	sadd.s32 $0x10E00, s12;
	s10 =	sadd.s32 s14, s10;
	s12 =	smax.u32 s13, $0x1  }
0xf: {  	s11 =	sadd.s32 s5, s8;
	s5 =	sadd.s32 $0x64000, s28;
	s13 =	sshrl.u32 s15, $0x3  }
0x10: {  	s15 =	sshrl.u32 @!p0 s16, $0x3;
	s8 =	sadd.s32 $0x6E00, s11;
	s11 =	sadd.s32 s14, s31  }
0x11: {  	s16 =	simm.s32 $0x2800;
	s14 =	simm.s32 $0x2;
	s11 =	sadd.s32 $0x27000, s11  }
.LBB2_1:
0x12: {  	[spmem:s13], [sflag:s6] =	dma.local [hbm:s5], $0x2700  }
0x13: {  	_ =	swait.ge [sflag:s14], $0x2700  }
0x14: {  	[sflag:s14] =	ssyncset.done $0x0  }
0x15: {  	s21 =	simm.s32 @!p0 $0x2;
	[sflag:s14] =	ssyncadd.s32 $0xFFFFD900  }
0x16: {  	[spmem:s15], [sflag:s6] =	dma.local @!p0 [hbm:s7], $0x100  }
0x17: {  	_ =	swait.ge @!p0 [sflag:s21], $0x100  }
0x18: {  	[sflag:s21] =	ssyncset.done @!p0 $0x0  }
0x19: {  	[sflag:s21] =	ssyncadd.s32 @!p0 $0xFFFFFF00  }
0x1a: {  	[tilespmem:s3], [sflag:$0x2] =	stream.linear.gather [hbm4b:s8+s3], $0x2800, $0x38;
	[tilespmem:$0x1C880] =	vst v63  }
0x1b: {  	_ =	swait.ge [sflag:s14], $0x2800  }
0x1c: {  	[sflag:s14] =	ssyncset.done $0x0  }
0x1d: {  	[sflag:s14] =	ssyncadd.s32 $0xFFFFD800  }
0x1e: {  	[tilespmem:s16], [sflag:$0x2] =	stream.linear.gather [hbm4b:s9+s3], $0x2800, $0x38;
	[tilespmem:$0x1C880] =	vst v63  }
0x1f: {  	_ =	swait.ge [sflag:s14], $0x2800  }
0x20: {  	[sflag:s14] =	ssyncset.done $0x0  }
0x21: {  	[sflag:s14] =	ssyncadd.s32 $0xFFFFD800  }
0x22: {  	s30 =	simm.s32 $0x0;
	[bflag:$0x0] =	sbarrier.arrive $0xFFFF  }
0x23: {  	[tilespmem:s18], [sflag:$0x1] =	stream.indirect.gather [hbm4b:s4+s17], $0x80, s30, s17, $0xb8;
	[tilespmem:$0x1C880] =	vst v63  }
0x24: {  	_ =	swait.ge [sflag:s19], $0x3E80  }
0x25: {  	[sflag:s19] =	ssyncset.done $0x0  }
0x26: {  	s31 =	simm.s32 $0x2800;
	[sflag:s19] =	ssyncadd.s32 $0xFFFFC180  }
0x27: {  	[spmem:s2] =	stream.indirect.scatter.add.f32 [tilespmem:s18], [sflag:$0x2], $0x80, s31, s17, $0xb8;
	[tilespmem:$0x1C880] =	vst v63  }
0x28: {  	_ =	swait.ge [sflag:s14], $0x3E80  }
0x29: {  	s22 =	simm.s32 $0x400;
	s21 =	simm.s32 $0x200;
	[sflag:s14] =	ssyncset.done $0x0  }
.LBB2_2:
0x2a: {  	s23 =	sshra.s32 s21, $0x2  }
0x2b: {  	[sflag:s14] =	ssyncadd.s32 $0xFFFFC180;
	s21 =	smov.u32 s22;
	s24 =	sadd.s32 $0x200, s22  }
0x2c: {  	[tilespmem:s18], [sflag:$0x1] =	stream.indirect.gather [hbm4b:s4+s17], $0x80, s23, s17, $0xb8;
	[tilespmem:$0x1C880] =	vst v63  }
0x2d: {  	p1 =	sne.s32 s22, $0x9E00;
	_ =	swait.ge [sflag:s19], $0x3E80  }
.Ltmp0:
0x2e: {  	[sflag:s19] =	ssyncset.done $0x0;
	(pc) =	sbr.rel @p1 .LBB2_2-.Ltmp0, $4  }
0x2f: {  	s22 =	sadd.s32 $0x2800, s23;
	[sflag:s19] =	ssyncadd.s32 $0xFFFFC180  }
0x30: {  	[spmem:s2] =	stream.indirect.scatter.add.f32 [tilespmem:s18], [sflag:$0x2], $0x80, s22, s17, $0xb8;
	[tilespmem:$0x1C880] =	vst v63  }
0x31: {  	_ =	swait.ge [sflag:s14], $0x3E80  }
0x32: {  	s22 =	smov.u32 s24;
	[sflag:s14] =	ssyncset.done $0x0  }
0x33: {  	s21 =	sshra.s32 s21, $0x2;
	[sflag:s14] =	ssyncadd.s32 $0xFFFFC180  }
0x34: {  	[tilespmem:s18], [sflag:$0x1] =	stream.indirect.gather [hbm4b:s4+s17], $0x80, s21, s17, $0xb8;
	[tilespmem:$0x1C880] =	vst v63  }
0x35: {  	_ =	swait.ge [sflag:s19], $0x3E80  }
0x36: {  	[sflag:s19] =	ssyncset.done $0x0  }
0x37: {  	s21 =	sadd.s32 $0x2800, s21;
	[sflag:s19] =	ssyncadd.s32 $0xFFFFC180  }
0x38: {  	[spmem:s2] =	stream.indirect.scatter.add.f32 [tilespmem:s18], [sflag:$0x2], $0x80, s21, s17, $0xb8;
	[tilespmem:$0x1C880] =	vst v63  }
0x39: {  	_ =	swait.ge [sflag:s14], $0x3E80  }
0x3a: {  	[sflag:s14] =	ssyncset.done $0x0  }
0x3b: {  	[sflag:s14] =	ssyncadd.s32 $0xFFFFC180  }
0x3c: {  	[bflag:$0x0] =	sbarrier.arrive $0xFFFF  }
0x3d: {  	[hbm:s10], [sflag:s6] =	dma.local [spmem:s13], $0x2700  }
0x3e: {  	s20 =	sadd.s32 $0x1, s20;
	_ =	swait.ge [sflag:s14], $0x2700  }
0x3f: {  	p1 =	sne.s32 s20, s12;
	[sflag:s14] =	ssyncset.done $0x0  }
.Ltmp1:
0x40: {  	s21 =	simm.s32 @!p0 $0x2;
	[sflag:s14] =	ssyncadd.s32 $0xFFFFD900;
	(pc) =	sbr.rel @p1 .LBB2_1-.Ltmp1, $4  }
0x41: {  	[hbm:s11], [sflag:s6] =	dma.local @!p0 [spmem:s15], $0x100  }
0x42: {  	_ =	swait.ge @!p0 [sflag:s21], $0x100  }
0x43: {  	[sflag:s21] =	ssyncset.done @!p0 $0x0  }
0x44: {  	[sflag:s21] =	ssyncadd.s32 @!p0 $0xFFFFFF00  }
0x45: {  	_ =	sfence.sel $0x180000  }
0x46: {  	[bflag:$0x0] =	sbarrier.arrive $0xFFFF  }
0x47: {  	p0 =	sne.s32 s0, $0x0;
	_ =	strace $0x90000050  }
0x48: {  	s0 =	sadd.s32 @!p0 $0x100000, s1;
	[bflag:$0x2] =	sbarrier.arrive $0xFFFF  }
0x49: {  	[sflag:s0] =	ssyncadd.tile.s32 @!p0 $0x1;
	_ =	shalt  }
.Lfunc_end2:
_tile_overlayer_lowered:
.L_overlay_start_2:
0x4a: {  	(tag) =	ssettag $0x2  }
0x4b: {  	s0 =	rddreg [dreg:$0x0];
	s2 =	stileid.u32  }
0x4c: {  	s1 =	rddreg [dreg:$0x1];
	p0 =	sne.s32 s2, $0x0  }
0x4d: {  	s3 =	rddreg [dreg:$0x2];
	[bflag:$0x3] =	sbarrier.arrive $0xFFFF;
	s2 =	simm.s32 @!p0 $0x1C02  }
0x4e: {  	[timem:s3], [sflag:s2] =	dma.local @!p0 [hbm:s0], s1  }
0x4f: {  	s0 =	simm.s32 @!p0 $0x2  }
0x50: {  	_ =	swait.ge @!p0 [sflag:s0], s1  }
0x51: {  	s1 =	ssub.s32 @!p0 $0x0, s1;
	[sflag:s0] =	ssyncset.done @!p0 $0x0  }
0x52: {  	[sflag:s0] =	ssyncadd.s32 @!p0 s1  }
0x53: {  	[bflag:$0x3] =	sbarrier.arrive $0xFFFF  }
0x54: {  	_ =	shalt  }

</sc_bundles>
